<compile_context>
chip_gen: v7x
topology: tpu7x:2x2x1
jax: 0.10.2.dev20260603
libtpu: 0.0.44.dev20260713+nightly
codegen_flags: <defaults>
</compile_context>

<pallas_src>
import functools

import jax
import jax.numpy as jnp
from jax import lax
from jax.experimental import pallas as pl
from jax.experimental.pallas import tpu as pltpu, tpu_sc as plsc

N = 10000
D = 128
E = 320000

NC = 2
NS = 16
NW = NC * NS

EPT = E // NW
K = 128
FULL = EPT // K
TAIL = EPT - FULL * K
N_PAD = 10240
RPT = N_PAD // NS


def _sc_deg_body(ei_hbm, ones_hbm, zeros_hbm, deg_out, ring_v, ones_v, tail_v,
                 deg_sh, ss, i0, i1, i2, i3, i4, i5, i6, i7):
    c = lax.axis_index("c")
    s = lax.axis_index("s")
    base = (c * NS + s) * EPT
    rows = ei_hbm
    isems = (i0, i1, i2, i3, i4, i5, i6, i7)
    pltpu.sync_copy(zeros_hbm, deg_sh.at[pl.ds(s * RPT, RPT)])
    pltpu.sync_copy(ones_hbm, ones_v)
    for t in range(8):
        pltpu.async_copy(rows.at[pl.ds(base + t * K, K)],
                         ring_v.at[t], isems[t])
    plsc.subcore_barrier()

    def _group(g, slot0):
        for k in range(4):
            pltpu.make_async_copy(
                rows.at[pl.ds(base + (4 * g + k) * K, K)],
                ring_v.at[slot0 + k], isems[slot0 + k]).wait()
        for k in range(4):
            pltpu.async_copy(ones_v, deg_sh.at[ring_v.at[slot0 + k]], ss,
                             add=True)
        for k in range(4):
            pltpu.make_async_copy(ones_v, deg_sh.at[ring_v.at[slot0 + k]],
                                  ss).wait()
        for k in range(4):
            j2 = (g + 2) * 4 + k

            @pl.when(j2 < FULL)
            def _():
                pltpu.async_copy(rows.at[pl.ds(base + j2 * K, K)],
                                 ring_v.at[slot0 + k], isems[slot0 + k])

    def body(g2, carry):
        _group(2 * g2, 0)
        _group(2 * g2 + 1, 4)
        return carry

    lax.fori_loop(0, FULL // 8, body, 0)
    for j in range(FULL - 6, FULL):
        slot = j - (FULL - 6)
        pltpu.make_async_copy(rows.at[pl.ds(base + j * K, K)],
                              ring_v.at[slot], isems[slot]).wait()
        pltpu.async_copy(ones_v, deg_sh.at[ring_v.at[slot]], ss, add=True)
    for j in range(FULL - 6, FULL):
        slot = j - (FULL - 6)
        pltpu.make_async_copy(ones_v, deg_sh.at[ring_v.at[slot]], ss).wait()
    pltpu.sync_copy(rows.at[pl.ds(base + FULL * K, TAIL)], tail_v)
    pltpu.sync_copy(ones_v.at[pl.ds(0, TAIL)], deg_sh.at[tail_v], add=True)
    plsc.subcore_barrier()

    @pl.when(s == 0)
    def _():
        pltpu.sync_copy(deg_sh, deg_out.at[c])


def _sc_agg_body(y_hbm, ei_hbm, zeros_hbm, acc_out,
                 rring_v, cring_v, tailr_v, tailc_v, vals0_v, vals1_v, acc_sh,
                 gs0, gs1, rs0, rs1, rs2, rs3, cs0, cs1, cs2, cs3):
    c = lax.axis_index("c")
    s = lax.axis_index("s")
    rbase = (c * NS + s) * EPT
    cbase = E + rbase
    rows = ei_hbm
    vbufs = (vals0_v, vals1_v)
    gsems = (gs0, gs1)
    rsems = (rs0, rs1, rs2, rs3)
    csems = (cs0, cs1, cs2, cs3)
    pltpu.sync_copy(zeros_hbm, acc_sh.at[pl.ds(s * RPT, RPT), :])
    for t in range(4):
        pltpu.async_copy(rows.at[pl.ds(rbase + t * K, K)],
                         rring_v.at[t], rsems[t])
        pltpu.async_copy(ei_hbm.at[pl.ds(cbase + t * K, K)],
                         cring_v.at[t], csems[t])
    for t in range(2):
        pltpu.make_async_copy(rows.at[pl.ds(rbase + t * K, K)],
                              rring_v.at[t], rsems[t]).wait()
        pltpu.async_copy(y_hbm.at[rring_v.at[t]], vbufs[t], gsems[t])
    plsc.subcore_barrier()

    def body(j4, carry):
        for k in range(4):
            j = 4 * j4 + k
            buf, gsm = vbufs[k % 2], gsems[k % 2]
            pltpu.make_async_copy(y_hbm.at[rring_v.at[k]], buf, gsm).wait()

            @pl.when(j + 4 < FULL)
            def _():
                pltpu.async_copy(rows.at[pl.ds(rbase + (j + 4) * K, K)],
                                 rring_v.at[k], rsems[k])

            pltpu.make_async_copy(ei_hbm.at[pl.ds(cbase + j * K, K)],
                                  cring_v.at[k], csems[k]).wait()
            pltpu.sync_copy(buf, acc_sh.at[cring_v.at[k]], add=True)

            @pl.when(j + 4 < FULL)
            def _():
                pltpu.async_copy(ei_hbm.at[pl.ds(cbase + (j + 4) * K, K)],
                                 cring_v.at[k], csems[k])

            @pl.when(j + 2 < FULL)
            def _():
                pltpu.make_async_copy(
                    rows.at[pl.ds(rbase + (j + 2) * K, K)],
                    rring_v.at[(k + 2) % 4], rsems[(k + 2) % 4]).wait()
                pltpu.async_copy(y_hbm.at[rring_v.at[(k + 2) % 4]], buf, gsm)

        return carry

    lax.fori_loop(0, FULL // 4, body, 0)
    for j in (FULL - 2, FULL - 1):
        k = j % 4
        buf, gsm = vbufs[j % 2], gsems[j % 2]
        pltpu.make_async_copy(y_hbm.at[rring_v.at[k]], buf, gsm).wait()
        pltpu.make_async_copy(ei_hbm.at[pl.ds(cbase + j * K, K)],
                              cring_v.at[k], csems[k]).wait()
        pltpu.sync_copy(buf, acc_sh.at[cring_v.at[k]], add=True)
    pltpu.sync_copy(rows.at[pl.ds(rbase + FULL * K, TAIL)], tailr_v)
    pltpu.sync_copy(ei_hbm.at[pl.ds(cbase + FULL * K, TAIL)], tailc_v)
    pltpu.sync_copy(y_hbm.at[tailr_v], vals0_v.at[pl.ds(0, TAIL), :])
    pltpu.sync_copy(vals0_v.at[pl.ds(0, TAIL), :], acc_sh.at[tailc_v],
                    add=True)
    plsc.subcore_barrier()
    pltpu.sync_copy(acc_sh.at[pl.ds(s * RPT, RPT), :],
                    acc_out.at[c, pl.ds(s * RPT, RPT), :])


@functools.cache
def _build_sc_kernels():
    mesh = plsc.VectorSubcoreMesh(core_axis_name="c", subcore_axis_name="s",
                                  num_cores=NC, num_subcores=NS)
    sc_deg = pl.kernel(
        _sc_deg_body,
        mesh=mesh,
        out_type=jax.ShapeDtypeStruct((NC, N_PAD), jnp.float32),
        scratch_types=[
            pltpu.VMEM((8, K), jnp.int32),
            pltpu.VMEM((K,), jnp.float32),
            pltpu.VMEM((TAIL,), jnp.int32),
            pltpu.VMEM_SHARED((N_PAD,), jnp.float32),
        ] + [pltpu.SemaphoreType.DMA] * 9,
    )
    sc_agg = pl.kernel(
        _sc_agg_body,
        mesh=mesh,
        out_type=jax.ShapeDtypeStruct((NC, N_PAD, D), jnp.float32),
        scratch_types=[
            pltpu.VMEM((4, K), jnp.int32),
            pltpu.VMEM((4, K), jnp.int32),
            pltpu.VMEM((TAIL,), jnp.int32),
            pltpu.VMEM((TAIL,), jnp.int32),
            pltpu.VMEM((K, D), jnp.float32),
            pltpu.VMEM((K, D), jnp.float32),
            pltpu.VMEM_SHARED((N_PAD, D), jnp.float32),
        ] + [pltpu.SemaphoreType.DMA] * 10,
    )
    return sc_deg, sc_agg


def _tc_prep_body(degp_ref, x_ref, y_ref):
    dp = degp_ref[...]
    dsum = (dp[0:1, :] + dp[1:2, :]).reshape(N_PAD, 1)
    deg = (1.0 + dsum)[:N, :]
    y_ref[...] = lax.rsqrt(deg) * x_ref[...]


def _tc_post_body(acc_ref, degp_ref, x_ref, w_ref, b_ref, g_ref, bt_ref, o_ref):
    a = acc_ref[0, :, :] + acc_ref[1, :, :]
    a = a[:N, :]
    dp = degp_ref[...]
    dsum = (dp[0:1, :] + dp[1:2, :]).reshape(N_PAD, 1)
    deg = (1.0 + dsum)[:N, :]
    dis = lax.rsqrt(deg)
    x = x_ref[...]
    z = dis * a + (dis * dis) * x
    agg = lax.dot_general(z, w_ref[...], (((1,), (1,)), ((), ())),
                          preferred_element_type=jnp.float32)
    agg = agg + b_ref[...]
    mean = jnp.mean(agg, axis=0, keepdims=True)
    var = jnp.mean((agg - mean) ** 2, axis=0, keepdims=True)
    h = (agg - mean) * lax.rsqrt(var + 1e-5) * g_ref[...] + bt_ref[...]
    h = jnp.where(h >= 0, h, 0.1 * h)
    out = h + x
    o_ref[...] = jnp.where(out >= 0, out, 0.1 * out)


_tc_prep = pl.pallas_call(
    _tc_prep_body,
    out_shape=jax.ShapeDtypeStruct((N, D), jnp.float32),
)

_tc_post = pl.pallas_call(
    _tc_post_body,
    out_shape=jax.ShapeDtypeStruct((N, D), jnp.float32),
)


def kernel(x, W, b, bn_gamma, bn_beta, edge_index):
    ei1d = edge_index.astype(jnp.int32).reshape(2 * E)

    ones_k = jnp.ones((K,), jnp.float32)
    zeros_1d = jnp.zeros((RPT,), jnp.float32)
    zeros_2d = jnp.zeros((RPT, D), jnp.float32)

    sc_deg, sc_agg = _build_sc_kernels()
    deg_parts = sc_deg(ei1d, ones_k, zeros_1d)
    y = _tc_prep(deg_parts, x)
    acc_parts = sc_agg(y, ei1d, zeros_2d)
    return _tc_post(acc_parts, deg_parts, x,
                    W, b.reshape(1, D), bn_gamma.reshape(1, D),
                    bn_beta.reshape(1, D))

# --- scband reference (transcript-rebuilt; emitter-appended) ---
"""Pipeline reference for scband-residual-block-16810501996787 (READ-ONLY COPY).

The authoritative reference and input builder live on the scoring server;
editing this copy changes nothing except your own understanding.
"""

import jax, jax.numpy as jnp
import numpy as np

N_NODES = 10000
N_EDGES = 320000
D = 128


def leaky_relu(x, slope=0.1):
    return jnp.where(x >= 0, x, slope * x)


def setup_inputs(seed: int = 0) -> dict:
    key = jax.random.key(seed)
    k1, k2, k3, k4 = jax.random.split(key, 4)
    x = jax.random.normal(k1, (N_NODES, D), dtype=jnp.float32)
    edge_index = jax.random.randint(k2, (2, N_EDGES), 0, N_NODES, dtype=jnp.int64)
    # GCNConv lin weight (xavier-uniform-like) and bias
    limit = float(np.sqrt(6.0 / (D + D)))
    W = jax.random.uniform(k3, (D, D), minval=-limit, maxval=limit, dtype=jnp.float32)
    b = jnp.zeros((D,), dtype=jnp.float32)
    bn_gamma = jnp.ones((D,), dtype=jnp.float32)
    bn_beta = jnp.zeros((D,), dtype=jnp.float32)
    return {"x": x, "W": W, "b": b, "bn_gamma": bn_gamma, "bn_beta": bn_beta, "edge_index": edge_index}


def reference(x, W, b, bn_gamma, bn_beta, edge_index):
    N = x.shape[0]
    # shortcut is Identity since in_channels == out_channels
    residual = x
    # add self loops
    loops = jnp.arange(N, dtype=edge_index.dtype)
    ei = jnp.concatenate([edge_index, jnp.stack([loops, loops])], axis=1)
    row, col = ei[0], ei[1]
    # degree of source nodes (edge_index[0]) after self loops
    deg = jnp.zeros((N,), dtype=x.dtype).at[row].add(1.0)
    deg_inv_sqrt = jnp.where(deg > 0, deg ** -0.5, 0.0)
    norm = deg_inv_sqrt[row] * deg_inv_sqrt[col]
    # GCNConv: linear transform, normalized message passing, scatter-add at dst
    xl = x @ W.T
    msg = norm[:, None] * jnp.take(xl, row, axis=0)
    agg = jnp.zeros_like(xl).at[col].add(msg) + b
    # BatchNorm1d (training-mode batch statistics)
    mean = jnp.mean(agg, axis=0)
    var = jnp.var(agg, axis=0)
    h = (agg - mean) / jnp.sqrt(var + 1e-5) * bn_gamma + bn_beta
    h = leaky_relu(h, 0.1)
    # dropout is identity in eval / reference mode
    return leaky_relu(h + residual, 0.1)

if __name__ == "__main__":
    import jax
    _d = setup_inputs()
    print(jax.jit(kernel)(*tuple(_d.values())))

</pallas_src>

<mosaic_0001>
#map = affine_map<(d0, d1) -> (0)>
#map1 = affine_map<(d0, d1) -> (0, 0)>
module attributes {stable_mosaic.version = 14 : i64} {
  func.func @_sc_deg_body(%arg0: i32, %arg1: i32, %arg2: memref<640000xi32, #tpu.memory_space<hbm>>, %arg3: memref<128xf32, #tpu.memory_space<hbm>>, %arg4: memref<640xf32, #tpu.memory_space<hbm>>, %arg5: memref<2x10240xf32, #tpu.memory_space<hbm>>, %arg6: memref<8x128xi32, #tpu.memory_space<vmem>>, %arg7: memref<128xf32, #tpu.memory_space<vmem>>, %arg8: memref<16xi32, #tpu.memory_space<vmem>>, %arg9: memref<10240xf32, #tpu.memory_space<vmem_shared>>, %arg10: memref<!tpu.dma_semaphore, #tpu.memory_space<semaphore_mem>>, %arg11: memref<!tpu.dma_semaphore, #tpu.memory_space<semaphore_mem>>, %arg12: memref<!tpu.dma_semaphore, #tpu.memory_space<semaphore_mem>>, %arg13: memref<!tpu.dma_semaphore, #tpu.memory_space<semaphore_mem>>, %arg14: memref<!tpu.dma_semaphore, #tpu.memory_space<semaphore_mem>>, %arg15: memref<!tpu.dma_semaphore, #tpu.memory_space<semaphore_mem>>, %arg16: memref<!tpu.dma_semaphore, #tpu.memory_space<semaphore_mem>>, %arg17: memref<!tpu.dma_semaphore, #tpu.memory_space<semaphore_mem>>, %arg18: memref<!tpu.dma_semaphore, #tpu.memory_space<semaphore_mem>>) attributes {dimension_semantics = [#tpu.dimension_semantics<core_parallel>, #tpu.dimension_semantics<subcore_parallel>], iteration_bounds = array<i64: 2, 16>, scalar_prefetch = 0 : i64, scratch_operands = 13 : i64, tpu.core_type = #tpu.core_type<sc_vector_subcore>, window_params = [{transform_indices = #map}, {transform_indices = #map}, {transform_indices = #map}, {transform_indices = #map1}]} {
    %mul3A = arith.constant 16 : i32
    %mul3A_0 = arith.muli %arg0, %mul3A : i32
    %add3A = arith.addi %mul3A_0, %arg1 : i32
    %mul3A_1 = arith.constant 10000 : i32
    %mul3A_2 = arith.muli %add3A, %mul3A_1 : i32
    %mul3A_3 = arith.constant 640 : i32
    %mul3A_4 = arith.muli %arg1, %mul3A_3 : i32
    "tpu.region"() ({
      %run_scoped3A = tpu.sem_alloc : memref<!tpu.dma_semaphore, #tpu.memory_space<semaphore_mem>>
      %dma_start3A_239 = tpu.memref_slice %arg9[%mul3A_4] : memref<10240xf32, #tpu.memory_space<vmem_shared>> -> memref<640xf32, #tpu.memory_space<vmem_shared>>
      tpu.enqueue_dma source(%arg4 : memref<640xf32, #tpu.memory_space<hbm>>) target(%dma_start3A_239 : memref<640xf32, #tpu.memory_space<vmem_shared>>) target_semaphore(%run_scoped3A : memref<!tpu.dma_semaphore, #tpu.memory_space<semaphore_mem>>)
      %dma_wait3A_240 = tpu.memref_slice %arg9[%mul3A_4] : memref<10240xf32, #tpu.memory_space<vmem_shared>> -> memref<640xf32, #tpu.memory_space<vmem_shared>>
      tpu.wait_dma2 semaphore(%run_scoped3A : memref<!tpu.dma_semaphore, #tpu.memory_space<semaphore_mem>>) src(%arg4 : memref<640xf32, #tpu.memory_space<hbm>>) dst(%dma_wait3A_240 : memref<640xf32, #tpu.memory_space<vmem_shared>>)
      tpu.yield
    }) : () -> ()
    "tpu.region"() ({
      %run_scoped3A = tpu.sem_alloc : memref<!tpu.dma_semaphore, #tpu.memory_space<semaphore_mem>>
      tpu.enqueue_dma source(%arg3 : memref<128xf32, #tpu.memory_space<hbm>>) target(%arg7 : memref<128xf32, #tpu.memory_space<vmem>>) target_semaphore(%run_scoped3A : memref<!tpu.dma_semaphore, #tpu.memory_space<semaphore_mem>>)
      tpu.wait_dma2 semaphore(%run_scoped3A : memref<!tpu.dma_semaphore, #tpu.memory_space<semaphore_mem>>) src(%arg3 : memref<128xf32, #tpu.memory_space<hbm>>) dst(%arg7 : memref<128xf32, #tpu.memory_space<vmem>>)
      tpu.yield
    }) : () -> ()
    %add3A_5 = arith.constant 0 : i32
    %add3A_6 = arith.addi %mul3A_2, %add3A_5 : i32
    %dma_start3A = arith.constant 0 : i32
    %dma_start3A_7 = arith.constant 0 : i32
    %dma_start3A_8 = tpu.memref_slice %arg6[%dma_start3A, %dma_start3A_7] : memref<8x128xi32, #tpu.memory_space<vmem>> -> memref<1x128xi32, #tpu.memory_space<vmem>>
    %dma_start3A_9 = tpu.memref_squeeze %dma_start3A_8 : memref<1x128xi32, #tpu.memory_space<vmem>> -> memref<128xi32, #tpu.memory_space<vmem>>
    %dma_start3A_10 = tpu.memref_slice %arg2[%add3A_6] : memref<640000xi32, #tpu.memory_space<hbm>> -> memref<128xi32, #tpu.memory_space<hbm>>
    %dma_start3A_11 = arith.constant 0 : i32
    %dma_start3A_12 = tpu.memref_slice %arg6[%dma_start3A, %dma_start3A_11] : memref<8x128xi32, #tpu.memory_space<vmem>> -> memref<1x128xi32, #tpu.memory_space<vmem>>
    %dma_start3A_13 = tpu.memref_squeeze %dma_start3A_12 : memref<1x128xi32, #tpu.memory_space<vmem>> -> memref<128xi32, #tpu.memory_space<vmem>>
    %dma_start3A_14 = tpu.memref_slice %arg2[%add3A_6] : memref<640000xi32, #tpu.memory_space<hbm>> -> memref<128xi32, #tpu.memory_space<hbm>>
    tpu.enqueue_dma source(%dma_start3A_14 : memref<128xi32, #tpu.memory_space<hbm>>) target(%dma_start3A_13 : memref<128xi32, #tpu.memory_space<vmem>>) target_semaphore(%arg11 : memref<!tpu.dma_semaphore, #tpu.memory_space<semaphore_mem>>)
    %add3A_15 = arith.constant 128 : i32
    %add3A_16 = arith.addi %mul3A_2, %add3A_15 : i32
    %dma_start3A_17 = arith.constant 1 : i32
    %dma_start3A_18 = arith.constant 0 : i32
    %dma_start3A_19 = tpu.memref_slice %arg6[%dma_start3A_17, %dma_start3A_18] : memref<8x128xi32, #tpu.memory_space<vmem>> -> memref<1x128xi32, #tpu.memory_space<vmem>>
    %dma_start3A_20 = tpu.memref_squeeze %dma_start3A_19 : memref<1x128xi32, #tpu.memory_space<vmem>> -> memref<128xi32, #tpu.memory_space<vmem>>
    %dma_start3A_21 = tpu.memref_slice %arg2[%add3A_16] : memref<640000xi32, #tpu.memory_space<hbm>> -> memref<128xi32, #tpu.memory_space<hbm>>
    %dma_start3A_22 = arith.constant 0 : i32
    %dma_start3A_23 = tpu.memref_slice %arg6[%dma_start3A_17, %dma_start3A_22] : memref<8x128xi32, #tpu.memory_space<vmem>> -> memref<1x128xi32, #tpu.memory_space<vmem>>
    %dma_start3A_24 = tpu.memref_squeeze %dma_start3A_23 : memref<1x128xi32, #tpu.memory_space<vmem>> -> memref<128xi32, #tpu.memory_space<vmem>>
    %dma_start3A_25 = tpu.memref_slice %arg2[%add3A_16] : memref<640000xi32, #tpu.memory_space<hbm>> -> memref<128xi32, #tpu.memory_space<hbm>>
    tpu.enqueue_dma source(%dma_start3A_25 : memref<128xi32, #tpu.memory_space<hbm>>) target(%dma_start3A_24 : memref<128xi32, #tpu.memory_space<vmem>>) target_semaphore(%arg12 : memref<!tpu.dma_semaphore, #tpu.memory_space<semaphore_mem>>)
    %add3A_26 = arith.constant 256 : i32
    %add3A_27 = arith.addi %mul3A_2, %add3A_26 : i32
    %dma_start3A_28 = arith.constant 2 : i32
    %dma_start3A_29 = arith.constant 0 : i32
    %dma_start3A_30 = tpu.memref_slice %arg6[%dma_start3A_28, %dma_start3A_29] : memref<8x128xi32, #tpu.memory_space<vmem>> -> memref<1x128xi32, #tpu.memory_space<vmem>>
    %dma_start3A_31 = tpu.memref_squeeze %dma_start3A_30 : memref<1x128xi32, #tpu.memory_space<vmem>> -> memref<128xi32, #tpu.memory_space<vmem>>
    %dma_start3A_32 = tpu.memref_slice %arg2[%add3A_27] : memref<640000xi32, #tpu.memory_space<hbm>> -> memref<128xi32, #tpu.memory_space<hbm>>
    %dma_start3A_33 = arith.constant 0 : i32
    %dma_start3A_34 = tpu.memref_slice %arg6[%dma_start3A_28, %dma_start3A_33] : memref<8x128xi32, #tpu.memory_space<vmem>> -> memref<1x128xi32, #tpu.memory_space<vmem>>
    %dma_start3A_35 = tpu.memref_squeeze %dma_start3A_34 : memref<1x128xi32, #tpu.memory_space<vmem>> -> memref<128xi32, #tpu.memory_space<vmem>>
    %dma_start3A_36 = tpu.memref_slice %arg2[%add3A_27] : memref<640000xi32, #tpu.memory_space<hbm>> -> memref<128xi32, #tpu.memory_space<hbm>>
    tpu.enqueue_dma source(%dma_start3A_36 : memref<128xi32, #tpu.memory_space<hbm>>) target(%dma_start3A_35 : memref<128xi32, #tpu.memory_space<vmem>>) target_semaphore(%arg13 : memref<!tpu.dma_semaphore, #tpu.memory_space<semaphore_mem>>)
    %add3A_37 = arith.constant 384 : i32
    %add3A_38 = arith.addi %mul3A_2, %add3A_37 : i32
    %dma_start3A_39 = arith.constant 3 : i32
    %dma_start3A_40 = arith.constant 0 : i32
    %dma_start3A_41 = tpu.memref_slice %arg6[%dma_start3A_39, %dma_start3A_40] : memref<8x128xi32, #tpu.memory_space<vmem>> -> memref<1x128xi32, #tpu.memory_space<vmem>>
    %dma_start3A_42 = tpu.memref_squeeze %dma_start3A_41 : memref<1x128xi32, #tpu.memory_space<vmem>> -> memref<128xi32, #tpu.memory_space<vmem>>
    %dma_start3A_43 = tpu.memref_slice %arg2[%add3A_38] : memref<640000xi32, #tpu.memory_space<hbm>> -> memref<128xi32, #tpu.memory_space<hbm>>
    %dma_start3A_44 = arith.constant 0 : i32
    %dma_start3A_45 = tpu.memref_slice %arg6[%dma_start3A_39, %dma_start3A_44] : memref<8x128xi32, #tpu.memory_space<vmem>> -> memref<1x128xi32, #tpu.memory_space<vmem>>
    %dma_start3A_46 = tpu.memref_squeeze %dma_start3A_45 : memref<1x128xi32, #tpu.memory_space<vmem>> -> memref<128xi32, #tpu.memory_space<vmem>>
    %dma_start3A_47 = tpu.memref_slice %arg2[%add3A_38] : memref<640000xi32, #tpu.memory_space<hbm>> -> memref<128xi32, #tpu.memory_space<hbm>>
    tpu.enqueue_dma source(%dma_start3A_47 : memref<128xi32, #tpu.memory_space<hbm>>) target(%dma_start3A_46 : memref<128xi32, #tpu.memory_space<vmem>>) target_semaphore(%arg14 : memref<!tpu.dma_semaphore, #tpu.memory_space<semaphore_mem>>)
    %add3A_48 = arith.constant 512 : i32
    %add3A_49 = arith.addi %mul3A_2, %add3A_48 : i32
    %dma_start3A_50 = arith.constant 4 : i32
    %dma_start3A_51 = arith.constant 0 : i32
    %dma_start3A_52 = tpu.memref_slice %arg6[%dma_start3A_50, %dma_start3A_51] : memref<8x128xi32, #tpu.memory_space<vmem>> -> memref<1x128xi32, #tpu.memory_space<vmem>>
    %dma_start3A_53 = tpu.memref_squeeze %dma_start3A_52 : memref<1x128xi32, #tpu.memory_space<vmem>> -> memref<128xi32, #tpu.memory_space<vmem>>
    %dma_start3A_54 = tpu.memref_slice %arg2[%add3A_49] : memref<640000xi32, #tpu.memory_space<hbm>> -> memref<128xi32, #tpu.memory_space<hbm>>
    %dma_start3A_55 = arith.constant 0 : i32
    %dma_start3A_56 = tpu.memref_slice %arg6[%dma_start3A_50, %dma_start3A_55] : memref<8x128xi32, #tpu.memory_space<vmem>> -> memref<1x128xi32, #tpu.memory_space<vmem>>
    %dma_start3A_57 = tpu.memref_squeeze %dma_start3A_56 : memref<1x128xi32, #tpu.memory_space<vmem>> -> memref<128xi32, #tpu.memory_space<vmem>>
    %dma_start3A_58 = tpu.memref_slice %arg2[%add3A_49] : memref<640000xi32, #tpu.memory_space<hbm>> -> memref<128xi32, #tpu.memory_space<hbm>>
    tpu.enqueue_dma source(%dma_start3A_58 : memref<128xi32, #tpu.memory_space<hbm>>) target(%dma_start3A_57 : memref<128xi32, #tpu.memory_space<vmem>>) target_semaphore(%arg15 : memref<!tpu.dma_semaphore, #tpu.memory_space<semaphore_mem>>)
    %add3A_59 = arith.constant 640 : i32
    %add3A_60 = arith.addi %mul3A_2, %add3A_59 : i32
    %dma_start3A_61 = arith.constant 5 : i32
    %dma_start3A_62 = arith.constant 0 : i32
    %dma_start3A_63 = tpu.memref_slice %arg6[%dma_start3A_61, %dma_start3A_62] : memref<8x128xi32, #tpu.memory_space<vmem>> -> memref<1x128xi32, #tpu.memory_space<vmem>>
    %dma_start3A_64 = tpu.memref_squeeze %dma_start3A_63 : memref<1x128xi32, #tpu.memory_space<vmem>> -> memref<128xi32, #tpu.memory_space<vmem>>
    %dma_start3A_65 = tpu.memref_slice %arg2[%add3A_60] : memref<640000xi32, #tpu.memory_space<hbm>> -> memref<128xi32, #tpu.memory_space<hbm>>
    %dma_start3A_66 = arith.constant 0 : i32
    %dma_start3A_67 = tpu.memref_slice %arg6[%dma_start3A_61, %dma_start3A_66] : memref<8x128xi32, #tpu.memory_space<vmem>> -> memref<1x128xi32, #tpu.memory_space<vmem>>
    %dma_start3A_68 = tpu.memref_squeeze %dma_start3A_67 : memref<1x128xi32, #tpu.memory_space<vmem>> -> memref<128xi32, #tpu.memory_space<vmem>>
    %dma_start3A_69 = tpu.memref_slice %arg2[%add3A_60] : memref<640000xi32, #tpu.memory_space<hbm>> -> memref<128xi32, #tpu.memory_space<hbm>>
    tpu.enqueue_dma source(%dma_start3A_69 : memref<128xi32, #tpu.memory_space<hbm>>) target(%dma_start3A_68 : memref<128xi32, #tpu.memory_space<vmem>>) target_semaphore(%arg16 : memref<!tpu.dma_semaphore, #tpu.memory_space<semaphore_mem>>)
    %add3A_70 = arith.constant 768 : i32
    %add3A_71 = arith.addi %mul3A_2, %add3A_70 : i32
    %dma_start3A_72 = arith.constant 6 : i32
    %dma_start3A_73 = arith.constant 0 : i32
    %dma_start3A_74 = tpu.memref_slice %arg6[%dma_start3A_72, %dma_start3A_73] : memref<8x128xi32, #tpu.memory_space<vmem>> -> memref<1x128xi32, #tpu.memory_space<vmem>>
    %dma_start3A_75 = tpu.memref_squeeze %dma_start3A_74 : memref<1x128xi32, #tpu.memory_space<vmem>> -> memref<128xi32, #tpu.memory_space<vmem>>
    %dma_start3A_76 = tpu.memref_slice %arg2[%add3A_71] : memref<640000xi32, #tpu.memory_space<hbm>> -> memref<128xi32, #tpu.memory_space<hbm>>
    %dma_start3A_77 = arith.constant 0 : i32
    %dma_start3A_78 = tpu.memref_slice %arg6[%dma_start3A_72, %dma_start3A_77] : memref<8x128xi32, #tpu.memory_space<vmem>> -> memref<1x128xi32, #tpu.memory_space<vmem>>
    %dma_start3A_79 = tpu.memref_squeeze %dma_start3A_78 : memref<1x128xi32, #tpu.memory_space<vmem>> -> memref<128xi32, #tpu.memory_space<vmem>>
    %dma_start3A_80 = tpu.memref_slice %arg2[%add3A_71] : memref<640000xi32, #tpu.memory_space<hbm>> -> memref<128xi32, #tpu.memory_space<hbm>>
    tpu.enqueue_dma source(%dma_start3A_80 : memref<128xi32, #tpu.memory_space<hbm>>) target(%dma_start3A_79 : memref<128xi32, #tpu.memory_space<vmem>>) target_semaphore(%arg17 : memref<!tpu.dma_semaphore, #tpu.memory_space<semaphore_mem>>)
    %add3A_81 = arith.constant 896 : i32
    %add3A_82 = arith.addi %mul3A_2, %add3A_81 : i32
    %dma_start3A_83 = arith.constant 7 : i32
    %dma_start3A_84 = arith.constant 0 : i32
    %dma_start3A_85 = tpu.memref_slice %arg6[%dma_start3A_83, %dma_start3A_84] : memref<8x128xi32, #tpu.memory_space<vmem>> -> memref<1x128xi32, #tpu.memory_space<vmem>>
    %dma_start3A_86 = tpu.memref_squeeze %dma_start3A_85 : memref<1x128xi32, #tpu.memory_space<vmem>> -> memref<128xi32, #tpu.memory_space<vmem>>
    %dma_start3A_87 = tpu.memref_slice %arg2[%add3A_82] : memref<640000xi32, #tpu.memory_space<hbm>> -> memref<128xi32, #tpu.memory_space<hbm>>
    %dma_start3A_88 = arith.constant 0 : i32
    %dma_start3A_89 = tpu.memref_slice %arg6[%dma_start3A_83, %dma_start3A_88] : memref<8x128xi32, #tpu.memory_space<vmem>> -> memref<1x128xi32, #tpu.memory_space<vmem>>
    %dma_start3A_90 = tpu.memref_squeeze %dma_start3A_89 : memref<1x128xi32, #tpu.memory_space<vmem>> -> memref<128xi32, #tpu.memory_space<vmem>>
    %dma_start3A_91 = tpu.memref_slice %arg2[%add3A_82] : memref<640000xi32, #tpu.memory_space<hbm>> -> memref<128xi32, #tpu.memory_space<hbm>>
    tpu.enqueue_dma source(%dma_start3A_91 : memref<128xi32, #tpu.memory_space<hbm>>) target(%dma_start3A_90 : memref<128xi32, #tpu.memory_space<vmem>>) target_semaphore(%arg18 : memref<!tpu.dma_semaphore, #tpu.memory_space<semaphore_mem>>)
    %barrier3A = arith.constant 0 : index
    tpu.barrier barrier_id(%barrier3A)
    %scan3A = arith.constant 0 : i32
    %scan3A_92 = arith.constant 0 : i32
    %scan3A_93 = arith.constant 9 : i32
    %scan3A_94 = arith.addi %scan3A_92, %scan3A_93 : i32
    %scan3A_95 = arith.constant 1 : i32
    scf.for %scan3A_239 = %scan3A_92 to %scan3A_94 step %scan3A_95  : i32 {
      %mul3A_240 = arith.constant 2 : i32
      %mul3A_241 = arith.muli %mul3A_240, %scan3A_239 : i32
      %mul3A_242 = arith.constant 4 : i32
      %mul3A_243 = arith.muli %mul3A_242, %mul3A_241 : i32
      %add3A_244 = arith.constant 0 : i32
      %add3A_245 = arith.addi %mul3A_243, %add3A_244 : i32
      %mul3A_246 = arith.constant 128 : i32
      %mul3A_247 = arith.muli %add3A_245, %mul3A_246 : i32
      %add3A_248 = arith.addi %mul3A_2, %mul3A_247 : i32
      %dma_wait3A_249 = arith.constant 0 : i32
      %dma_wait3A_250 = arith.constant 0 : i32
      %dma_wait3A_251 = tpu.memref_slice %arg6[%dma_wait3A_249, %dma_wait3A_250] : memref<8x128xi32, #tpu.memory_space<vmem>> -> memref<1x128xi32, #tpu.memory_space<vmem>>
      %dma_wait3A_252 = tpu.memref_squeeze %dma_wait3A_251 : memref<1x128xi32, #tpu.memory_space<vmem>> -> memref<128xi32, #tpu.memory_space<vmem>>
      %dma_wait3A_253 = tpu.memref_slice %arg2[%add3A_248] : memref<640000xi32, #tpu.memory_space<hbm>> -> memref<128xi32, #tpu.memory_space<hbm>>
      %dma_wait3A_254 = arith.constant 0 : i32
      %dma_wait3A_255 = tpu.memref_slice %arg6[%dma_wait3A_249, %dma_wait3A_254] : memref<8x128xi32, #tpu.memory_space<vmem>> -> memref<1x128xi32, #tpu.memory_space<vmem>>
      %dma_wait3A_256 = tpu.memref_squeeze %dma_wait3A_255 : memref<1x128xi32, #tpu.memory_space<vmem>> -> memref<128xi32, #tpu.memory_space<vmem>>
      %dma_wait3A_257 = tpu.memref_slice %arg2[%add3A_248] : memref<640000xi32, #tpu.memory_space<hbm>> -> memref<128xi32, #tpu.memory_space<hbm>>
      tpu.wait_dma2 semaphore(%arg11 : memref<!tpu.dma_semaphore, #tpu.memory_space<semaphore_mem>>) src(%dma_wait3A_257 : memref<128xi32, #tpu.memory_space<hbm>>) dst(%dma_wait3A_256 : memref<128xi32, #tpu.memory_space<vmem>>)
      %mul3A_258 = arith.constant 4 : i32
      %mul3A_259 = arith.muli %mul3A_258, %mul3A_241 : i32
      %add3A_260 = arith.constant 1 : i32
      %add3A_261 = arith.addi %mul3A_259, %add3A_260 : i32
      %mul3A_262 = arith.constant 128 : i32
      %mul3A_263 = arith.muli %add3A_261, %mul3A_262 : i32
      %add3A_264 = arith.addi %mul3A_2, %mul3A_263 : i32
      %dma_wait3A_265 = arith.constant 1 : i32
      %dma_wait3A_266 = arith.constant 0 : i32
      %dma_wait3A_267 = tpu.memref_slice %arg6[%dma_wait3A_265, %dma_wait3A_266] : memref<8x128xi32, #tpu.memory_space<vmem>> -> memref<1x128xi32, #tpu.memory_space<vmem>>
      %dma_wait3A_268 = tpu.memref_squeeze %dma_wait3A_267 : memref<1x128xi32, #tpu.memory_space<vmem>> -> memref<128xi32, #tpu.memory_space<vmem>>
      %dma_wait3A_269 = tpu.memref_slice %arg2[%add3A_264] : memref<640000xi32, #tpu.memory_space<hbm>> -> memref<128xi32, #tpu.memory_space<hbm>>
      %dma_wait3A_270 = arith.constant 0 : i32
      %dma_wait3A_271 = tpu.memref_slice %arg6[%dma_wait3A_265, %dma_wait3A_270] : memref<8x128xi32, #tpu.memory_space<vmem>> -> memref<1x128xi32, #tpu.memory_space<vmem>>
      %dma_wait3A_272 = tpu.memref_squeeze %dma_wait3A_271 : memref<1x128xi32, #tpu.memory_space<vmem>> -> memref<128xi32, #tpu.memory_space<vmem>>
      %dma_wait3A_273 = tpu.memref_slice %arg2[%add3A_264] : memref<640000xi32, #tpu.memory_space<hbm>> -> memref<128xi32, #tpu.memory_space<hbm>>
      tpu.wait_dma2 semaphore(%arg12 : memref<!tpu.dma_semaphore, #tpu.memory_space<semaphore_mem>>) src(%dma_wait3A_273 : memref<128xi32, #tpu.memory_space<hbm>>) dst(%dma_wait3A_272 : memref<128xi32, #tpu.memory_space<vmem>>)
      %mul3A_274 = arith.constant 4 : i32
      %mul3A_275 = arith.muli %mul3A_274, %mul3A_241 : i32
      %add3A_276 = arith.constant 2 : i32
      %add3A_277 = arith.addi %mul3A_275, %add3A_276 : i32
      %mul3A_278 = arith.constant 128 : i32
      %mul3A_279 = arith.muli %add3A_277, %mul3A_278 : i32
      %add3A_280 = arith.addi %mul3A_2, %mul3A_279 : i32
      %dma_wait3A_281 = arith.constant 2 : i32
      %dma_wait3A_282 = arith.constant 0 : i32
      %dma_wait3A_283 = tpu.memref_slice %arg6[%dma_wait3A_281, %dma_wait3A_282] : memref<8x128xi32, #tpu.memory_space<vmem>> -> memref<1x128xi32, #tpu.memory_space<vmem>>
      %dma_wait3A_284 = tpu.memref_squeeze %dma_wait3A_283 : memref<1x128xi32, #tpu.memory_space<vmem>> -> memref<128xi32, #tpu.memory_space<vmem>>
      %dma_wait3A_285 = tpu.memref_slice %arg2[%add3A_280] : memref<640000xi32, #tpu.memory_space<hbm>> -> memref<128xi32, #tpu.memory_space<hbm>>
      %dma_wait3A_286 = arith.constant 0 : i32
      %dma_wait3A_287 = tpu.memref_slice %arg6[%dma_wait3A_281, %dma_wait3A_286] : memref<8x128xi32, #tpu.memory_space<vmem>> -> memref<1x128xi32, #tpu.memory_space<vmem>>
      %dma_wait3A_288 = tpu.memref_squeeze %dma_wait3A_287 : memref<1x128xi32, #tpu.memory_space<vmem>> -> memref<128xi32, #tpu.memory_space<vmem>>
      %dma_wait3A_289 = tpu.memref_slice %arg2[%add3A_280] : memref<640000xi32, #tpu.memory_space<hbm>> -> memref<128xi32, #tpu.memory_space<hbm>>
      tpu.wait_dma2 semaphore(%arg13 : memref<!tpu.dma_semaphore, #tpu.memory_space<semaphore_mem>>) src(%dma_wait3A_289 : memref<128xi32, #tpu.memory_space<hbm>>) dst(%dma_wait3A_288 : memref<128xi32, #tpu.memory_space<vmem>>)
      %mul3A_290 = arith.constant 4 : i32
      %mul3A_291 = arith.muli %mul3A_290, %mul3A_241 : i32
      %add3A_292 = arith.constant 3 : i32
      %add3A_293 = arith.addi %mul3A_291, %add3A_292 : i32
      %mul3A_294 = arith.constant 128 : i32
      %mul3A_295 = arith.muli %add3A_293, %mul3A_294 : i32
      %add3A_296 = arith.addi %mul3A_2, %mul3A_295 : i32
      %dma_wait3A_297 = arith.constant 3 : i32
      %dma_wait3A_298 = arith.constant 0 : i32
      %dma_wait3A_299 = tpu.memref_slice %arg6[%dma_wait3A_297, %dma_wait3A_298] : memref<8x128xi32, #tpu.memory_space<vmem>> -> memref<1x128xi32, #tpu.memory_space<vmem>>
      %dma_wait3A_300 = tpu.memref_squeeze %dma_wait3A_299 : memref<1x128xi32, #tpu.memory_space<vmem>> -> memref<128xi32, #tpu.memory_space<vmem>>
      %dma_wait3A_301 = tpu.memref_slice %arg2[%add3A_296] : memref<640000xi32, #tpu.memory_space<hbm>> -> memref<128xi32, #tpu.memory_space<hbm>>
      %dma_wait3A_302 = arith.constant 0 : i32
      %dma_wait3A_303 = tpu.memref_slice %arg6[%dma_wait3A_297, %dma_wait3A_302] : memref<8x128xi32, #tpu.memory_space<vmem>> -> memref<1x128xi32, #tpu.memory_space<vmem>>
      %dma_wait3A_304 = tpu.memref_squeeze %dma_wait3A_303 : memref<1x128xi32, #tpu.memory_space<vmem>> -> memref<128xi32, #tpu.memory_space<vmem>>
      %dma_wait3A_305 = tpu.memref_slice %arg2[%add3A_296] : memref<640000xi32, #tpu.memory_space<hbm>> -> memref<128xi32, #tpu.memory_space<hbm>>
      tpu.wait_dma2 semaphore(%arg14 : memref<!tpu.dma_semaphore, #tpu.memory_space<semaphore_mem>>) src(%dma_wait3A_305 : memref<128xi32, #tpu.memory_space<hbm>>) dst(%dma_wait3A_304 : memref<128xi32, #tpu.memory_space<vmem>>)
      %dma_start3A_306 = arith.constant 0 : i32
      %dma_start3A_307 = arith.constant 0 : i32
      %dma_start3A_308 = tpu.memref_slice %arg6[%dma_start3A_306, %dma_start3A_307] : memref<8x128xi32, #tpu.memory_space<vmem>> -> memref<1x128xi32, #tpu.memory_space<vmem>>
      %dma_start3A_309 = tpu.memref_squeeze %dma_start3A_308 : memref<1x128xi32, #tpu.memory_space<vmem>> -> memref<128xi32, #tpu.memory_space<vmem>>
      %dma_start3A_310 = arith.constant 0 : i32
      %dma_start3A_311 = tpu.memref_slice %arg9[%dma_start3A_310] : memref<10240xf32, #tpu.memory_space<vmem_shared>> -> memref<10240xf32, #tpu.memory_space<vmem_shared>>
      tpu.enqueue_indirect_dma source(%arg7 : memref<128xf32, #tpu.memory_space<vmem>>) target(%dma_start3A_311 : memref<10240xf32, #tpu.memory_space<vmem_shared>>) offsets(%dma_start3A_309 : memref<128xi32, #tpu.memory_space<vmem>>) semaphore(%arg10 : memref<!tpu.dma_semaphore, #tpu.memory_space<semaphore_mem>>) {add = true}
      %dma_start3A_312 = arith.constant 1 : i32
      %dma_start3A_313 = arith.constant 0 : i32
      %dma_start3A_314 = tpu.memref_slice %arg6[%dma_start3A_312, %dma_start3A_313] : memref<8x128xi32, #tpu.memory_space<vmem>> -> memref<1x128xi32, #tpu.memory_space<vmem>>
      %dma_start3A_315 = tpu.memref_squeeze %dma_start3A_314 : memref<1x128xi32, #tpu.memory_space<vmem>> -> memref<128xi32, #tpu.memory_space<vmem>>
      %dma_start3A_316 = arith.constant 0 : i32
      %dma_start3A_317 = tpu.memref_slice %arg9[%dma_start3A_316] : memref<10240xf32, #tpu.memory_space<vmem_shared>> -> memref<10240xf32, #tpu.memory_space<vmem_shared>>
      tpu.enqueue_indirect_dma source(%arg7 : memref<128xf32, #tpu.memory_space<vmem>>) target(%dma_start3A_317 : memref<10240xf32, #tpu.memory_space<vmem_shared>>) offsets(%dma_start3A_315 : memref<128xi32, #tpu.memory_space<vmem>>) semaphore(%arg10 : memref<!tpu.dma_semaphore, #tpu.memory_space<semaphore_mem>>) {add = true}
      %dma_start3A_318 = arith.constant 2 : i32
      %dma_start3A_319 = arith.constant 0 : i32
      %dma_start3A_320 = tpu.memref_slice %arg6[%dma_start3A_318, %dma_start3A_319] : memref<8x128xi32, #tpu.memory_space<vmem>> -> memref<1x128xi32, #tpu.memory_space<vmem>>
      %dma_start3A_321 = tpu.memref_squeeze %dma_start3A_320 : memref<1x128xi32, #tpu.memory_space<vmem>> -> memref<128xi32, #tpu.memory_space<vmem>>
      %dma_start3A_322 = arith.constant 0 : i32
      %dma_start3A_323 = tpu.memref_slice %arg9[%dma_start3A_322] : memref<10240xf32, #tpu.memory_space<vmem_shared>> -> memref<10240xf32, #tpu.memory_space<vmem_shared>>
      tpu.enqueue_indirect_dma source(%arg7 : memref<128xf32, #tpu.memory_space<vmem>>) target(%dma_start3A_323 : memref<10240xf32, #tpu.memory_space<vmem_shared>>) offsets(%dma_start3A_321 : memref<128xi32, #tpu.memory_space<vmem>>) semaphore(%arg10 : memref<!tpu.dma_semaphore, #tpu.memory_space<semaphore_mem>>) {add = true}
      %dma_start3A_324 = arith.constant 3 : i32
      %dma_start3A_325 = arith.constant 0 : i32
      %dma_start3A_326 = tpu.memref_slice %arg6[%dma_start3A_324, %dma_start3A_325] : memref<8x128xi32, #tpu.memory_space<vmem>> -> memref<1x128xi32, #tpu.memory_space<vmem>>
      %dma_start3A_327 = tpu.memref_squeeze %dma_start3A_326 : memref<1x128xi32, #tpu.memory_space<vmem>> -> memref<128xi32, #tpu.memory_space<vmem>>
      %dma_start3A_328 = arith.constant 0 : i32
      %dma_start3A_329 = tpu.memref_slice %arg9[%dma_start3A_328] : memref<10240xf32, #tpu.memory_space<vmem_shared>> -> memref<10240xf32, #tpu.memory_space<vmem_shared>>
      tpu.enqueue_indirect_dma source(%arg7 : memref<128xf32, #tpu.memory_space<vmem>>) target(%dma_start3A_329 : memref<10240xf32, #tpu.memory_space<vmem_shared>>) offsets(%dma_start3A_327 : memref<128xi32, #tpu.memory_space<vmem>>) semaphore(%arg10 : memref<!tpu.dma_semaphore, #tpu.memory_space<semaphore_mem>>) {add = true}
      %dma_wait3A_330 = arith.constant 0 : i32
      %dma_wait3A_331 = arith.constant 0 : i32
      %dma_wait3A_332 = tpu.memref_slice %arg6[%dma_wait3A_330, %dma_wait3A_331] : memref<8x128xi32, #tpu.memory_space<vmem>> -> memref<1x128xi32, #tpu.memory_space<vmem>>
      %dma_wait3A_333 = tpu.memref_squeeze %dma_wait3A_332 : memref<1x128xi32, #tpu.memory_space<vmem>> -> memref<128xi32, #tpu.memory_space<vmem>>
      %dma_wait3A_334 = arith.constant 0 : i32
      %dma_wait3A_335 = tpu.memref_slice %arg9[%dma_wait3A_334] : memref<10240xf32, #tpu.memory_space<vmem_shared>> -> memref<10240xf32, #tpu.memory_space<vmem_shared>>
      tpu.wait_indirect_dma semaphore(%arg10 : memref<!tpu.dma_semaphore, #tpu.memory_space<semaphore_mem>>) src(%arg7 : memref<128xf32, #tpu.memory_space<vmem>>) dst(%dma_wait3A_335 : memref<10240xf32, #tpu.memory_space<vmem_shared>>)
      %dma_wait3A_336 = arith.constant 1 : i32
      %dma_wait3A_337 = arith.constant 0 : i32
      %dma_wait3A_338 = tpu.memref_slice %arg6[%dma_wait3A_336, %dma_wait3A_337] : memref<8x128xi32, #tpu.memory_space<vmem>> -> memref<1x128xi32, #tpu.memory_space<vmem>>
      %dma_wait3A_339 = tpu.memref_squeeze %dma_wait3A_338 : memref<1x128xi32, #tpu.memory_space<vmem>> -> memref<128xi32, #tpu.memory_space<vmem>>
      %dma_wait3A_340 = arith.constant 0 : i32
      %dma_wait3A_341 = tpu.memref_slice %arg9[%dma_wait3A_340] : memref<10240xf32, #tpu.memory_space<vmem_shared>> -> memref<10240xf32, #tpu.memory_space<vmem_shared>>
      tpu.wait_indirect_dma semaphore(%arg10 : memref<!tpu.dma_semaphore, #tpu.memory_space<semaphore_mem>>) src(%arg7 : memref<128xf32, #tpu.memory_space<vmem>>) dst(%dma_wait3A_341 : memref<10240xf32, #tpu.memory_space<vmem_shared>>)
      %dma_wait3A_342 = arith.constant 2 : i32
      %dma_wait3A_343 = arith.constant 0 : i32
      %dma_wait3A_344 = tpu.memref_slice %arg6[%dma_wait3A_342, %dma_wait3A_343] : memref<8x128xi32, #tpu.memory_space<vmem>> -> memref<1x128xi32, #tpu.memory_space<vmem>>
      %dma_wait3A_345 = tpu.memref_squeeze %dma_wait3A_344 : memref<1x128xi32, #tpu.memory_space<vmem>> -> memref<128xi32, #tpu.memory_space<vmem>>
      %dma_wait3A_346 = arith.constant 0 : i32
      %dma_wait3A_347 = tpu.memref_slice %arg9[%dma_wait3A_346] : memref<10240xf32, #tpu.memory_space<vmem_shared>> -> memref<10240xf32, #tpu.memory_space<vmem_shared>>
      tpu.wait_indirect_dma semaphore(%arg10 : memref<!tpu.dma_semaphore, #tpu.memory_space<semaphore_mem>>) src(%arg7 : memref<128xf32, #tpu.memory_space<vmem>>) dst(%dma_wait3A_347 : memref<10240xf32, #tpu.memory_space<vmem_shared>>)
      %dma_wait3A_348 = arith.constant 3 : i32
      %dma_wait3A_349 = arith.constant 0 : i32
      %dma_wait3A_350 = tpu.memref_slice %arg6[%dma_wait3A_348, %dma_wait3A_349] : memref<8x128xi32, #tpu.memory_space<vmem>> -> memref<1x128xi32, #tpu.memory_space<vmem>>
      %dma_wait3A_351 = tpu.memref_squeeze %dma_wait3A_350 : memref<1x128xi32, #tpu.memory_space<vmem>> -> memref<128xi32, #tpu.memory_space<vmem>>
      %dma_wait3A_352 = arith.constant 0 : i32
      %dma_wait3A_353 = tpu.memref_slice %arg9[%dma_wait3A_352] : memref<10240xf32, #tpu.memory_space<vmem_shared>> -> memref<10240xf32, #tpu.memory_space<vmem_shared>>
      tpu.wait_indirect_dma semaphore(%arg10 : memref<!tpu.dma_semaphore, #tpu.memory_space<semaphore_mem>>) src(%arg7 : memref<128xf32, #tpu.memory_space<vmem>>) dst(%dma_wait3A_353 : memref<10240xf32, #tpu.memory_space<vmem_shared>>)
      %add3A_354 = arith.constant 2 : i32
      %add3A_355 = arith.addi %mul3A_241, %add3A_354 : i32
      %mul3A_356 = arith.constant 4 : i32
      %mul3A_357 = arith.muli %add3A_355, %mul3A_356 : i32
      %add3A_358 = arith.constant 0 : i32
      %add3A_359 = arith.addi %mul3A_357, %add3A_358 : i32
      %lt3A = arith.constant 78 : i32
      %lt3A_360 = arith.cmpi slt, %add3A_359, %lt3A : i32
      %convert_element_type3A_361 = arith.extui %lt3A_360 : i1 to i32
      %cond3A_362 = arith.constant 0 : i32
      %cond3A_363 = arith.cmpi ne, %convert_element_type3A_361, %cond3A_362 : i32
      scf.if %cond3A_363 {
        %mul3A_557 = arith.constant 128 : i32
        %mul3A_558 = arith.muli %add3A_359, %mul3A_557 : i32
        %add3A_559 = arith.addi %mul3A_2, %mul3A_558 : i32
        %dma_start3A_560 = arith.constant 0 : i32
        %dma_start3A_561 = arith.constant 0 : i32
        %dma_start3A_562 = tpu.memref_slice %arg6[%dma_start3A_560, %dma_start3A_561] : memref<8x128xi32, #tpu.memory_space<vmem>> -> memref<1x128xi32, #tpu.memory_space<vmem>>
        %dma_start3A_563 = tpu.memref_squeeze %dma_start3A_562 : memref<1x128xi32, #tpu.memory_space<vmem>> -> memref<128xi32, #tpu.memory_space<vmem>>
        %dma_start3A_564 = tpu.memref_slice %arg2[%add3A_559] : memref<640000xi32, #tpu.memory_space<hbm>> -> memref<128xi32, #tpu.memory_space<hbm>>
        %dma_start3A_565 = arith.constant 0 : i32
        %dma_start3A_566 = tpu.memref_slice %arg6[%dma_start3A_560, %dma_start3A_565] : memref<8x128xi32, #tpu.memory_space<vmem>> -> memref<1x128xi32, #tpu.memory_space<vmem>>
        %dma_start3A_567 = tpu.memref_squeeze %dma_start3A_566 : memref<1x128xi32, #tpu.memory_space<vmem>> -> memref<128xi32, #tpu.memory_space<vmem>>
        %dma_start3A_568 = tpu.memref_slice %arg2[%add3A_559] : memref<640000xi32, #tpu.memory_space<hbm>> -> memref<128xi32, #tpu.memory_space<hbm>>
        tpu.enqueue_dma source(%dma_start3A_568 : memref<128xi32, #tpu.memory_space<hbm>>) target(%dma_start3A_567 : memref<128xi32, #tpu.memory_space<vmem>>) target_semaphore(%arg11 : memref<!tpu.dma_semaphore, #tpu.memory_space<semaphore_mem>>)
      } else {
      }
      %add3A_364 = arith.constant 2 : i32
      %add3A_365 = arith.addi %mul3A_241, %add3A_364 : i32
      %mul3A_366 = arith.constant 4 : i32
      %mul3A_367 = arith.muli %add3A_365, %mul3A_366 : i32
      %add3A_368 = arith.constant 1 : i32
      %add3A_369 = arith.addi %mul3A_367, %add3A_368 : i32
      %lt3A_370 = arith.constant 78 : i32
      %lt3A_371 = arith.cmpi slt, %add3A_369, %lt3A_370 : i32
      %convert_element_type3A_372 = arith.extui %lt3A_371 : i1 to i32
      %cond3A_373 = arith.constant 0 : i32
      %cond3A_374 = arith.cmpi ne, %convert_element_type3A_372, %cond3A_373 : i32
      scf.if %cond3A_374 {
        %mul3A_557 = arith.constant 128 : i32
        %mul3A_558 = arith.muli %add3A_369, %mul3A_557 : i32
        %add3A_559 = arith.addi %mul3A_2, %mul3A_558 : i32
        %dma_start3A_560 = arith.constant 1 : i32
        %dma_start3A_561 = arith.constant 0 : i32
        %dma_start3A_562 = tpu.memref_slice %arg6[%dma_start3A_560, %dma_start3A_561] : memref<8x128xi32, #tpu.memory_space<vmem>> -> memref<1x128xi32, #tpu.memory_space<vmem>>
        %dma_start3A_563 = tpu.memref_squeeze %dma_start3A_562 : memref<1x128xi32, #tpu.memory_space<vmem>> -> memref<128xi32, #tpu.memory_space<vmem>>
        %dma_start3A_564 = tpu.memref_slice %arg2[%add3A_559] : memref<640000xi32, #tpu.memory_space<hbm>> -> memref<128xi32, #tpu.memory_space<hbm>>
        %dma_start3A_565 = arith.constant 0 : i32
        %dma_start3A_566 = tpu.memref_slice %arg6[%dma_start3A_560, %dma_start3A_565] : memref<8x128xi32, #tpu.memory_space<vmem>> -> memref<1x128xi32, #tpu.memory_space<vmem>>
        %dma_start3A_567 = tpu.memref_squeeze %dma_start3A_566 : memref<1x128xi32, #tpu.memory_space<vmem>> -> memref<128xi32, #tpu.memory_space<vmem>>
        %dma_start3A_568 = tpu.memref_slice %arg2[%add3A_559] : memref<640000xi32, #tpu.memory_space<hbm>> -> memref<128xi32, #tpu.memory_space<hbm>>
        tpu.enqueue_dma source(%dma_start3A_568 : memref<128xi32, #tpu.memory_space<hbm>>) target(%dma_start3A_567 : memref<128xi32, #tpu.memory_space<vmem>>) target_semaphore(%arg12 : memref<!tpu.dma_semaphore, #tpu.memory_space<semaphore_mem>>)
      } else {
      }
      %add3A_375 = arith.constant 2 : i32
      %add3A_376 = arith.addi %mul3A_241, %add3A_375 : i32
      %mul3A_377 = arith.constant 4 : i32
      %mul3A_378 = arith.muli %add3A_376, %mul3A_377 : i32
      %add3A_379 = arith.constant 2 : i32
      %add3A_380 = arith.addi %mul3A_378, %add3A_379 : i32
      %lt3A_381 = arith.constant 78 : i32
      %lt3A_382 = arith.cmpi slt, %add3A_380, %lt3A_381 : i32
      %convert_element_type3A_383 = arith.extui %lt3A_382 : i1 to i32
      %cond3A_384 = arith.constant 0 : i32
      %cond3A_385 = arith.cmpi ne, %convert_element_type3A_383, %cond3A_384 : i32
      scf.if %cond3A_385 {
        %mul3A_557 = arith.constant 128 : i32
        %mul3A_558 = arith.muli %add3A_380, %mul3A_557 : i32
        %add3A_559 = arith.addi %mul3A_2, %mul3A_558 : i32
        %dma_start3A_560 = arith.constant 2 : i32
        %dma_start3A_561 = arith.constant 0 : i32
        %dma_start3A_562 = tpu.memref_slice %arg6[%dma_start3A_560, %dma_start3A_561] : memref<8x128xi32, #tpu.memory_space<vmem>> -> memref<1x128xi32, #tpu.memory_space<vmem>>
        %dma_start3A_563 = tpu.memref_squeeze %dma_start3A_562 : memref<1x128xi32, #tpu.memory_space<vmem>> -> memref<128xi32, #tpu.memory_space<vmem>>
        %dma_start3A_564 = tpu.memref_slice %arg2[%add3A_559] : memref<640000xi32, #tpu.memory_space<hbm>> -> memref<128xi32, #tpu.memory_space<hbm>>
        %dma_start3A_565 = arith.constant 0 : i32
        %dma_start3A_566 = tpu.memref_slice %arg6[%dma_start3A_560, %dma_start3A_565] : memref<8x128xi32, #tpu.memory_space<vmem>> -> memref<1x128xi32, #tpu.memory_space<vmem>>
        %dma_start3A_567 = tpu.memref_squeeze %dma_start3A_566 : memref<1x128xi32, #tpu.memory_space<vmem>> -> memref<128xi32, #tpu.memory_space<vmem>>
        %dma_start3A_568 = tpu.memref_slice %arg2[%add3A_559] : memref<640000xi32, #tpu.memory_space<hbm>> -> memref<128xi32, #tpu.memory_space<hbm>>
        tpu.enqueue_dma source(%dma_start3A_568 : memref<128xi32, #tpu.memory_space<hbm>>) target(%dma_start3A_567 : memref<128xi32, #tpu.memory_space<vmem>>) target_semaphore(%arg13 : memref<!tpu.dma_semaphore, #tpu.memory_space<semaphore_mem>>)
      } else {
      }
      %add3A_386 = arith.constant 2 : i32
      %add3A_387 = arith.addi %mul3A_241, %add3A_386 : i32
      %mul3A_388 = arith.constant 4 : i32
      %mul3A_389 = arith.muli %add3A_387, %mul3A_388 : i32
      %add3A_390 = arith.constant 3 : i32
      %add3A_391 = arith.addi %mul3A_389, %add3A_390 : i32
      %lt3A_392 = arith.constant 78 : i32
      %lt3A_393 = arith.cmpi slt, %add3A_391, %lt3A_392 : i32
      %convert_element_type3A_394 = arith.extui %lt3A_393 : i1 to i32
      %cond3A_395 = arith.constant 0 : i32
      %cond3A_396 = arith.cmpi ne, %convert_element_type3A_394, %cond3A_395 : i32
      scf.if %cond3A_396 {
        %mul3A_557 = arith.constant 128 : i32
        %mul3A_558 = arith.muli %add3A_391, %mul3A_557 : i32
        %add3A_559 = arith.addi %mul3A_2, %mul3A_558 : i32
        %dma_start3A_560 = arith.constant 3 : i32
        %dma_start3A_561 = arith.constant 0 : i32
        %dma_start3A_562 = tpu.memref_slice %arg6[%dma_start3A_560, %dma_start3A_561] : memref<8x128xi32, #tpu.memory_space<vmem>> -> memref<1x128xi32, #tpu.memory_space<vmem>>
        %dma_start3A_563 = tpu.memref_squeeze %dma_start3A_562 : memref<1x128xi32, #tpu.memory_space<vmem>> -> memref<128xi32, #tpu.memory_space<vmem>>
        %dma_start3A_564 = tpu.memref_slice %arg2[%add3A_559] : memref<640000xi32, #tpu.memory_space<hbm>> -> memref<128xi32, #tpu.memory_space<hbm>>
        %dma_start3A_565 = arith.constant 0 : i32
        %dma_start3A_566 = tpu.memref_slice %arg6[%dma_start3A_560, %dma_start3A_565] : memref<8x128xi32, #tpu.memory_space<vmem>> -> memref<1x128xi32, #tpu.memory_space<vmem>>
        %dma_start3A_567 = tpu.memref_squeeze %dma_start3A_566 : memref<1x128xi32, #tpu.memory_space<vmem>> -> memref<128xi32, #tpu.memory_space<vmem>>
        %dma_start3A_568 = tpu.memref_slice %arg2[%add3A_559] : memref<640000xi32, #tpu.memory_space<hbm>> -> memref<128xi32, #tpu.memory_space<hbm>>
        tpu.enqueue_dma source(%dma_start3A_568 : memref<128xi32, #tpu.memory_space<hbm>>) target(%dma_start3A_567 : memref<128xi32, #tpu.memory_space<vmem>>) target_semaphore(%arg14 : memref<!tpu.dma_semaphore, #tpu.memory_space<semaphore_mem>>)
      } else {
      }
      %mul3A_397 = arith.constant 2 : i32
      %mul3A_398 = arith.muli %mul3A_397, %scan3A_239 : i32
      %add3A_399 = arith.constant 1 : i32
      %add3A_400 = arith.addi %mul3A_398, %add3A_399 : i32
      %mul3A_401 = arith.constant 4 : i32
      %mul3A_402 = arith.muli %mul3A_401, %add3A_400 : i32
      %add3A_403 = arith.constant 0 : i32
      %add3A_404 = arith.addi %mul3A_402, %add3A_403 : i32
      %mul3A_405 = arith.constant 128 : i32
      %mul3A_406 = arith.muli %add3A_404, %mul3A_405 : i32
      %add3A_407 = arith.addi %mul3A_2, %mul3A_406 : i32
      %dma_wait3A_408 = arith.constant 4 : i32
      %dma_wait3A_409 = arith.constant 0 : i32
      %dma_wait3A_410 = tpu.memref_slice %arg6[%dma_wait3A_408, %dma_wait3A_409] : memref<8x128xi32, #tpu.memory_space<vmem>> -> memref<1x128xi32, #tpu.memory_space<vmem>>
      %dma_wait3A_411 = tpu.memref_squeeze %dma_wait3A_410 : memref<1x128xi32, #tpu.memory_space<vmem>> -> memref<128xi32, #tpu.memory_space<vmem>>
      %dma_wait3A_412 = tpu.memref_slice %arg2[%add3A_407] : memref<640000xi32, #tpu.memory_space<hbm>> -> memref<128xi32, #tpu.memory_space<hbm>>
      %dma_wait3A_413 = arith.constant 0 : i32
      %dma_wait3A_414 = tpu.memref_slice %arg6[%dma_wait3A_408, %dma_wait3A_413] : memref<8x128xi32, #tpu.memory_space<vmem>> -> memref<1x128xi32, #tpu.memory_space<vmem>>
      %dma_wait3A_415 = tpu.memref_squeeze %dma_wait3A_414 : memref<1x128xi32, #tpu.memory_space<vmem>> -> memref<128xi32, #tpu.memory_space<vmem>>
      %dma_wait3A_416 = tpu.memref_slice %arg2[%add3A_407] : memref<640000xi32, #tpu.memory_space<hbm>> -> memref<128xi32, #tpu.memory_space<hbm>>
      tpu.wait_dma2 semaphore(%arg15 : memref<!tpu.dma_semaphore, #tpu.memory_space<semaphore_mem>>) src(%dma_wait3A_416 : memref<128xi32, #tpu.memory_space<hbm>>) dst(%dma_wait3A_415 : memref<128xi32, #tpu.memory_space<vmem>>)
      %mul3A_417 = arith.constant 4 : i32
      %mul3A_418 = arith.muli %mul3A_417, %add3A_400 : i32
      %add3A_419 = arith.constant 1 : i32
      %add3A_420 = arith.addi %mul3A_418, %add3A_419 : i32
      %mul3A_421 = arith.constant 128 : i32
      %mul3A_422 = arith.muli %add3A_420, %mul3A_421 : i32
      %add3A_423 = arith.addi %mul3A_2, %mul3A_422 : i32
      %dma_wait3A_424 = arith.constant 5 : i32
      %dma_wait3A_425 = arith.constant 0 : i32
      %dma_wait3A_426 = tpu.memref_slice %arg6[%dma_wait3A_424, %dma_wait3A_425] : memref<8x128xi32, #tpu.memory_space<vmem>> -> memref<1x128xi32, #tpu.memory_space<vmem>>
      %dma_wait3A_427 = tpu.memref_squeeze %dma_wait3A_426 : memref<1x128xi32, #tpu.memory_space<vmem>> -> memref<128xi32, #tpu.memory_space<vmem>>
      %dma_wait3A_428 = tpu.memref_slice %arg2[%add3A_423] : memref<640000xi32, #tpu.memory_space<hbm>> -> memref<128xi32, #tpu.memory_space<hbm>>
      %dma_wait3A_429 = arith.constant 0 : i32
      %dma_wait3A_430 = tpu.memref_slice %arg6[%dma_wait3A_424, %dma_wait3A_429] : memref<8x128xi32, #tpu.memory_space<vmem>> -> memref<1x128xi32, #tpu.memory_space<vmem>>
      %dma_wait3A_431 = tpu.memref_squeeze %dma_wait3A_430 : memref<1x128xi32, #tpu.memory_space<vmem>> -> memref<128xi32, #tpu.memory_space<vmem>>
      %dma_wait3A_432 = tpu.memref_slice %arg2[%add3A_423] : memref<640000xi32, #tpu.memory_space<hbm>> -> memref<128xi32, #tpu.memory_space<hbm>>
      tpu.wait_dma2 semaphore(%arg16 : memref<!tpu.dma_semaphore, #tpu.memory_space<semaphore_mem>>) src(%dma_wait3A_432 : memref<128xi32, #tpu.memory_space<hbm>>) dst(%dma_wait3A_431 : memref<128xi32, #tpu.memory_space<vmem>>)
      %mul3A_433 = arith.constant 4 : i32
      %mul3A_434 = arith.muli %mul3A_433, %add3A_400 : i32
      %add3A_435 = arith.constant 2 : i32
      %add3A_436 = arith.addi %mul3A_434, %add3A_435 : i32
      %mul3A_437 = arith.constant 128 : i32
      %mul3A_438 = arith.muli %add3A_436, %mul3A_437 : i32
      %add3A_439 = arith.addi %mul3A_2, %mul3A_438 : i32
      %dma_wait3A_440 = arith.constant 6 : i32
      %dma_wait3A_441 = arith.constant 0 : i32
      %dma_wait3A_442 = tpu.memref_slice %arg6[%dma_wait3A_440, %dma_wait3A_441] : memref<8x128xi32, #tpu.memory_space<vmem>> -> memref<1x128xi32, #tpu.memory_space<vmem>>
      %dma_wait3A_443 = tpu.memref_squeeze %dma_wait3A_442 : memref<1x128xi32, #tpu.memory_space<vmem>> -> memref<128xi32, #tpu.memory_space<vmem>>
      %dma_wait3A_444 = tpu.memref_slice %arg2[%add3A_439] : memref<640000xi32, #tpu.memory_space<hbm>> -> memref<128xi32, #tpu.memory_space<hbm>>
      %dma_wait3A_445 = arith.constant 0 : i32
      %dma_wait3A_446 = tpu.memref_slice %arg6[%dma_wait3A_440, %dma_wait3A_445] : memref<8x128xi32, #tpu.memory_space<vmem>> -> memref<1x128xi32, #tpu.memory_space<vmem>>
      %dma_wait3A_447 = tpu.memref_squeeze %dma_wait3A_446 : memref<1x128xi32, #tpu.memory_space<vmem>> -> memref<128xi32, #tpu.memory_space<vmem>>
      %dma_wait3A_448 = tpu.memref_slice %arg2[%add3A_439] : memref<640000xi32, #tpu.memory_space<hbm>> -> memref<128xi32, #tpu.memory_space<hbm>>
      tpu.wait_dma2 semaphore(%arg17 : memref<!tpu.dma_semaphore, #tpu.memory_space<semaphore_mem>>) src(%dma_wait3A_448 : memref<128xi32, #tpu.memory_space<hbm>>) dst(%dma_wait3A_447 : memref<128xi32, #tpu.memory_space<vmem>>)
      %mul3A_449 = arith.constant 4 : i32
      %mul3A_450 = arith.muli %mul3A_449, %add3A_400 : i32
      %add3A_451 = arith.constant 3 : i32
      %add3A_452 = arith.addi %mul3A_450, %add3A_451 : i32
      %mul3A_453 = arith.constant 128 : i32
      %mul3A_454 = arith.muli %add3A_452, %mul3A_453 : i32
      %add3A_455 = arith.addi %mul3A_2, %mul3A_454 : i32
      %dma_wait3A_456 = arith.constant 7 : i32
      %dma_wait3A_457 = arith.constant 0 : i32
      %dma_wait3A_458 = tpu.memref_slice %arg6[%dma_wait3A_456, %dma_wait3A_457] : memref<8x128xi32, #tpu.memory_space<vmem>> -> memref<1x128xi32, #tpu.memory_space<vmem>>
      %dma_wait3A_459 = tpu.memref_squeeze %dma_wait3A_458 : memref<1x128xi32, #tpu.memory_space<vmem>> -> memref<128xi32, #tpu.memory_space<vmem>>
      %dma_wait3A_460 = tpu.memref_slice %arg2[%add3A_455] : memref<640000xi32, #tpu.memory_space<hbm>> -> memref<128xi32, #tpu.memory_space<hbm>>
      %dma_wait3A_461 = arith.constant 0 : i32
      %dma_wait3A_462 = tpu.memref_slice %arg6[%dma_wait3A_456, %dma_wait3A_461] : memref<8x128xi32, #tpu.memory_space<vmem>> -> memref<1x128xi32, #tpu.memory_space<vmem>>
      %dma_wait3A_463 = tpu.memref_squeeze %dma_wait3A_462 : memref<1x128xi32, #tpu.memory_space<vmem>> -> memref<128xi32, #tpu.memory_space<vmem>>
      %dma_wait3A_464 = tpu.memref_slice %arg2[%add3A_455] : memref<640000xi32, #tpu.memory_space<hbm>> -> memref<128xi32, #tpu.memory_space<hbm>>
      tpu.wait_dma2 semaphore(%arg18 : memref<!tpu.dma_semaphore, #tpu.memory_space<semaphore_mem>>) src(%dma_wait3A_464 : memref<128xi32, #tpu.memory_space<hbm>>) dst(%dma_wait3A_463 : memref<128xi32, #tpu.memory_space<vmem>>)
      %dma_start3A_465 = arith.constant 4 : i32
      %dma_start3A_466 = arith.constant 0 : i32
      %dma_start3A_467 = tpu.memref_slice %arg6[%dma_start3A_465, %dma_start3A_466] : memref<8x128xi32, #tpu.memory_space<vmem>> -> memref<1x128xi32, #tpu.memory_space<vmem>>
      %dma_start3A_468 = tpu.memref_squeeze %dma_start3A_467 : memref<1x128xi32, #tpu.memory_space<vmem>> -> memref<128xi32, #tpu.memory_space<vmem>>
      %dma_start3A_469 = arith.constant 0 : i32
      %dma_start3A_470 = tpu.memref_slice %arg9[%dma_start3A_469] : memref<10240xf32, #tpu.memory_space<vmem_shared>> -> memref<10240xf32, #tpu.memory_space<vmem_shared>>
      tpu.enqueue_indirect_dma source(%arg7 : memref<128xf32, #tpu.memory_space<vmem>>) target(%dma_start3A_470 : memref<10240xf32, #tpu.memory_space<vmem_shared>>) offsets(%dma_start3A_468 : memref<128xi32, #tpu.memory_space<vmem>>) semaphore(%arg10 : memref<!tpu.dma_semaphore, #tpu.memory_space<semaphore_mem>>) {add = true}
      %dma_start3A_471 = arith.constant 5 : i32
      %dma_start3A_472 = arith.constant 0 : i32
      %dma_start3A_473 = tpu.memref_slice %arg6[%dma_start3A_471, %dma_start3A_472] : memref<8x128xi32, #tpu.memory_space<vmem>> -> memref<1x128xi32, #tpu.memory_space<vmem>>
      %dma_start3A_474 = tpu.memref_squeeze %dma_start3A_473 : memref<1x128xi32, #tpu.memory_space<vmem>> -> memref<128xi32, #tpu.memory_space<vmem>>
      %dma_start3A_475 = arith.constant 0 : i32
      %dma_start3A_476 = tpu.memref_slice %arg9[%dma_start3A_475] : memref<10240xf32, #tpu.memory_space<vmem_shared>> -> memref<10240xf32, #tpu.memory_space<vmem_shared>>
      tpu.enqueue_indirect_dma source(%arg7 : memref<128xf32, #tpu.memory_space<vmem>>) target(%dma_start3A_476 : memref<10240xf32, #tpu.memory_space<vmem_shared>>) offsets(%dma_start3A_474 : memref<128xi32, #tpu.memory_space<vmem>>) semaphore(%arg10 : memref<!tpu.dma_semaphore, #tpu.memory_space<semaphore_mem>>) {add = true}
      %dma_start3A_477 = arith.constant 6 : i32
      %dma_start3A_478 = arith.constant 0 : i32
      %dma_start3A_479 = tpu.memref_slice %arg6[%dma_start3A_477, %dma_start3A_478] : memref<8x128xi32, #tpu.memory_space<vmem>> -> memref<1x128xi32, #tpu.memory_space<vmem>>
      %dma_start3A_480 = tpu.memref_squeeze %dma_start3A_479 : memref<1x128xi32, #tpu.memory_space<vmem>> -> memref<128xi32, #tpu.memory_space<vmem>>
      %dma_start3A_481 = arith.constant 0 : i32
      %dma_start3A_482 = tpu.memref_slice %arg9[%dma_start3A_481] : memref<10240xf32, #tpu.memory_space<vmem_shared>> -> memref<10240xf32, #tpu.memory_space<vmem_shared>>
      tpu.enqueue_indirect_dma source(%arg7 : memref<128xf32, #tpu.memory_space<vmem>>) target(%dma_start3A_482 : memref<10240xf32, #tpu.memory_space<vmem_shared>>) offsets(%dma_start3A_480 : memref<128xi32, #tpu.memory_space<vmem>>) semaphore(%arg10 : memref<!tpu.dma_semaphore, #tpu.memory_space<semaphore_mem>>) {add = true}
      %dma_start3A_483 = arith.constant 7 : i32
      %dma_start3A_484 = arith.constant 0 : i32
      %dma_start3A_485 = tpu.memref_slice %arg6[%dma_start3A_483, %dma_start3A_484] : memref<8x128xi32, #tpu.memory_space<vmem>> -> memref<1x128xi32, #tpu.memory_space<vmem>>
      %dma_start3A_486 = tpu.memref_squeeze %dma_start3A_485 : memref<1x128xi32, #tpu.memory_space<vmem>> -> memref<128xi32, #tpu.memory_space<vmem>>
      %dma_start3A_487 = arith.constant 0 : i32
      %dma_start3A_488 = tpu.memref_slice %arg9[%dma_start3A_487] : memref<10240xf32, #tpu.memory_space<vmem_shared>> -> memref<10240xf32, #tpu.memory_space<vmem_shared>>
      tpu.enqueue_indirect_dma source(%arg7 : memref<128xf32, #tpu.memory_space<vmem>>) target(%dma_start3A_488 : memref<10240xf32, #tpu.memory_space<vmem_shared>>) offsets(%dma_start3A_486 : memref<128xi32, #tpu.memory_space<vmem>>) semaphore(%arg10 : memref<!tpu.dma_semaphore, #tpu.memory_space<semaphore_mem>>) {add = true}
      %dma_wait3A_489 = arith.constant 4 : i32
      %dma_wait3A_490 = arith.constant 0 : i32
      %dma_wait3A_491 = tpu.memref_slice %arg6[%dma_wait3A_489, %dma_wait3A_490] : memref<8x128xi32, #tpu.memory_space<vmem>> -> memref<1x128xi32, #tpu.memory_space<vmem>>
      %dma_wait3A_492 = tpu.memref_squeeze %dma_wait3A_491 : memref<1x128xi32, #tpu.memory_space<vmem>> -> memref<128xi32, #tpu.memory_space<vmem>>
      %dma_wait3A_493 = arith.constant 0 : i32
      %dma_wait3A_494 = tpu.memref_slice %arg9[%dma_wait3A_493] : memref<10240xf32, #tpu.memory_space<vmem_shared>> -> memref<10240xf32, #tpu.memory_space<vmem_shared>>
      tpu.wait_indirect_dma semaphore(%arg10 : memref<!tpu.dma_semaphore, #tpu.memory_space<semaphore_mem>>) src(%arg7 : memref<128xf32, #tpu.memory_space<vmem>>) dst(%dma_wait3A_494 : memref<10240xf32, #tpu.memory_space<vmem_shared>>)
      %dma_wait3A_495 = arith.constant 5 : i32
      %dma_wait3A_496 = arith.constant 0 : i32
      %dma_wait3A_497 = tpu.memref_slice %arg6[%dma_wait3A_495, %dma_wait3A_496] : memref<8x128xi32, #tpu.memory_space<vmem>> -> memref<1x128xi32, #tpu.memory_space<vmem>>
      %dma_wait3A_498 = tpu.memref_squeeze %dma_wait3A_497 : memref<1x128xi32, #tpu.memory_space<vmem>> -> memref<128xi32, #tpu.memory_space<vmem>>
      %dma_wait3A_499 = arith.constant 0 : i32
      %dma_wait3A_500 = tpu.memref_slice %arg9[%dma_wait3A_499] : memref<10240xf32, #tpu.memory_space<vmem_shared>> -> memref<10240xf32, #tpu.memory_space<vmem_shared>>
      tpu.wait_indirect_dma semaphore(%arg10 : memref<!tpu.dma_semaphore, #tpu.memory_space<semaphore_mem>>) src(%arg7 : memref<128xf32, #tpu.memory_space<vmem>>) dst(%dma_wait3A_500 : memref<10240xf32, #tpu.memory_space<vmem_shared>>)
      %dma_wait3A_501 = arith.constant 6 : i32
      %dma_wait3A_502 = arith.constant 0 : i32
      %dma_wait3A_503 = tpu.memref_slice %arg6[%dma_wait3A_501, %dma_wait3A_502] : memref<8x128xi32, #tpu.memory_space<vmem>> -> memref<1x128xi32, #tpu.memory_space<vmem>>
      %dma_wait3A_504 = tpu.memref_squeeze %dma_wait3A_503 : memref<1x128xi32, #tpu.memory_space<vmem>> -> memref<128xi32, #tpu.memory_space<vmem>>
      %dma_wait3A_505 = arith.constant 0 : i32
      %dma_wait3A_506 = tpu.memref_slice %arg9[%dma_wait3A_505] : memref<10240xf32, #tpu.memory_space<vmem_shared>> -> memref<10240xf32, #tpu.memory_space<vmem_shared>>
      tpu.wait_indirect_dma semaphore(%arg10 : memref<!tpu.dma_semaphore, #tpu.memory_space<semaphore_mem>>) src(%arg7 : memref<128xf32, #tpu.memory_space<vmem>>) dst(%dma_wait3A_506 : memref<10240xf32, #tpu.memory_space<vmem_shared>>)
      %dma_wait3A_507 = arith.constant 7 : i32
      %dma_wait3A_508 = arith.constant 0 : i32
      %dma_wait3A_509 = tpu.memref_slice %arg6[%dma_wait3A_507, %dma_wait3A_508] : memref<8x128xi32, #tpu.memory_space<vmem>> -> memref<1x128xi32, #tpu.memory_space<vmem>>
      %dma_wait3A_510 = tpu.memref_squeeze %dma_wait3A_509 : memref<1x128xi32, #tpu.memory_space<vmem>> -> memref<128xi32, #tpu.memory_space<vmem>>
      %dma_wait3A_511 = arith.constant 0 : i32
      %dma_wait3A_512 = tpu.memref_slice %arg9[%dma_wait3A_511] : memref<10240xf32, #tpu.memory_space<vmem_shared>> -> memref<10240xf32, #tpu.memory_space<vmem_shared>>
      tpu.wait_indirect_dma semaphore(%arg10 : memref<!tpu.dma_semaphore, #tpu.memory_space<semaphore_mem>>) src(%arg7 : memref<128xf32, #tpu.memory_space<vmem>>) dst(%dma_wait3A_512 : memref<10240xf32, #tpu.memory_space<vmem_shared>>)
      %add3A_513 = arith.constant 2 : i32
      %add3A_514 = arith.addi %add3A_400, %add3A_513 : i32
      %mul3A_515 = arith.constant 4 : i32
      %mul3A_516 = arith.muli %add3A_514, %mul3A_515 : i32
      %add3A_517 = arith.constant 0 : i32
      %add3A_518 = arith.addi %mul3A_516, %add3A_517 : i32
      %lt3A_519 = arith.constant 78 : i32
      %lt3A_520 = arith.cmpi slt, %add3A_518, %lt3A_519 : i32
      %convert_element_type3A_521 = arith.extui %lt3A_520 : i1 to i32
      %cond3A_522 = arith.constant 0 : i32
      %cond3A_523 = arith.cmpi ne, %convert_element_type3A_521, %cond3A_522 : i32
      scf.if %cond3A_523 {
        %mul3A_557 = arith.constant 128 : i32
        %mul3A_558 = arith.muli %add3A_518, %mul3A_557 : i32
        %add3A_559 = arith.addi %mul3A_2, %mul3A_558 : i32
        %dma_start3A_560 = arith.constant 4 : i32
        %dma_start3A_561 = arith.constant 0 : i32
        %dma_start3A_562 = tpu.memref_slice %arg6[%dma_start3A_560, %dma_start3A_561] : memref<8x128xi32, #tpu.memory_space<vmem>> -> memref<1x128xi32, #tpu.memory_space<vmem>>
        %dma_start3A_563 = tpu.memref_squeeze %dma_start3A_562 : memref<1x128xi32, #tpu.memory_space<vmem>> -> memref<128xi32, #tpu.memory_space<vmem>>
        %dma_start3A_564 = tpu.memref_slice %arg2[%add3A_559] : memref<640000xi32, #tpu.memory_space<hbm>> -> memref<128xi32, #tpu.memory_space<hbm>>
        %dma_start3A_565 = arith.constant 0 : i32
        %dma_start3A_566 = tpu.memref_slice %arg6[%dma_start3A_560, %dma_start3A_565] : memref<8x128xi32, #tpu.memory_space<vmem>> -> memref<1x128xi32, #tpu.memory_space<vmem>>
        %dma_start3A_567 = tpu.memref_squeeze %dma_start3A_566 : memref<1x128xi32, #tpu.memory_space<vmem>> -> memref<128xi32, #tpu.memory_space<vmem>>
        %dma_start3A_568 = tpu.memref_slice %arg2[%add3A_559] : memref<640000xi32, #tpu.memory_space<hbm>> -> memref<128xi32, #tpu.memory_space<hbm>>
        tpu.enqueue_dma source(%dma_start3A_568 : memref<128xi32, #tpu.memory_space<hbm>>) target(%dma_start3A_567 : memref<128xi32, #tpu.memory_space<vmem>>) target_semaphore(%arg15 : memref<!tpu.dma_semaphore, #tpu.memory_space<semaphore_mem>>)
      } else {
      }
      %add3A_524 = arith.constant 2 : i32
      %add3A_525 = arith.addi %add3A_400, %add3A_524 : i32
      %mul3A_526 = arith.constant 4 : i32
      %mul3A_527 = arith.muli %add3A_525, %mul3A_526 : i32
      %add3A_528 = arith.constant 1 : i32
      %add3A_529 = arith.addi %mul3A_527, %add3A_528 : i32
      %lt3A_530 = arith.constant 78 : i32
      %lt3A_531 = arith.cmpi slt, %add3A_529, %lt3A_530 : i32
      %convert_element_type3A_532 = arith.extui %lt3A_531 : i1 to i32
      %cond3A_533 = arith.constant 0 : i32
      %cond3A_534 = arith.cmpi ne, %convert_element_type3A_532, %cond3A_533 : i32
      scf.if %cond3A_534 {
        %mul3A_557 = arith.constant 128 : i32
        %mul3A_558 = arith.muli %add3A_529, %mul3A_557 : i32
        %add3A_559 = arith.addi %mul3A_2, %mul3A_558 : i32
        %dma_start3A_560 = arith.constant 5 : i32
        %dma_start3A_561 = arith.constant 0 : i32
        %dma_start3A_562 = tpu.memref_slice %arg6[%dma_start3A_560, %dma_start3A_561] : memref<8x128xi32, #tpu.memory_space<vmem>> -> memref<1x128xi32, #tpu.memory_space<vmem>>
        %dma_start3A_563 = tpu.memref_squeeze %dma_start3A_562 : memref<1x128xi32, #tpu.memory_space<vmem>> -> memref<128xi32, #tpu.memory_space<vmem>>
        %dma_start3A_564 = tpu.memref_slice %arg2[%add3A_559] : memref<640000xi32, #tpu.memory_space<hbm>> -> memref<128xi32, #tpu.memory_space<hbm>>
        %dma_start3A_565 = arith.constant 0 : i32
        %dma_start3A_566 = tpu.memref_slice %arg6[%dma_start3A_560, %dma_start3A_565] : memref<8x128xi32, #tpu.memory_space<vmem>> -> memref<1x128xi32, #tpu.memory_space<vmem>>
        %dma_start3A_567 = tpu.memref_squeeze %dma_start3A_566 : memref<1x128xi32, #tpu.memory_space<vmem>> -> memref<128xi32, #tpu.memory_space<vmem>>
        %dma_start3A_568 = tpu.memref_slice %arg2[%add3A_559] : memref<640000xi32, #tpu.memory_space<hbm>> -> memref<128xi32, #tpu.memory_space<hbm>>
        tpu.enqueue_dma source(%dma_start3A_568 : memref<128xi32, #tpu.memory_space<hbm>>) target(%dma_start3A_567 : memref<128xi32, #tpu.memory_space<vmem>>) target_semaphore(%arg16 : memref<!tpu.dma_semaphore, #tpu.memory_space<semaphore_mem>>)
      } else {
      }
      %add3A_535 = arith.constant 2 : i32
      %add3A_536 = arith.addi %add3A_400, %add3A_535 : i32
      %mul3A_537 = arith.constant 4 : i32
      %mul3A_538 = arith.muli %add3A_536, %mul3A_537 : i32
      %add3A_539 = arith.constant 2 : i32
      %add3A_540 = arith.addi %mul3A_538, %add3A_539 : i32
      %lt3A_541 = arith.constant 78 : i32
      %lt3A_542 = arith.cmpi slt, %add3A_540, %lt3A_541 : i32
      %convert_element_type3A_543 = arith.extui %lt3A_542 : i1 to i32
      %cond3A_544 = arith.constant 0 : i32
      %cond3A_545 = arith.cmpi ne, %convert_element_type3A_543, %cond3A_544 : i32
      scf.if %cond3A_545 {
        %mul3A_557 = arith.constant 128 : i32
        %mul3A_558 = arith.muli %add3A_540, %mul3A_557 : i32
        %add3A_559 = arith.addi %mul3A_2, %mul3A_558 : i32
        %dma_start3A_560 = arith.constant 6 : i32
        %dma_start3A_561 = arith.constant 0 : i32
        %dma_start3A_562 = tpu.memref_slice %arg6[%dma_start3A_560, %dma_start3A_561] : memref<8x128xi32, #tpu.memory_space<vmem>> -> memref<1x128xi32, #tpu.memory_space<vmem>>
        %dma_start3A_563 = tpu.memref_squeeze %dma_start3A_562 : memref<1x128xi32, #tpu.memory_space<vmem>> -> memref<128xi32, #tpu.memory_space<vmem>>
        %dma_start3A_564 = tpu.memref_slice %arg2[%add3A_559] : memref<640000xi32, #tpu.memory_space<hbm>> -> memref<128xi32, #tpu.memory_space<hbm>>
        %dma_start3A_565 = arith.constant 0 : i32
        %dma_start3A_566 = tpu.memref_slice %arg6[%dma_start3A_560, %dma_start3A_565] : memref<8x128xi32, #tpu.memory_space<vmem>> -> memref<1x128xi32, #tpu.memory_space<vmem>>
        %dma_start3A_567 = tpu.memref_squeeze %dma_start3A_566 : memref<1x128xi32, #tpu.memory_space<vmem>> -> memref<128xi32, #tpu.memory_space<vmem>>
        %dma_start3A_568 = tpu.memref_slice %arg2[%add3A_559] : memref<640000xi32, #tpu.memory_space<hbm>> -> memref<128xi32, #tpu.memory_space<hbm>>
        tpu.enqueue_dma source(%dma_start3A_568 : memref<128xi32, #tpu.memory_space<hbm>>) target(%dma_start3A_567 : memref<128xi32, #tpu.memory_space<vmem>>) target_semaphore(%arg17 : memref<!tpu.dma_semaphore, #tpu.memory_space<semaphore_mem>>)
      } else {
      }
      %add3A_546 = arith.constant 2 : i32
      %add3A_547 = arith.addi %add3A_400, %add3A_546 : i32
      %mul3A_548 = arith.constant 4 : i32
      %mul3A_549 = arith.muli %add3A_547, %mul3A_548 : i32
      %add3A_550 = arith.constant 3 : i32
      %add3A_551 = arith.addi %mul3A_549, %add3A_550 : i32
      %lt3A_552 = arith.constant 78 : i32
      %lt3A_553 = arith.cmpi slt, %add3A_551, %lt3A_552 : i32
      %convert_element_type3A_554 = arith.extui %lt3A_553 : i1 to i32
      %cond3A_555 = arith.constant 0 : i32
      %cond3A_556 = arith.cmpi ne, %convert_element_type3A_554, %cond3A_555 : i32
      scf.if %cond3A_556 {
        %mul3A_557 = arith.constant 128 : i32
        %mul3A_558 = arith.muli %add3A_551, %mul3A_557 : i32
        %add3A_559 = arith.addi %mul3A_2, %mul3A_558 : i32
        %dma_start3A_560 = arith.constant 7 : i32
        %dma_start3A_561 = arith.constant 0 : i32
        %dma_start3A_562 = tpu.memref_slice %arg6[%dma_start3A_560, %dma_start3A_561] : memref<8x128xi32, #tpu.memory_space<vmem>> -> memref<1x128xi32, #tpu.memory_space<vmem>>
        %dma_start3A_563 = tpu.memref_squeeze %dma_start3A_562 : memref<1x128xi32, #tpu.memory_space<vmem>> -> memref<128xi32, #tpu.memory_space<vmem>>
        %dma_start3A_564 = tpu.memref_slice %arg2[%add3A_559] : memref<640000xi32, #tpu.memory_space<hbm>> -> memref<128xi32, #tpu.memory_space<hbm>>
        %dma_start3A_565 = arith.constant 0 : i32
        %dma_start3A_566 = tpu.memref_slice %arg6[%dma_start3A_560, %dma_start3A_565] : memref<8x128xi32, #tpu.memory_space<vmem>> -> memref<1x128xi32, #tpu.memory_space<vmem>>
        %dma_start3A_567 = tpu.memref_squeeze %dma_start3A_566 : memref<1x128xi32, #tpu.memory_space<vmem>> -> memref<128xi32, #tpu.memory_space<vmem>>
        %dma_start3A_568 = tpu.memref_slice %arg2[%add3A_559] : memref<640000xi32, #tpu.memory_space<hbm>> -> memref<128xi32, #tpu.memory_space<hbm>>
        tpu.enqueue_dma source(%dma_start3A_568 : memref<128xi32, #tpu.memory_space<hbm>>) target(%dma_start3A_567 : memref<128xi32, #tpu.memory_space<vmem>>) target_semaphore(%arg18 : memref<!tpu.dma_semaphore, #tpu.memory_space<semaphore_mem>>)
      } else {
      }
    }
    %scan3A_96 = arith.constant 9 : i32
    %add3A_97 = arith.constant 9216 : i32
    %add3A_98 = arith.addi %mul3A_2, %add3A_97 : i32
    %dma_wait3A = arith.constant 0 : i32
    %dma_wait3A_99 = arith.constant 0 : i32
    %dma_wait3A_100 = tpu.memref_slice %arg6[%dma_wait3A, %dma_wait3A_99] : memref<8x128xi32, #tpu.memory_space<vmem>> -> memref<1x128xi32, #tpu.memory_space<vmem>>
    %dma_wait3A_101 = tpu.memref_squeeze %dma_wait3A_100 : memref<1x128xi32, #tpu.memory_space<vmem>> -> memref<128xi32, #tpu.memory_space<vmem>>
    %dma_wait3A_102 = tpu.memref_slice %arg2[%add3A_98] : memref<640000xi32, #tpu.memory_space<hbm>> -> memref<128xi32, #tpu.memory_space<hbm>>
    %dma_wait3A_103 = arith.constant 0 : i32
    %dma_wait3A_104 = tpu.memref_slice %arg6[%dma_wait3A, %dma_wait3A_103] : memref<8x128xi32, #tpu.memory_space<vmem>> -> memref<1x128xi32, #tpu.memory_space<vmem>>
    %dma_wait3A_105 = tpu.memref_squeeze %dma_wait3A_104 : memref<1x128xi32, #tpu.memory_space<vmem>> -> memref<128xi32, #tpu.memory_space<vmem>>
    %dma_wait3A_106 = tpu.memref_slice %arg2[%add3A_98] : memref<640000xi32, #tpu.memory_space<hbm>> -> memref<128xi32, #tpu.memory_space<hbm>>
    tpu.wait_dma2 semaphore(%arg11 : memref<!tpu.dma_semaphore, #tpu.memory_space<semaphore_mem>>) src(%dma_wait3A_106 : memref<128xi32, #tpu.memory_space<hbm>>) dst(%dma_wait3A_105 : memref<128xi32, #tpu.memory_space<vmem>>)
    %dma_start3A_107 = arith.constant 0 : i32
    %dma_start3A_108 = arith.constant 0 : i32
    %dma_start3A_109 = tpu.memref_slice %arg6[%dma_start3A_107, %dma_start3A_108] : memref<8x128xi32, #tpu.memory_space<vmem>> -> memref<1x128xi32, #tpu.memory_space<vmem>>
    %dma_start3A_110 = tpu.memref_squeeze %dma_start3A_109 : memref<1x128xi32, #tpu.memory_space<vmem>> -> memref<128xi32, #tpu.memory_space<vmem>>
    %dma_start3A_111 = arith.constant 0 : i32
    %dma_start3A_112 = tpu.memref_slice %arg9[%dma_start3A_111] : memref<10240xf32, #tpu.memory_space<vmem_shared>> -> memref<10240xf32, #tpu.memory_space<vmem_shared>>
    tpu.enqueue_indirect_dma source(%arg7 : memref<128xf32, #tpu.memory_space<vmem>>) target(%dma_start3A_112 : memref<10240xf32, #tpu.memory_space<vmem_shared>>) offsets(%dma_start3A_110 : memref<128xi32, #tpu.memory_space<vmem>>) semaphore(%arg10 : memref<!tpu.dma_semaphore, #tpu.memory_space<semaphore_mem>>) {add = true}
    %add3A_113 = arith.constant 9344 : i32
    %add3A_114 = arith.addi %mul3A_2, %add3A_113 : i32
    %dma_wait3A_115 = arith.constant 1 : i32
    %dma_wait3A_116 = arith.constant 0 : i32
    %dma_wait3A_117 = tpu.memref_slice %arg6[%dma_wait3A_115, %dma_wait3A_116] : memref<8x128xi32, #tpu.memory_space<vmem>> -> memref<1x128xi32, #tpu.memory_space<vmem>>
    %dma_wait3A_118 = tpu.memref_squeeze %dma_wait3A_117 : memref<1x128xi32, #tpu.memory_space<vmem>> -> memref<128xi32, #tpu.memory_space<vmem>>
    %dma_wait3A_119 = tpu.memref_slice %arg2[%add3A_114] : memref<640000xi32, #tpu.memory_space<hbm>> -> memref<128xi32, #tpu.memory_space<hbm>>
    %dma_wait3A_120 = arith.constant 0 : i32
    %dma_wait3A_121 = tpu.memref_slice %arg6[%dma_wait3A_115, %dma_wait3A_120] : memref<8x128xi32, #tpu.memory_space<vmem>> -> memref<1x128xi32, #tpu.memory_space<vmem>>
    %dma_wait3A_122 = tpu.memref_squeeze %dma_wait3A_121 : memref<1x128xi32, #tpu.memory_space<vmem>> -> memref<128xi32, #tpu.memory_space<vmem>>
    %dma_wait3A_123 = tpu.memref_slice %arg2[%add3A_114] : memref<640000xi32, #tpu.memory_space<hbm>> -> memref<128xi32, #tpu.memory_space<hbm>>
    tpu.wait_dma2 semaphore(%arg12 : memref<!tpu.dma_semaphore, #tpu.memory_space<semaphore_mem>>) src(%dma_wait3A_123 : memref<128xi32, #tpu.memory_space<hbm>>) dst(%dma_wait3A_122 : memref<128xi32, #tpu.memory_space<vmem>>)
    %dma_start3A_124 = arith.constant 1 : i32
    %dma_start3A_125 = arith.constant 0 : i32
    %dma_start3A_126 = tpu.memref_slice %arg6[%dma_start3A_124, %dma_start3A_125] : memref<8x128xi32, #tpu.memory_space<vmem>> -> memref<1x128xi32, #tpu.memory_space<vmem>>
    %dma_start3A_127 = tpu.memref_squeeze %dma_start3A_126 : memref<1x128xi32, #tpu.memory_space<vmem>> -> memref<128xi32, #tpu.memory_space<vmem>>
    %dma_start3A_128 = arith.constant 0 : i32
    %dma_start3A_129 = tpu.memref_slice %arg9[%dma_start3A_128] : memref<10240xf32, #tpu.memory_space<vmem_shared>> -> memref<10240xf32, #tpu.memory_space<vmem_shared>>
    tpu.enqueue_indirect_dma source(%arg7 : memref<128xf32, #tpu.memory_space<vmem>>) target(%dma_start3A_129 : memref<10240xf32, #tpu.memory_space<vmem_shared>>) offsets(%dma_start3A_127 : memref<128xi32, #tpu.memory_space<vmem>>) semaphore(%arg10 : memref<!tpu.dma_semaphore, #tpu.memory_space<semaphore_mem>>) {add = true}
    %add3A_130 = arith.constant 9472 : i32
    %add3A_131 = arith.addi %mul3A_2, %add3A_130 : i32
    %dma_wait3A_132 = arith.constant 2 : i32
    %dma_wait3A_133 = arith.constant 0 : i32
    %dma_wait3A_134 = tpu.memref_slice %arg6[%dma_wait3A_132, %dma_wait3A_133] : memref<8x128xi32, #tpu.memory_space<vmem>> -> memref<1x128xi32, #tpu.memory_space<vmem>>
    %dma_wait3A_135 = tpu.memref_squeeze %dma_wait3A_134 : memref<1x128xi32, #tpu.memory_space<vmem>> -> memref<128xi32, #tpu.memory_space<vmem>>
    %dma_wait3A_136 = tpu.memref_slice %arg2[%add3A_131] : memref<640000xi32, #tpu.memory_space<hbm>> -> memref<128xi32, #tpu.memory_space<hbm>>
    %dma_wait3A_137 = arith.constant 0 : i32
    %dma_wait3A_138 = tpu.memref_slice %arg6[%dma_wait3A_132, %dma_wait3A_137] : memref<8x128xi32, #tpu.memory_space<vmem>> -> memref<1x128xi32, #tpu.memory_space<vmem>>
    %dma_wait3A_139 = tpu.memref_squeeze %dma_wait3A_138 : memref<1x128xi32, #tpu.memory_space<vmem>> -> memref<128xi32, #tpu.memory_space<vmem>>
    %dma_wait3A_140 = tpu.memref_slice %arg2[%add3A_131] : memref<640000xi32, #tpu.memory_space<hbm>> -> memref<128xi32, #tpu.memory_space<hbm>>
    tpu.wait_dma2 semaphore(%arg13 : memref<!tpu.dma_semaphore, #tpu.memory_space<semaphore_mem>>) src(%dma_wait3A_140 : memref<128xi32, #tpu.memory_space<hbm>>) dst(%dma_wait3A_139 : memref<128xi32, #tpu.memory_space<vmem>>)
    %dma_start3A_141 = arith.constant 2 : i32
    %dma_start3A_142 = arith.constant 0 : i32
    %dma_start3A_143 = tpu.memref_slice %arg6[%dma_start3A_141, %dma_start3A_142] : memref<8x128xi32, #tpu.memory_space<vmem>> -> memref<1x128xi32, #tpu.memory_space<vmem>>
    %dma_start3A_144 = tpu.memref_squeeze %dma_start3A_143 : memref<1x128xi32, #tpu.memory_space<vmem>> -> memref<128xi32, #tpu.memory_space<vmem>>
    %dma_start3A_145 = arith.constant 0 : i32
    %dma_start3A_146 = tpu.memref_slice %arg9[%dma_start3A_145] : memref<10240xf32, #tpu.memory_space<vmem_shared>> -> memref<10240xf32, #tpu.memory_space<vmem_shared>>
    tpu.enqueue_indirect_dma source(%arg7 : memref<128xf32, #tpu.memory_space<vmem>>) target(%dma_start3A_146 : memref<10240xf32, #tpu.memory_space<vmem_shared>>) offsets(%dma_start3A_144 : memref<128xi32, #tpu.memory_space<vmem>>) semaphore(%arg10 : memref<!tpu.dma_semaphore, #tpu.memory_space<semaphore_mem>>) {add = true}
    %add3A_147 = arith.constant 9600 : i32
    %add3A_148 = arith.addi %mul3A_2, %add3A_147 : i32
    %dma_wait3A_149 = arith.constant 3 : i32
    %dma_wait3A_150 = arith.constant 0 : i32
    %dma_wait3A_151 = tpu.memref_slice %arg6[%dma_wait3A_149, %dma_wait3A_150] : memref<8x128xi32, #tpu.memory_space<vmem>> -> memref<1x128xi32, #tpu.memory_space<vmem>>
    %dma_wait3A_152 = tpu.memref_squeeze %dma_wait3A_151 : memref<1x128xi32, #tpu.memory_space<vmem>> -> memref<128xi32, #tpu.memory_space<vmem>>
    %dma_wait3A_153 = tpu.memref_slice %arg2[%add3A_148] : memref<640000xi32, #tpu.memory_space<hbm>> -> memref<128xi32, #tpu.memory_space<hbm>>
    %dma_wait3A_154 = arith.constant 0 : i32
    %dma_wait3A_155 = tpu.memref_slice %arg6[%dma_wait3A_149, %dma_wait3A_154] : memref<8x128xi32, #tpu.memory_space<vmem>> -> memref<1x128xi32, #tpu.memory_space<vmem>>
    %dma_wait3A_156 = tpu.memref_squeeze %dma_wait3A_155 : memref<1x128xi32, #tpu.memory_space<vmem>> -> memref<128xi32, #tpu.memory_space<vmem>>
    %dma_wait3A_157 = tpu.memref_slice %arg2[%add3A_148] : memref<640000xi32, #tpu.memory_space<hbm>> -> memref<128xi32, #tpu.memory_space<hbm>>
    tpu.wait_dma2 semaphore(%arg14 : memref<!tpu.dma_semaphore, #tpu.memory_space<semaphore_mem>>) src(%dma_wait3A_157 : memref<128xi32, #tpu.memory_space<hbm>>) dst(%dma_wait3A_156 : memref<128xi32, #tpu.memory_space<vmem>>)
    %dma_start3A_158 = arith.constant 3 : i32
    %dma_start3A_159 = arith.constant 0 : i32
    %dma_start3A_160 = tpu.memref_slice %arg6[%dma_start3A_158, %dma_start3A_159] : memref<8x128xi32, #tpu.memory_space<vmem>> -> memref<1x128xi32, #tpu.memory_space<vmem>>
    %dma_start3A_161 = tpu.memref_squeeze %dma_start3A_160 : memref<1x128xi32, #tpu.memory_space<vmem>> -> memref<128xi32, #tpu.memory_space<vmem>>
    %dma_start3A_162 = arith.constant 0 : i32
    %dma_start3A_163 = tpu.memref_slice %arg9[%dma_start3A_162] : memref<10240xf32, #tpu.memory_space<vmem_shared>> -> memref<10240xf32, #tpu.memory_space<vmem_shared>>
    tpu.enqueue_indirect_dma source(%arg7 : memref<128xf32, #tpu.memory_space<vmem>>) target(%dma_start3A_163 : memref<10240xf32, #tpu.memory_space<vmem_shared>>) offsets(%dma_start3A_161 : memref<128xi32, #tpu.memory_space<vmem>>) semaphore(%arg10 : memref<!tpu.dma_semaphore, #tpu.memory_space<semaphore_mem>>) {add = true}
    %add3A_164 = arith.constant 9728 : i32
    %add3A_165 = arith.addi %mul3A_2, %add3A_164 : i32
    %dma_wait3A_166 = arith.constant 4 : i32
    %dma_wait3A_167 = arith.constant 0 : i32
    %dma_wait3A_168 = tpu.memref_slice %arg6[%dma_wait3A_166, %dma_wait3A_167] : memref<8x128xi32, #tpu.memory_space<vmem>> -> memref<1x128xi32, #tpu.memory_space<vmem>>
    %dma_wait3A_169 = tpu.memref_squeeze %dma_wait3A_168 : memref<1x128xi32, #tpu.memory_space<vmem>> -> memref<128xi32, #tpu.memory_space<vmem>>
    %dma_wait3A_170 = tpu.memref_slice %arg2[%add3A_165] : memref<640000xi32, #tpu.memory_space<hbm>> -> memref<128xi32, #tpu.memory_space<hbm>>
    %dma_wait3A_171 = arith.constant 0 : i32
    %dma_wait3A_172 = tpu.memref_slice %arg6[%dma_wait3A_166, %dma_wait3A_171] : memref<8x128xi32, #tpu.memory_space<vmem>> -> memref<1x128xi32, #tpu.memory_space<vmem>>
    %dma_wait3A_173 = tpu.memref_squeeze %dma_wait3A_172 : memref<1x128xi32, #tpu.memory_space<vmem>> -> memref<128xi32, #tpu.memory_space<vmem>>
    %dma_wait3A_174 = tpu.memref_slice %arg2[%add3A_165] : memref<640000xi32, #tpu.memory_space<hbm>> -> memref<128xi32, #tpu.memory_space<hbm>>
    tpu.wait_dma2 semaphore(%arg15 : memref<!tpu.dma_semaphore, #tpu.memory_space<semaphore_mem>>) src(%dma_wait3A_174 : memref<128xi32, #tpu.memory_space<hbm>>) dst(%dma_wait3A_173 : memref<128xi32, #tpu.memory_space<vmem>>)
    %dma_start3A_175 = arith.constant 4 : i32
    %dma_start3A_176 = arith.constant 0 : i32
    %dma_start3A_177 = tpu.memref_slice %arg6[%dma_start3A_175, %dma_start3A_176] : memref<8x128xi32, #tpu.memory_space<vmem>> -> memref<1x128xi32, #tpu.memory_space<vmem>>
    %dma_start3A_178 = tpu.memref_squeeze %dma_start3A_177 : memref<1x128xi32, #tpu.memory_space<vmem>> -> memref<128xi32, #tpu.memory_space<vmem>>
    %dma_start3A_179 = arith.constant 0 : i32
    %dma_start3A_180 = tpu.memref_slice %arg9[%dma_start3A_179] : memref<10240xf32, #tpu.memory_space<vmem_shared>> -> memref<10240xf32, #tpu.memory_space<vmem_shared>>
    tpu.enqueue_indirect_dma source(%arg7 : memref<128xf32, #tpu.memory_space<vmem>>) target(%dma_start3A_180 : memref<10240xf32, #tpu.memory_space<vmem_shared>>) offsets(%dma_start3A_178 : memref<128xi32, #tpu.memory_space<vmem>>) semaphore(%arg10 : memref<!tpu.dma_semaphore, #tpu.memory_space<semaphore_mem>>) {add = true}
    %add3A_181 = arith.constant 9856 : i32
    %add3A_182 = arith.addi %mul3A_2, %add3A_181 : i32
    %dma_wait3A_183 = arith.constant 5 : i32
    %dma_wait3A_184 = arith.constant 0 : i32
    %dma_wait3A_185 = tpu.memref_slice %arg6[%dma_wait3A_183, %dma_wait3A_184] : memref<8x128xi32, #tpu.memory_space<vmem>> -> memref<1x128xi32, #tpu.memory_space<vmem>>
    %dma_wait3A_186 = tpu.memref_squeeze %dma_wait3A_185 : memref<1x128xi32, #tpu.memory_space<vmem>> -> memref<128xi32, #tpu.memory_space<vmem>>
    %dma_wait3A_187 = tpu.memref_slice %arg2[%add3A_182] : memref<640000xi32, #tpu.memory_space<hbm>> -> memref<128xi32, #tpu.memory_space<hbm>>
    %dma_wait3A_188 = arith.constant 0 : i32
    %dma_wait3A_189 = tpu.memref_slice %arg6[%dma_wait3A_183, %dma_wait3A_188] : memref<8x128xi32, #tpu.memory_space<vmem>> -> memref<1x128xi32, #tpu.memory_space<vmem>>
    %dma_wait3A_190 = tpu.memref_squeeze %dma_wait3A_189 : memref<1x128xi32, #tpu.memory_space<vmem>> -> memref<128xi32, #tpu.memory_space<vmem>>
    %dma_wait3A_191 = tpu.memref_slice %arg2[%add3A_182] : memref<640000xi32, #tpu.memory_space<hbm>> -> memref<128xi32, #tpu.memory_space<hbm>>
    tpu.wait_dma2 semaphore(%arg16 : memref<!tpu.dma_semaphore, #tpu.memory_space<semaphore_mem>>) src(%dma_wait3A_191 : memref<128xi32, #tpu.memory_space<hbm>>) dst(%dma_wait3A_190 : memref<128xi32, #tpu.memory_space<vmem>>)
    %dma_start3A_192 = arith.constant 5 : i32
    %dma_start3A_193 = arith.constant 0 : i32
    %dma_start3A_194 = tpu.memref_slice %arg6[%dma_start3A_192, %dma_start3A_193] : memref<8x128xi32, #tpu.memory_space<vmem>> -> memref<1x128xi32, #tpu.memory_space<vmem>>
    %dma_start3A_195 = tpu.memref_squeeze %dma_start3A_194 : memref<1x128xi32, #tpu.memory_space<vmem>> -> memref<128xi32, #tpu.memory_space<vmem>>
    %dma_start3A_196 = arith.constant 0 : i32
    %dma_start3A_197 = tpu.memref_slice %arg9[%dma_start3A_196] : memref<10240xf32, #tpu.memory_space<vmem_shared>> -> memref<10240xf32, #tpu.memory_space<vmem_shared>>
    tpu.enqueue_indirect_dma source(%arg7 : memref<128xf32, #tpu.memory_space<vmem>>) target(%dma_start3A_197 : memref<10240xf32, #tpu.memory_space<vmem_shared>>) offsets(%dma_start3A_195 : memref<128xi32, #tpu.memory_space<vmem>>) semaphore(%arg10 : memref<!tpu.dma_semaphore, #tpu.memory_space<semaphore_mem>>) {add = true}
    %dma_wait3A_198 = arith.constant 0 : i32
    %dma_wait3A_199 = arith.constant 0 : i32
    %dma_wait3A_200 = tpu.memref_slice %arg6[%dma_wait3A_198, %dma_wait3A_199] : memref<8x128xi32, #tpu.memory_space<vmem>> -> memref<1x128xi32, #tpu.memory_space<vmem>>
    %dma_wait3A_201 = tpu.memref_squeeze %dma_wait3A_200 : memref<1x128xi32, #tpu.memory_space<vmem>> -> memref<128xi32, #tpu.memory_space<vmem>>
    %dma_wait3A_202 = arith.constant 0 : i32
    %dma_wait3A_203 = tpu.memref_slice %arg9[%dma_wait3A_202] : memref<10240xf32, #tpu.memory_space<vmem_shared>> -> memref<10240xf32, #tpu.memory_space<vmem_shared>>
    tpu.wait_indirect_dma semaphore(%arg10 : memref<!tpu.dma_semaphore, #tpu.memory_space<semaphore_mem>>) src(%arg7 : memref<128xf32, #tpu.memory_space<vmem>>) dst(%dma_wait3A_203 : memref<10240xf32, #tpu.memory_space<vmem_shared>>)
    %dma_wait3A_204 = arith.constant 1 : i32
    %dma_wait3A_205 = arith.constant 0 : i32
    %dma_wait3A_206 = tpu.memref_slice %arg6[%dma_wait3A_204, %dma_wait3A_205] : memref<8x128xi32, #tpu.memory_space<vmem>> -> memref<1x128xi32, #tpu.memory_space<vmem>>
    %dma_wait3A_207 = tpu.memref_squeeze %dma_wait3A_206 : memref<1x128xi32, #tpu.memory_space<vmem>> -> memref<128xi32, #tpu.memory_space<vmem>>
    %dma_wait3A_208 = arith.constant 0 : i32
    %dma_wait3A_209 = tpu.memref_slice %arg9[%dma_wait3A_208] : memref<10240xf32, #tpu.memory_space<vmem_shared>> -> memref<10240xf32, #tpu.memory_space<vmem_shared>>
    tpu.wait_indirect_dma semaphore(%arg10 : memref<!tpu.dma_semaphore, #tpu.memory_space<semaphore_mem>>) src(%arg7 : memref<128xf32, #tpu.memory_space<vmem>>) dst(%dma_wait3A_209 : memref<10240xf32, #tpu.memory_space<vmem_shared>>)
    %dma_wait3A_210 = arith.constant 2 : i32
    %dma_wait3A_211 = arith.constant 0 : i32
    %dma_wait3A_212 = tpu.memref_slice %arg6[%dma_wait3A_210, %dma_wait3A_211] : memref<8x128xi32, #tpu.memory_space<vmem>> -> memref<1x128xi32, #tpu.memory_space<vmem>>
    %dma_wait3A_213 = tpu.memref_squeeze %dma_wait3A_212 : memref<1x128xi32, #tpu.memory_space<vmem>> -> memref<128xi32, #tpu.memory_space<vmem>>
    %dma_wait3A_214 = arith.constant 0 : i32
    %dma_wait3A_215 = tpu.memref_slice %arg9[%dma_wait3A_214] : memref<10240xf32, #tpu.memory_space<vmem_shared>> -> memref<10240xf32, #tpu.memory_space<vmem_shared>>
    tpu.wait_indirect_dma semaphore(%arg10 : memref<!tpu.dma_semaphore, #tpu.memory_space<semaphore_mem>>) src(%arg7 : memref<128xf32, #tpu.memory_space<vmem>>) dst(%dma_wait3A_215 : memref<10240xf32, #tpu.memory_space<vmem_shared>>)
    %dma_wait3A_216 = arith.constant 3 : i32
    %dma_wait3A_217 = arith.constant 0 : i32
    %dma_wait3A_218 = tpu.memref_slice %arg6[%dma_wait3A_216, %dma_wait3A_217] : memref<8x128xi32, #tpu.memory_space<vmem>> -> memref<1x128xi32, #tpu.memory_space<vmem>>
    %dma_wait3A_219 = tpu.memref_squeeze %dma_wait3A_218 : memref<1x128xi32, #tpu.memory_space<vmem>> -> memref<128xi32, #tpu.memory_space<vmem>>
    %dma_wait3A_220 = arith.constant 0 : i32
    %dma_wait3A_221 = tpu.memref_slice %arg9[%dma_wait3A_220] : memref<10240xf32, #tpu.memory_space<vmem_shared>> -> memref<10240xf32, #tpu.memory_space<vmem_shared>>
    tpu.wait_indirect_dma semaphore(%arg10 : memref<!tpu.dma_semaphore, #tpu.memory_space<semaphore_mem>>) src(%arg7 : memref<128xf32, #tpu.memory_space<vmem>>) dst(%dma_wait3A_221 : memref<10240xf32, #tpu.memory_space<vmem_shared>>)
    %dma_wait3A_222 = arith.constant 4 : i32
    %dma_wait3A_223 = arith.constant 0 : i32
    %dma_wait3A_224 = tpu.memref_slice %arg6[%dma_wait3A_222, %dma_wait3A_223] : memref<8x128xi32, #tpu.memory_space<vmem>> -> memref<1x128xi32, #tpu.memory_space<vmem>>
    %dma_wait3A_225 = tpu.memref_squeeze %dma_wait3A_224 : memref<1x128xi32, #tpu.memory_space<vmem>> -> memref<128xi32, #tpu.memory_space<vmem>>
    %dma_wait3A_226 = arith.constant 0 : i32
    %dma_wait3A_227 = tpu.memref_slice %arg9[%dma_wait3A_226] : memref<10240xf32, #tpu.memory_space<vmem_shared>> -> memref<10240xf32, #tpu.memory_space<vmem_shared>>
    tpu.wait_indirect_dma semaphore(%arg10 : memref<!tpu.dma_semaphore, #tpu.memory_space<semaphore_mem>>) src(%arg7 : memref<128xf32, #tpu.memory_space<vmem>>) dst(%dma_wait3A_227 : memref<10240xf32, #tpu.memory_space<vmem_shared>>)
    %dma_wait3A_228 = arith.constant 5 : i32
    %dma_wait3A_229 = arith.constant 0 : i32
    %dma_wait3A_230 = tpu.memref_slice %arg6[%dma_wait3A_228, %dma_wait3A_229] : memref<8x128xi32, #tpu.memory_space<vmem>> -> memref<1x128xi32, #tpu.memory_space<vmem>>
    %dma_wait3A_231 = tpu.memref_squeeze %dma_wait3A_230 : memref<1x128xi32, #tpu.memory_space<vmem>> -> memref<128xi32, #tpu.memory_space<vmem>>
    %dma_wait3A_232 = arith.constant 0 : i32
    %dma_wait3A_233 = tpu.memref_slice %arg9[%dma_wait3A_232] : memref<10240xf32, #tpu.memory_space<vmem_shared>> -> memref<10240xf32, #tpu.memory_space<vmem_shared>>
    tpu.wait_indirect_dma semaphore(%arg10 : memref<!tpu.dma_semaphore, #tpu.memory_space<semaphore_mem>>) src(%arg7 : memref<128xf32, #tpu.memory_space<vmem>>) dst(%dma_wait3A_233 : memref<10240xf32, #tpu.memory_space<vmem_shared>>)
    %add3A_234 = arith.constant 9984 : i32
    %add3A_235 = arith.addi %mul3A_2, %add3A_234 : i32
    "tpu.region"() ({
      %run_scoped3A = tpu.sem_alloc : memref<!tpu.dma_semaphore, #tpu.memory_space<semaphore_mem>>
      %dma_start3A_239 = tpu.memref_slice %arg2[%add3A_235] : memref<640000xi32, #tpu.memory_space<hbm>> -> memref<16xi32, #tpu.memory_space<hbm>>
      %dma_start3A_240 = tpu.memref_slice %arg2[%add3A_235] : memref<640000xi32, #tpu.memory_space<hbm>> -> memref<16xi32, #tpu.memory_space<hbm>>
      tpu.enqueue_dma source(%dma_start3A_240 : memref<16xi32, #tpu.memory_space<hbm>>) target(%arg8 : memref<16xi32, #tpu.memory_space<vmem>>) target_semaphore(%run_scoped3A : memref<!tpu.dma_semaphore, #tpu.memory_space<semaphore_mem>>)
      %dma_wait3A_241 = tpu.memref_slice %arg2[%add3A_235] : memref<640000xi32, #tpu.memory_space<hbm>> -> memref<16xi32, #tpu.memory_space<hbm>>
      %dma_wait3A_242 = tpu.memref_slice %arg2[%add3A_235] : memref<640000xi32, #tpu.memory_space<hbm>> -> memref<16xi32, #tpu.memory_space<hbm>>
      tpu.wait_dma2 semaphore(%run_scoped3A : memref<!tpu.dma_semaphore, #tpu.memory_space<semaphore_mem>>) src(%dma_wait3A_242 : memref<16xi32, #tpu.memory_space<hbm>>) dst(%arg8 : memref<16xi32, #tpu.memory_space<vmem>>)
      tpu.yield
    }) : () -> ()
    "tpu.region"() ({
      %run_scoped3A = tpu.sem_alloc : memref<!tpu.dma_semaphore, #tpu.memory_space<semaphore_mem>>
      %dma_start3A_239 = arith.constant 0 : i32
      %dma_start3A_240 = tpu.memref_slice %arg7[%dma_start3A_239] : memref<128xf32, #tpu.memory_space<vmem>> -> memref<16xf32, #tpu.memory_space<vmem>>
      %dma_start3A_241 = arith.constant 0 : i32
      %dma_start3A_242 = tpu.memref_slice %arg9[%dma_start3A_241] : memref<10240xf32, #tpu.memory_space<vmem_shared>> -> memref<10240xf32, #tpu.memory_space<vmem_shared>>
      tpu.enqueue_indirect_dma source(%dma_start3A_240 : memref<16xf32, #tpu.memory_space<vmem>>) target(%dma_start3A_242 : memref<10240xf32, #tpu.memory_space<vmem_shared>>) offsets(%arg8 : memref<16xi32, #tpu.memory_space<vmem>>) semaphore(%run_scoped3A : memref<!tpu.dma_semaphore, #tpu.memory_space<semaphore_mem>>) {add = true}
      %dma_wait3A_243 = arith.constant 0 : i32
      %dma_wait3A_244 = tpu.memref_slice %arg7[%dma_wait3A_243] : memref<128xf32, #tpu.memory_space<vmem>> -> memref<16xf32, #tpu.memory_space<vmem>>
      %dma_wait3A_245 = arith.constant 0 : i32
      %dma_wait3A_246 = tpu.memref_slice %arg9[%dma_wait3A_245] : memref<10240xf32, #tpu.memory_space<vmem_shared>> -> memref<10240xf32, #tpu.memory_space<vmem_shared>>
      tpu.wait_indirect_dma semaphore(%run_scoped3A : memref<!tpu.dma_semaphore, #tpu.memory_space<semaphore_mem>>) src(%dma_wait3A_244 : memref<16xf32, #tpu.memory_space<vmem>>) dst(%dma_wait3A_246 : memref<10240xf32, #tpu.memory_space<vmem_shared>>)
      tpu.yield
    }) : () -> ()
    %barrier3A_236 = arith.constant 0 : index
    tpu.barrier barrier_id(%barrier3A_236)
    %eq3A = arith.constant 0 : i32
    %eq3A_237 = arith.cmpi eq, %arg1, %eq3A : i32
    %convert_element_type3A = arith.extui %eq3A_237 : i1 to i32
    %cond3A = arith.constant 0 : i32
    %cond3A_238 = arith.cmpi ne, %convert_element_type3A, %cond3A : i32
    scf.if %cond3A_238 {
      "tpu.region"() ({
        %run_scoped3A = tpu.sem_alloc : memref<!tpu.dma_semaphore, #tpu.memory_space<semaphore_mem>>
        %dma_start3A_239 = arith.constant 0 : i32
        %dma_start3A_240 = tpu.memref_slice %arg5[%arg0, %dma_start3A_239] : memref<2x10240xf32, #tpu.memory_space<hbm>> -> memref<1x10240xf32, #tpu.memory_space<hbm>>
        %dma_start3A_241 = tpu.memref_squeeze %dma_start3A_240 : memref<1x10240xf32, #tpu.memory_space<hbm>> -> memref<10240xf32, #tpu.memory_space<hbm>>
        tpu.enqueue_dma source(%arg9 : memref<10240xf32, #tpu.memory_space<vmem_shared>>) target(%dma_start3A_241 : memref<10240xf32, #tpu.memory_space<hbm>>) target_semaphore(%run_scoped3A : memref<!tpu.dma_semaphore, #tpu.memory_space<semaphore_mem>>)
        %dma_wait3A_242 = arith.constant 0 : i32
        %dma_wait3A_243 = tpu.memref_slice %arg5[%arg0, %dma_wait3A_242] : memref<2x10240xf32, #tpu.memory_space<hbm>> -> memref<1x10240xf32, #tpu.memory_space<hbm>>
        %dma_wait3A_244 = tpu.memref_squeeze %dma_wait3A_243 : memref<1x10240xf32, #tpu.memory_space<hbm>> -> memref<10240xf32, #tpu.memory_space<hbm>>
        tpu.wait_dma2 semaphore(%run_scoped3A : memref<!tpu.dma_semaphore, #tpu.memory_space<semaphore_mem>>) src(%arg9 : memref<10240xf32, #tpu.memory_space<vmem_shared>>) dst(%dma_wait3A_244 : memref<10240xf32, #tpu.memory_space<hbm>>)
        tpu.yield
      }) : () -> ()
    } else {
    }
    return
  }
}

#map = affine_map<(d0, d1) -> (0, 0)>
#map1 = affine_map<(d0, d1) -> (0)>
#map2 = affine_map<(d0, d1) -> (0, 0, 0)>
module attributes {stable_mosaic.version = 14 : i64} {
  func.func @_sc_agg_body(%arg0: i32, %arg1: i32, %arg2: memref<10000x128xf32, #tpu.memory_space<hbm>>, %arg3: memref<640000xi32, #tpu.memory_space<hbm>>, %arg4: memref<640x128xf32, #tpu.memory_space<hbm>>, %arg5: memref<2x10240x128xf32, #tpu.memory_space<hbm>>, %arg6: memref<4x128xi32, #tpu.memory_space<vmem>>, %arg7: memref<4x128xi32, #tpu.memory_space<vmem>>, %arg8: memref<16xi32, #tpu.memory_space<vmem>>, %arg9: memref<16xi32, #tpu.memory_space<vmem>>, %arg10: memref<128x128xf32, #tpu.memory_space<vmem>>, %arg11: memref<128x128xf32, #tpu.memory_space<vmem>>, %arg12: memref<10240x128xf32, #tpu.memory_space<vmem_shared>>, %arg13: memref<!tpu.dma_semaphore, #tpu.memory_space<semaphore_mem>>, %arg14: memref<!tpu.dma_semaphore, #tpu.memory_space<semaphore_mem>>, %arg15: memref<!tpu.dma_semaphore, #tpu.memory_space<semaphore_mem>>, %arg16: memref<!tpu.dma_semaphore, #tpu.memory_space<semaphore_mem>>, %arg17: memref<!tpu.dma_semaphore, #tpu.memory_space<semaphore_mem>>, %arg18: memref<!tpu.dma_semaphore, #tpu.memory_space<semaphore_mem>>, %arg19: memref<!tpu.dma_semaphore, #tpu.memory_space<semaphore_mem>>, %arg20: memref<!tpu.dma_semaphore, #tpu.memory_space<semaphore_mem>>, %arg21: memref<!tpu.dma_semaphore, #tpu.memory_space<semaphore_mem>>, %arg22: memref<!tpu.dma_semaphore, #tpu.memory_space<semaphore_mem>>) attributes {dimension_semantics = [#tpu.dimension_semantics<core_parallel>, #tpu.dimension_semantics<subcore_parallel>], iteration_bounds = array<i64: 2, 16>, scalar_prefetch = 0 : i64, scratch_operands = 17 : i64, tpu.core_type = #tpu.core_type<sc_vector_subcore>, window_params = [{transform_indices = #map}, {transform_indices = #map1}, {transform_indices = #map}, {transform_indices = #map2}]} {
    %mul3A = arith.constant 16 : i32
    %mul3A_0 = arith.muli %arg0, %mul3A : i32
    %add3A = arith.addi %mul3A_0, %arg1 : i32
    %mul3A_1 = arith.constant 10000 : i32
    %mul3A_2 = arith.muli %add3A, %mul3A_1 : i32
    %add3A_3 = arith.constant 320000 : i32
    %add3A_4 = arith.addi %add3A_3, %mul3A_2 : i32
    %mul3A_5 = arith.constant 640 : i32
    %mul3A_6 = arith.muli %arg1, %mul3A_5 : i32
    "tpu.region"() ({
      %run_scoped3A_180 = tpu.sem_alloc : memref<!tpu.dma_semaphore, #tpu.memory_space<semaphore_mem>>
      %dma_start3A_181 = arith.constant 0 : i32
      %dma_start3A_182 = tpu.memref_slice %arg12[%mul3A_6, %dma_start3A_181] : memref<10240x128xf32, #tpu.memory_space<vmem_shared>> -> memref<640x128xf32, #tpu.memory_space<vmem_shared>>
      tpu.enqueue_dma source(%arg4 : memref<640x128xf32, #tpu.memory_space<hbm>>) target(%dma_start3A_182 : memref<640x128xf32, #tpu.memory_space<vmem_shared>>) target_semaphore(%run_scoped3A_180 : memref<!tpu.dma_semaphore, #tpu.memory_space<semaphore_mem>>)
      %dma_wait3A_183 = arith.constant 0 : i32
      %dma_wait3A_184 = tpu.memref_slice %arg12[%mul3A_6, %dma_wait3A_183] : memref<10240x128xf32, #tpu.memory_space<vmem_shared>> -> memref<640x128xf32, #tpu.memory_space<vmem_shared>>
      tpu.wait_dma2 semaphore(%run_scoped3A_180 : memref<!tpu.dma_semaphore, #tpu.memory_space<semaphore_mem>>) src(%arg4 : memref<640x128xf32, #tpu.memory_space<hbm>>) dst(%dma_wait3A_184 : memref<640x128xf32, #tpu.memory_space<vmem_shared>>)
      tpu.yield
    }) : () -> ()
    %add3A_7 = arith.constant 0 : i32
    %add3A_8 = arith.addi %mul3A_2, %add3A_7 : i32
    %dma_start3A = arith.constant 0 : i32
    %dma_start3A_9 = arith.constant 0 : i32
    %dma_start3A_10 = tpu.memref_slice %arg6[%dma_start3A, %dma_start3A_9] : memref<4x128xi32, #tpu.memory_space<vmem>> -> memref<1x128xi32, #tpu.memory_space<vmem>>
    %dma_start3A_11 = tpu.memref_squeeze %dma_start3A_10 : memref<1x128xi32, #tpu.memory_space<vmem>> -> memref<128xi32, #tpu.memory_space<vmem>>
    %dma_start3A_12 = tpu.memref_slice %arg3[%add3A_8] : memref<640000xi32, #tpu.memory_space<hbm>> -> memref<128xi32, #tpu.memory_space<hbm>>
    %dma_start3A_13 = arith.constant 0 : i32
    %dma_start3A_14 = tpu.memref_slice %arg6[%dma_start3A, %dma_start3A_13] : memref<4x128xi32, #tpu.memory_space<vmem>> -> memref<1x128xi32, #tpu.memory_space<vmem>>
    %dma_start3A_15 = tpu.memref_squeeze %dma_start3A_14 : memref<1x128xi32, #tpu.memory_space<vmem>> -> memref<128xi32, #tpu.memory_space<vmem>>
    %dma_start3A_16 = tpu.memref_slice %arg3[%add3A_8] : memref<640000xi32, #tpu.memory_space<hbm>> -> memref<128xi32, #tpu.memory_space<hbm>>
    tpu.enqueue_dma source(%dma_start3A_16 : memref<128xi32, #tpu.memory_space<hbm>>) target(%dma_start3A_15 : memref<128xi32, #tpu.memory_space<vmem>>) target_semaphore(%arg15 : memref<!tpu.dma_semaphore, #tpu.memory_space<semaphore_mem>>)
    %add3A_17 = arith.constant 0 : i32
    %add3A_18 = arith.addi %add3A_4, %add3A_17 : i32
    %dma_start3A_19 = arith.constant 0 : i32
    %dma_start3A_20 = arith.constant 0 : i32
    %dma_start3A_21 = tpu.memref_slice %arg7[%dma_start3A_19, %dma_start3A_20] : memref<4x128xi32, #tpu.memory_space<vmem>> -> memref<1x128xi32, #tpu.memory_space<vmem>>
    %dma_start3A_22 = tpu.memref_squeeze %dma_start3A_21 : memref<1x128xi32, #tpu.memory_space<vmem>> -> memref<128xi32, #tpu.memory_space<vmem>>
    %dma_start3A_23 = tpu.memref_slice %arg3[%add3A_18] : memref<640000xi32, #tpu.memory_space<hbm>> -> memref<128xi32, #tpu.memory_space<hbm>>
    %dma_start3A_24 = arith.constant 0 : i32
    %dma_start3A_25 = tpu.memref_slice %arg7[%dma_start3A_19, %dma_start3A_24] : memref<4x128xi32, #tpu.memory_space<vmem>> -> memref<1x128xi32, #tpu.memory_space<vmem>>
    %dma_start3A_26 = tpu.memref_squeeze %dma_start3A_25 : memref<1x128xi32, #tpu.memory_space<vmem>> -> memref<128xi32, #tpu.memory_space<vmem>>
    %dma_start3A_27 = tpu.memref_slice %arg3[%add3A_18] : memref<640000xi32, #tpu.memory_space<hbm>> -> memref<128xi32, #tpu.memory_space<hbm>>
    tpu.enqueue_dma source(%dma_start3A_27 : memref<128xi32, #tpu.memory_space<hbm>>) target(%dma_start3A_26 : memref<128xi32, #tpu.memory_space<vmem>>) target_semaphore(%arg19 : memref<!tpu.dma_semaphore, #tpu.memory_space<semaphore_mem>>)
    %add3A_28 = arith.constant 128 : i32
    %add3A_29 = arith.addi %mul3A_2, %add3A_28 : i32
    %dma_start3A_30 = arith.constant 1 : i32
    %dma_start3A_31 = arith.constant 0 : i32
    %dma_start3A_32 = tpu.memref_slice %arg6[%dma_start3A_30, %dma_start3A_31] : memref<4x128xi32, #tpu.memory_space<vmem>> -> memref<1x128xi32, #tpu.memory_space<vmem>>
    %dma_start3A_33 = tpu.memref_squeeze %dma_start3A_32 : memref<1x128xi32, #tpu.memory_space<vmem>> -> memref<128xi32, #tpu.memory_space<vmem>>
    %dma_start3A_34 = tpu.memref_slice %arg3[%add3A_29] : memref<640000xi32, #tpu.memory_space<hbm>> -> memref<128xi32, #tpu.memory_space<hbm>>
    %dma_start3A_35 = arith.constant 0 : i32
    %dma_start3A_36 = tpu.memref_slice %arg6[%dma_start3A_30, %dma_start3A_35] : memref<4x128xi32, #tpu.memory_space<vmem>> -> memref<1x128xi32, #tpu.memory_space<vmem>>
    %dma_start3A_37 = tpu.memref_squeeze %dma_start3A_36 : memref<1x128xi32, #tpu.memory_space<vmem>> -> memref<128xi32, #tpu.memory_space<vmem>>
    %dma_start3A_38 = tpu.memref_slice %arg3[%add3A_29] : memref<640000xi32, #tpu.memory_space<hbm>> -> memref<128xi32, #tpu.memory_space<hbm>>
    tpu.enqueue_dma source(%dma_start3A_38 : memref<128xi32, #tpu.memory_space<hbm>>) target(%dma_start3A_37 : memref<128xi32, #tpu.memory_space<vmem>>) target_semaphore(%arg16 : memref<!tpu.dma_semaphore, #tpu.memory_space<semaphore_mem>>)
    %add3A_39 = arith.constant 128 : i32
    %add3A_40 = arith.addi %add3A_4, %add3A_39 : i32
    %dma_start3A_41 = arith.constant 1 : i32
    %dma_start3A_42 = arith.constant 0 : i32
    %dma_start3A_43 = tpu.memref_slice %arg7[%dma_start3A_41, %dma_start3A_42] : memref<4x128xi32, #tpu.memory_space<vmem>> -> memref<1x128xi32, #tpu.memory_space<vmem>>
    %dma_start3A_44 = tpu.memref_squeeze %dma_start3A_43 : memref<1x128xi32, #tpu.memory_space<vmem>> -> memref<128xi32, #tpu.memory_space<vmem>>
    %dma_start3A_45 = tpu.memref_slice %arg3[%add3A_40] : memref<640000xi32, #tpu.memory_space<hbm>> -> memref<128xi32, #tpu.memory_space<hbm>>
    %dma_start3A_46 = arith.constant 0 : i32
    %dma_start3A_47 = tpu.memref_slice %arg7[%dma_start3A_41, %dma_start3A_46] : memref<4x128xi32, #tpu.memory_space<vmem>> -> memref<1x128xi32, #tpu.memory_space<vmem>>
    %dma_start3A_48 = tpu.memref_squeeze %dma_start3A_47 : memref<1x128xi32, #tpu.memory_space<vmem>> -> memref<128xi32, #tpu.memory_space<vmem>>
    %dma_start3A_49 = tpu.memref_slice %arg3[%add3A_40] : memref<640000xi32, #tpu.memory_space<hbm>> -> memref<128xi32, #tpu.memory_space<hbm>>
    tpu.enqueue_dma source(%dma_start3A_49 : memref<128xi32, #tpu.memory_space<hbm>>) target(%dma_start3A_48 : memref<128xi32, #tpu.memory_space<vmem>>) target_semaphore(%arg20 : memref<!tpu.dma_semaphore, #tpu.memory_space<semaphore_mem>>)
    %add3A_50 = arith.constant 256 : i32
    %add3A_51 = arith.addi %mul3A_2, %add3A_50 : i32
    %dma_start3A_52 = arith.constant 2 : i32
    %dma_start3A_53 = arith.constant 0 : i32
    %dma_start3A_54 = tpu.memref_slice %arg6[%dma_start3A_52, %dma_start3A_53] : memref<4x128xi32, #tpu.memory_space<vmem>> -> memref<1x128xi32, #tpu.memory_space<vmem>>
    %dma_start3A_55 = tpu.memref_squeeze %dma_start3A_54 : memref<1x128xi32, #tpu.memory_space<vmem>> -> memref<128xi32, #tpu.memory_space<vmem>>
    %dma_start3A_56 = tpu.memref_slice %arg3[%add3A_51] : memref<640000xi32, #tpu.memory_space<hbm>> -> memref<128xi32, #tpu.memory_space<hbm>>
    %dma_start3A_57 = arith.constant 0 : i32
    %dma_start3A_58 = tpu.memref_slice %arg6[%dma_start3A_52, %dma_start3A_57] : memref<4x128xi32, #tpu.memory_space<vmem>> -> memref<1x128xi32, #tpu.memory_space<vmem>>
    %dma_start3A_59 = tpu.memref_squeeze %dma_start3A_58 : memref<1x128xi32, #tpu.memory_space<vmem>> -> memref<128xi32, #tpu.memory_space<vmem>>
    %dma_start3A_60 = tpu.memref_slice %arg3[%add3A_51] : memref<640000xi32, #tpu.memory_space<hbm>> -> memref<128xi32, #tpu.memory_space<hbm>>
    tpu.enqueue_dma source(%dma_start3A_60 : memref<128xi32, #tpu.memory_space<hbm>>) target(%dma_start3A_59 : memref<128xi32, #tpu.memory_space<vmem>>) target_semaphore(%arg17 : memref<!tpu.dma_semaphore, #tpu.memory_space<semaphore_mem>>)
    %add3A_61 = arith.constant 256 : i32
    %add3A_62 = arith.addi %add3A_4, %add3A_61 : i32
    %dma_start3A_63 = arith.constant 2 : i32
    %dma_start3A_64 = arith.constant 0 : i32
    %dma_start3A_65 = tpu.memref_slice %arg7[%dma_start3A_63, %dma_start3A_64] : memref<4x128xi32, #tpu.memory_space<vmem>> -> memref<1x128xi32, #tpu.memory_space<vmem>>
    %dma_start3A_66 = tpu.memref_squeeze %dma_start3A_65 : memref<1x128xi32, #tpu.memory_space<vmem>> -> memref<128xi32, #tpu.memory_space<vmem>>
    %dma_start3A_67 = tpu.memref_slice %arg3[%add3A_62] : memref<640000xi32, #tpu.memory_space<hbm>> -> memref<128xi32, #tpu.memory_space<hbm>>
    %dma_start3A_68 = arith.constant 0 : i32
    %dma_start3A_69 = tpu.memref_slice %arg7[%dma_start3A_63, %dma_start3A_68] : memref<4x128xi32, #tpu.memory_space<vmem>> -> memref<1x128xi32, #tpu.memory_space<vmem>>
    %dma_start3A_70 = tpu.memref_squeeze %dma_start3A_69 : memref<1x128xi32, #tpu.memory_space<vmem>> -> memref<128xi32, #tpu.memory_space<vmem>>
    %dma_start3A_71 = tpu.memref_slice %arg3[%add3A_62] : memref<640000xi32, #tpu.memory_space<hbm>> -> memref<128xi32, #tpu.memory_space<hbm>>
    tpu.enqueue_dma source(%dma_start3A_71 : memref<128xi32, #tpu.memory_space<hbm>>) target(%dma_start3A_70 : memref<128xi32, #tpu.memory_space<vmem>>) target_semaphore(%arg21 : memref<!tpu.dma_semaphore, #tpu.memory_space<semaphore_mem>>)
    %add3A_72 = arith.constant 384 : i32
    %add3A_73 = arith.addi %mul3A_2, %add3A_72 : i32
    %dma_start3A_74 = arith.constant 3 : i32
    %dma_start3A_75 = arith.constant 0 : i32
    %dma_start3A_76 = tpu.memref_slice %arg6[%dma_start3A_74, %dma_start3A_75] : memref<4x128xi32, #tpu.memory_space<vmem>> -> memref<1x128xi32, #tpu.memory_space<vmem>>
    %dma_start3A_77 = tpu.memref_squeeze %dma_start3A_76 : memref<1x128xi32, #tpu.memory_space<vmem>> -> memref<128xi32, #tpu.memory_space<vmem>>
    %dma_start3A_78 = tpu.memref_slice %arg3[%add3A_73] : memref<640000xi32, #tpu.memory_space<hbm>> -> memref<128xi32, #tpu.memory_space<hbm>>
    %dma_start3A_79 = arith.constant 0 : i32
    %dma_start3A_80 = tpu.memref_slice %arg6[%dma_start3A_74, %dma_start3A_79] : memref<4x128xi32, #tpu.memory_space<vmem>> -> memref<1x128xi32, #tpu.memory_space<vmem>>
    %dma_start3A_81 = tpu.memref_squeeze %dma_start3A_80 : memref<1x128xi32, #tpu.memory_space<vmem>> -> memref<128xi32, #tpu.memory_space<vmem>>
    %dma_start3A_82 = tpu.memref_slice %arg3[%add3A_73] : memref<640000xi32, #tpu.memory_space<hbm>> -> memref<128xi32, #tpu.memory_space<hbm>>
    tpu.enqueue_dma source(%dma_start3A_82 : memref<128xi32, #tpu.memory_space<hbm>>) target(%dma_start3A_81 : memref<128xi32, #tpu.memory_space<vmem>>) target_semaphore(%arg18 : memref<!tpu.dma_semaphore, #tpu.memory_space<semaphore_mem>>)
    %add3A_83 = arith.constant 384 : i32
    %add3A_84 = arith.addi %add3A_4, %add3A_83 : i32
    %dma_start3A_85 = arith.constant 3 : i32
    %dma_start3A_86 = arith.constant 0 : i32
    %dma_start3A_87 = tpu.memref_slice %arg7[%dma_start3A_85, %dma_start3A_86] : memref<4x128xi32, #tpu.memory_space<vmem>> -> memref<1x128xi32, #tpu.memory_space<vmem>>
    %dma_start3A_88 = tpu.memref_squeeze %dma_start3A_87 : memref<1x128xi32, #tpu.memory_space<vmem>> -> memref<128xi32, #tpu.memory_space<vmem>>
    %dma_start3A_89 = tpu.memref_slice %arg3[%add3A_84] : memref<640000xi32, #tpu.memory_space<hbm>> -> memref<128xi32, #tpu.memory_space<hbm>>
    %dma_start3A_90 = arith.constant 0 : i32
    %dma_start3A_91 = tpu.memref_slice %arg7[%dma_start3A_85, %dma_start3A_90] : memref<4x128xi32, #tpu.memory_space<vmem>> -> memref<1x128xi32, #tpu.memory_space<vmem>>
    %dma_start3A_92 = tpu.memref_squeeze %dma_start3A_91 : memref<1x128xi32, #tpu.memory_space<vmem>> -> memref<128xi32, #tpu.memory_space<vmem>>
    %dma_start3A_93 = tpu.memref_slice %arg3[%add3A_84] : memref<640000xi32, #tpu.memory_space<hbm>> -> memref<128xi32, #tpu.memory_space<hbm>>
    tpu.enqueue_dma source(%dma_start3A_93 : memref<128xi32, #tpu.memory_space<hbm>>) target(%dma_start3A_92 : memref<128xi32, #tpu.memory_space<vmem>>) target_semaphore(%arg22 : memref<!tpu.dma_semaphore, #tpu.memory_space<semaphore_mem>>)
    %add3A_94 = arith.constant 0 : i32
    %add3A_95 = arith.addi %mul3A_2, %add3A_94 : i32
    %dma_wait3A = arith.constant 0 : i32
    %dma_wait3A_96 = arith.constant 0 : i32
    %dma_wait3A_97 = tpu.memref_slice %arg6[%dma_wait3A, %dma_wait3A_96] : memref<4x128xi32, #tpu.memory_space<vmem>> -> memref<1x128xi32, #tpu.memory_space<vmem>>
    %dma_wait3A_98 = tpu.memref_squeeze %dma_wait3A_97 : memref<1x128xi32, #tpu.memory_space<vmem>> -> memref<128xi32, #tpu.memory_space<vmem>>
    %dma_wait3A_99 = tpu.memref_slice %arg3[%add3A_95] : memref<640000xi32, #tpu.memory_space<hbm>> -> memref<128xi32, #tpu.memory_space<hbm>>
    %dma_wait3A_100 = arith.constant 0 : i32
    %dma_wait3A_101 = tpu.memref_slice %arg6[%dma_wait3A, %dma_wait3A_100] : memref<4x128xi32, #tpu.memory_space<vmem>> -> memref<1x128xi32, #tpu.memory_space<vmem>>
    %dma_wait3A_102 = tpu.memref_squeeze %dma_wait3A_101 : memref<1x128xi32, #tpu.memory_space<vmem>> -> memref<128xi32, #tpu.memory_space<vmem>>
    %dma_wait3A_103 = tpu.memref_slice %arg3[%add3A_95] : memref<640000xi32, #tpu.memory_space<hbm>> -> memref<128xi32, #tpu.memory_space<hbm>>
    tpu.wait_dma2 semaphore(%arg15 : memref<!tpu.dma_semaphore, #tpu.memory_space<semaphore_mem>>) src(%dma_wait3A_103 : memref<128xi32, #tpu.memory_space<hbm>>) dst(%dma_wait3A_102 : memref<128xi32, #tpu.memory_space<vmem>>)
    %dma_start3A_104 = arith.constant 0 : i32
    %dma_start3A_105 = arith.constant 0 : i32
    %dma_start3A_106 = tpu.memref_slice %arg6[%dma_start3A_104, %dma_start3A_105] : memref<4x128xi32, #tpu.memory_space<vmem>> -> memref<1x128xi32, #tpu.memory_space<vmem>>
    %dma_start3A_107 = tpu.memref_squeeze %dma_start3A_106 : memref<1x128xi32, #tpu.memory_space<vmem>> -> memref<128xi32, #tpu.memory_space<vmem>>
    %dma_start3A_108 = arith.constant 0 : i32
    %dma_start3A_109 = arith.constant 0 : i32
    %dma_start3A_110 = tpu.memref_slice %arg2[%dma_start3A_108, %dma_start3A_109] : memref<10000x128xf32, #tpu.memory_space<hbm>> -> memref<10000x128xf32, #tpu.memory_space<hbm>>
    tpu.enqueue_indirect_dma source(%dma_start3A_110 : memref<10000x128xf32, #tpu.memory_space<hbm>>) target(%arg10 : memref<128x128xf32, #tpu.memory_space<vmem>>) offsets(%dma_start3A_107 : memref<128xi32, #tpu.memory_space<vmem>>) semaphore(%arg13 : memref<!tpu.dma_semaphore, #tpu.memory_space<semaphore_mem>>)
    %add3A_111 = arith.constant 128 : i32
    %add3A_112 = arith.addi %mul3A_2, %add3A_111 : i32
    %dma_wait3A_113 = arith.constant 1 : i32
    %dma_wait3A_114 = arith.constant 0 : i32
    %dma_wait3A_115 = tpu.memref_slice %arg6[%dma_wait3A_113, %dma_wait3A_114] : memref<4x128xi32, #tpu.memory_space<vmem>> -> memref<1x128xi32, #tpu.memory_space<vmem>>
    %dma_wait3A_116 = tpu.memref_squeeze %dma_wait3A_115 : memref<1x128xi32, #tpu.memory_space<vmem>> -> memref<128xi32, #tpu.memory_space<vmem>>
    %dma_wait3A_117 = tpu.memref_slice %arg3[%add3A_112] : memref<640000xi32, #tpu.memory_space<hbm>> -> memref<128xi32, #tpu.memory_space<hbm>>
    %dma_wait3A_118 = arith.constant 0 : i32
    %dma_wait3A_119 = tpu.memref_slice %arg6[%dma_wait3A_113, %dma_wait3A_118] : memref<4x128xi32, #tpu.memory_space<vmem>> -> memref<1x128xi32, #tpu.memory_space<vmem>>
    %dma_wait3A_120 = tpu.memref_squeeze %dma_wait3A_119 : memref<1x128xi32, #tpu.memory_space<vmem>> -> memref<128xi32, #tpu.memory_space<vmem>>
    %dma_wait3A_121 = tpu.memref_slice %arg3[%add3A_112] : memref<640000xi32, #tpu.memory_space<hbm>> -> memref<128xi32, #tpu.memory_space<hbm>>
    tpu.wait_dma2 semaphore(%arg16 : memref<!tpu.dma_semaphore, #tpu.memory_space<semaphore_mem>>) src(%dma_wait3A_121 : memref<128xi32, #tpu.memory_space<hbm>>) dst(%dma_wait3A_120 : memref<128xi32, #tpu.memory_space<vmem>>)
    %dma_start3A_122 = arith.constant 1 : i32
    %dma_start3A_123 = arith.constant 0 : i32
    %dma_start3A_124 = tpu.memref_slice %arg6[%dma_start3A_122, %dma_start3A_123] : memref<4x128xi32, #tpu.memory_space<vmem>> -> memref<1x128xi32, #tpu.memory_space<vmem>>
    %dma_start3A_125 = tpu.memref_squeeze %dma_start3A_124 : memref<1x128xi32, #tpu.memory_space<vmem>> -> memref<128xi32, #tpu.memory_space<vmem>>
    %dma_start3A_126 = arith.constant 0 : i32
    %dma_start3A_127 = arith.constant 0 : i32
    %dma_start3A_128 = tpu.memref_slice %arg2[%dma_start3A_126, %dma_start3A_127] : memref<10000x128xf32, #tpu.memory_space<hbm>> -> memref<10000x128xf32, #tpu.memory_space<hbm>>
    tpu.enqueue_indirect_dma source(%dma_start3A_128 : memref<10000x128xf32, #tpu.memory_space<hbm>>) target(%arg11 : memref<128x128xf32, #tpu.memory_space<vmem>>) offsets(%dma_start3A_125 : memref<128xi32, #tpu.memory_space<vmem>>) semaphore(%arg14 : memref<!tpu.dma_semaphore, #tpu.memory_space<semaphore_mem>>)
    %barrier3A = arith.constant 0 : index
    tpu.barrier barrier_id(%barrier3A)
    %scan3A = arith.constant 0 : i32
    %scan3A_129 = arith.constant 0 : i32
    %scan3A_130 = arith.constant 19 : i32
    %scan3A_131 = arith.addi %scan3A_129, %scan3A_130 : i32
    %scan3A_132 = arith.constant 1 : i32
    scf.for %scan3A_180 = %scan3A_129 to %scan3A_131 step %scan3A_132  : i32 {
      %mul3A_181 = arith.constant 4 : i32
      %mul3A_182 = arith.muli %mul3A_181, %scan3A_180 : i32
      %add3A_183 = arith.constant 0 : i32
      %add3A_184 = arith.addi %mul3A_182, %add3A_183 : i32
      %dma_wait3A_185 = arith.constant 0 : i32
      %dma_wait3A_186 = arith.constant 0 : i32
      %dma_wait3A_187 = tpu.memref_slice %arg6[%dma_wait3A_185, %dma_wait3A_186] : memref<4x128xi32, #tpu.memory_space<vmem>> -> memref<1x128xi32, #tpu.memory_space<vmem>>
      %dma_wait3A_188 = tpu.memref_squeeze %dma_wait3A_187 : memref<1x128xi32, #tpu.memory_space<vmem>> -> memref<128xi32, #tpu.memory_space<vmem>>
      %dma_wait3A_189 = arith.constant 0 : i32
      %dma_wait3A_190 = arith.constant 0 : i32
      %dma_wait3A_191 = tpu.memref_slice %arg2[%dma_wait3A_189, %dma_wait3A_190] : memref<10000x128xf32, #tpu.memory_space<hbm>> -> memref<10000x128xf32, #tpu.memory_space<hbm>>
      tpu.wait_indirect_dma semaphore(%arg13 : memref<!tpu.dma_semaphore, #tpu.memory_space<semaphore_mem>>) src(%dma_wait3A_191 : memref<10000x128xf32, #tpu.memory_space<hbm>>) dst(%arg10 : memref<128x128xf32, #tpu.memory_space<vmem>>)
      %add3A_192 = arith.constant 4 : i32
      %add3A_193 = arith.addi %add3A_184, %add3A_192 : i32
      %lt3A = arith.constant 78 : i32
      %lt3A_194 = arith.cmpi slt, %add3A_193, %lt3A : i32
      %convert_element_type3A = arith.extui %lt3A_194 : i1 to i32
      %cond3A = arith.constant 0 : i32
      %cond3A_195 = arith.cmpi ne, %convert_element_type3A, %cond3A : i32
      scf.if %cond3A_195 {
        %add3A_358 = arith.constant 4 : i32
        %add3A_359 = arith.addi %add3A_184, %add3A_358 : i32
        %mul3A_360 = arith.constant 128 : i32
        %mul3A_361 = arith.muli %add3A_359, %mul3A_360 : i32
        %add3A_362 = arith.addi %mul3A_2, %mul3A_361 : i32
        %dma_start3A_363 = arith.constant 0 : i32
        %dma_start3A_364 = arith.constant 0 : i32
        %dma_start3A_365 = tpu.memref_slice %arg6[%dma_start3A_363, %dma_start3A_364] : memref<4x128xi32, #tpu.memory_space<vmem>> -> memref<1x128xi32, #tpu.memory_space<vmem>>
        %dma_start3A_366 = tpu.memref_squeeze %dma_start3A_365 : memref<1x128xi32, #tpu.memory_space<vmem>> -> memref<128xi32, #tpu.memory_space<vmem>>
        %dma_start3A_367 = tpu.memref_slice %arg3[%add3A_362] : memref<640000xi32, #tpu.memory_space<hbm>> -> memref<128xi32, #tpu.memory_space<hbm>>
        %dma_start3A_368 = arith.constant 0 : i32
        %dma_start3A_369 = tpu.memref_slice %arg6[%dma_start3A_363, %dma_start3A_368] : memref<4x128xi32, #tpu.memory_space<vmem>> -> memref<1x128xi32, #tpu.memory_space<vmem>>
        %dma_start3A_370 = tpu.memref_squeeze %dma_start3A_369 : memref<1x128xi32, #tpu.memory_space<vmem>> -> memref<128xi32, #tpu.memory_space<vmem>>
        %dma_start3A_371 = tpu.memref_slice %arg3[%add3A_362] : memref<640000xi32, #tpu.memory_space<hbm>> -> memref<128xi32, #tpu.memory_space<hbm>>
        tpu.enqueue_dma source(%dma_start3A_371 : memref<128xi32, #tpu.memory_space<hbm>>) target(%dma_start3A_370 : memref<128xi32, #tpu.memory_space<vmem>>) target_semaphore(%arg15 : memref<!tpu.dma_semaphore, #tpu.memory_space<semaphore_mem>>)
      } else {
      }
      %mul3A_196 = arith.constant 128 : i32
      %mul3A_197 = arith.muli %add3A_184, %mul3A_196 : i32
      %add3A_198 = arith.addi %add3A_4, %mul3A_197 : i32
      %dma_wait3A_199 = arith.constant 0 : i32
      %dma_wait3A_200 = arith.constant 0 : i32
      %dma_wait3A_201 = tpu.memref_slice %arg7[%dma_wait3A_199, %dma_wait3A_200] : memref<4x128xi32, #tpu.memory_space<vmem>> -> memref<1x128xi32, #tpu.memory_space<vmem>>
      %dma_wait3A_202 = tpu.memref_squeeze %dma_wait3A_201 : memref<1x128xi32, #tpu.memory_space<vmem>> -> memref<128xi32, #tpu.memory_space<vmem>>
      %dma_wait3A_203 = tpu.memref_slice %arg3[%add3A_198] : memref<640000xi32, #tpu.memory_space<hbm>> -> memref<128xi32, #tpu.memory_space<hbm>>
      %dma_wait3A_204 = arith.constant 0 : i32
      %dma_wait3A_205 = tpu.memref_slice %arg7[%dma_wait3A_199, %dma_wait3A_204] : memref<4x128xi32, #tpu.memory_space<vmem>> -> memref<1x128xi32, #tpu.memory_space<vmem>>
      %dma_wait3A_206 = tpu.memref_squeeze %dma_wait3A_205 : memref<1x128xi32, #tpu.memory_space<vmem>> -> memref<128xi32, #tpu.memory_space<vmem>>
      %dma_wait3A_207 = tpu.memref_slice %arg3[%add3A_198] : memref<640000xi32, #tpu.memory_space<hbm>> -> memref<128xi32, #tpu.memory_space<hbm>>
      tpu.wait_dma2 semaphore(%arg19 : memref<!tpu.dma_semaphore, #tpu.memory_space<semaphore_mem>>) src(%dma_wait3A_207 : memref<128xi32, #tpu.memory_space<hbm>>) dst(%dma_wait3A_206 : memref<128xi32, #tpu.memory_space<vmem>>)
      %run_scoped3A_208 = arith.constant 0 : i32
      "tpu.region"() ({
        %run_scoped3A_358 = tpu.sem_alloc : memref<!tpu.dma_semaphore, #tpu.memory_space<semaphore_mem>>
        %dma_start3A_359 = arith.constant 0 : i32
        %dma_start3A_360 = tpu.memref_slice %arg7[%run_scoped3A_208, %dma_start3A_359] : memref<4x128xi32, #tpu.memory_space<vmem>> -> memref<1x128xi32, #tpu.memory_space<vmem>>
        %dma_start3A_361 = tpu.memref_squeeze %dma_start3A_360 : memref<1x128xi32, #tpu.memory_space<vmem>> -> memref<128xi32, #tpu.memory_space<vmem>>
        %dma_start3A_362 = arith.constant 0 : i32
        %dma_start3A_363 = arith.constant 0 : i32
        %dma_start3A_364 = tpu.memref_slice %arg12[%dma_start3A_362, %dma_start3A_363] : memref<10240x128xf32, #tpu.memory_space<vmem_shared>> -> memref<10240x128xf32, #tpu.memory_space<vmem_shared>>
        tpu.enqueue_indirect_dma source(%arg10 : memref<128x128xf32, #tpu.memory_space<vmem>>) target(%dma_start3A_364 : memref<10240x128xf32, #tpu.memory_space<vmem_shared>>) offsets(%dma_start3A_361 : memref<128xi32, #tpu.memory_space<vmem>>) semaphore(%run_scoped3A_358 : memref<!tpu.dma_semaphore, #tpu.memory_space<semaphore_mem>>) {add = true}
        %dma_wait3A_365 = arith.constant 0 : i32
        %dma_wait3A_366 = tpu.memref_slice %arg7[%run_scoped3A_208, %dma_wait3A_365] : memref<4x128xi32, #tpu.memory_space<vmem>> -> memref<1x128xi32, #tpu.memory_space<vmem>>
        %dma_wait3A_367 = tpu.memref_squeeze %dma_wait3A_366 : memref<1x128xi32, #tpu.memory_space<vmem>> -> memref<128xi32, #tpu.memory_space<vmem>>
        %dma_wait3A_368 = arith.constant 0 : i32
        %dma_wait3A_369 = arith.constant 0 : i32
        %dma_wait3A_370 = tpu.memref_slice %arg12[%dma_wait3A_368, %dma_wait3A_369] : memref<10240x128xf32, #tpu.memory_space<vmem_shared>> -> memref<10240x128xf32, #tpu.memory_space<vmem_shared>>
        tpu.wait_indirect_dma semaphore(%run_scoped3A_358 : memref<!tpu.dma_semaphore, #tpu.memory_space<semaphore_mem>>) src(%arg10 : memref<128x128xf32, #tpu.memory_space<vmem>>) dst(%dma_wait3A_370 : memref<10240x128xf32, #tpu.memory_space<vmem_shared>>)
        tpu.yield
      }) : () -> ()
      %add3A_209 = arith.constant 4 : i32
      %add3A_210 = arith.addi %add3A_184, %add3A_209 : i32
      %lt3A_211 = arith.constant 78 : i32
      %lt3A_212 = arith.cmpi slt, %add3A_210, %lt3A_211 : i32
      %convert_element_type3A_213 = arith.extui %lt3A_212 : i1 to i32
      %cond3A_214 = arith.constant 0 : i32
      %cond3A_215 = arith.cmpi ne, %convert_element_type3A_213, %cond3A_214 : i32
      scf.if %cond3A_215 {
        %add3A_358 = arith.constant 4 : i32
        %add3A_359 = arith.addi %add3A_184, %add3A_358 : i32
        %mul3A_360 = arith.constant 128 : i32
        %mul3A_361 = arith.muli %add3A_359, %mul3A_360 : i32
        %add3A_362 = arith.addi %add3A_4, %mul3A_361 : i32
        %dma_start3A_363 = arith.constant 0 : i32
        %dma_start3A_364 = arith.constant 0 : i32
        %dma_start3A_365 = tpu.memref_slice %arg7[%dma_start3A_363, %dma_start3A_364] : memref<4x128xi32, #tpu.memory_space<vmem>> -> memref<1x128xi32, #tpu.memory_space<vmem>>
        %dma_start3A_366 = tpu.memref_squeeze %dma_start3A_365 : memref<1x128xi32, #tpu.memory_space<vmem>> -> memref<128xi32, #tpu.memory_space<vmem>>
        %dma_start3A_367 = tpu.memref_slice %arg3[%add3A_362] : memref<640000xi32, #tpu.memory_space<hbm>> -> memref<128xi32, #tpu.memory_space<hbm>>
        %dma_start3A_368 = arith.constant 0 : i32
        %dma_start3A_369 = tpu.memref_slice %arg7[%dma_start3A_363, %dma_start3A_368] : memref<4x128xi32, #tpu.memory_space<vmem>> -> memref<1x128xi32, #tpu.memory_space<vmem>>
        %dma_start3A_370 = tpu.memref_squeeze %dma_start3A_369 : memref<1x128xi32, #tpu.memory_space<vmem>> -> memref<128xi32, #tpu.memory_space<vmem>>
        %dma_start3A_371 = tpu.memref_slice %arg3[%add3A_362] : memref<640000xi32, #tpu.memory_space<hbm>> -> memref<128xi32, #tpu.memory_space<hbm>>
        tpu.enqueue_dma source(%dma_start3A_371 : memref<128xi32, #tpu.memory_space<hbm>>) target(%dma_start3A_370 : memref<128xi32, #tpu.memory_space<vmem>>) target_semaphore(%arg19 : memref<!tpu.dma_semaphore, #tpu.memory_space<semaphore_mem>>)
      } else {
      }
      %add3A_216 = arith.constant 2 : i32
      %add3A_217 = arith.addi %add3A_184, %add3A_216 : i32
      %lt3A_218 = arith.constant 78 : i32
      %lt3A_219 = arith.cmpi slt, %add3A_217, %lt3A_218 : i32
      %convert_element_type3A_220 = arith.extui %lt3A_219 : i1 to i32
      %cond3A_221 = arith.constant 0 : i32
      %cond3A_222 = arith.cmpi ne, %convert_element_type3A_220, %cond3A_221 : i32
      scf.if %cond3A_222 {
        %add3A_358 = arith.constant 2 : i32
        %add3A_359 = arith.addi %add3A_184, %add3A_358 : i32
        %mul3A_360 = arith.constant 128 : i32
        %mul3A_361 = arith.muli %add3A_359, %mul3A_360 : i32
        %add3A_362 = arith.addi %mul3A_2, %mul3A_361 : i32
        %dma_wait3A_363 = arith.constant 2 : i32
        %dma_wait3A_364 = arith.constant 0 : i32
        %dma_wait3A_365 = tpu.memref_slice %arg6[%dma_wait3A_363, %dma_wait3A_364] : memref<4x128xi32, #tpu.memory_space<vmem>> -> memref<1x128xi32, #tpu.memory_space<vmem>>
        %dma_wait3A_366 = tpu.memref_squeeze %dma_wait3A_365 : memref<1x128xi32, #tpu.memory_space<vmem>> -> memref<128xi32, #tpu.memory_space<vmem>>
        %dma_wait3A_367 = tpu.memref_slice %arg3[%add3A_362] : memref<640000xi32, #tpu.memory_space<hbm>> -> memref<128xi32, #tpu.memory_space<hbm>>
        %dma_wait3A_368 = arith.constant 0 : i32
        %dma_wait3A_369 = tpu.memref_slice %arg6[%dma_wait3A_363, %dma_wait3A_368] : memref<4x128xi32, #tpu.memory_space<vmem>> -> memref<1x128xi32, #tpu.memory_space<vmem>>
        %dma_wait3A_370 = tpu.memref_squeeze %dma_wait3A_369 : memref<1x128xi32, #tpu.memory_space<vmem>> -> memref<128xi32, #tpu.memory_space<vmem>>
        %dma_wait3A_371 = tpu.memref_slice %arg3[%add3A_362] : memref<640000xi32, #tpu.memory_space<hbm>> -> memref<128xi32, #tpu.memory_space<hbm>>
        tpu.wait_dma2 semaphore(%arg17 : memref<!tpu.dma_semaphore, #tpu.memory_space<semaphore_mem>>) src(%dma_wait3A_371 : memref<128xi32, #tpu.memory_space<hbm>>) dst(%dma_wait3A_370 : memref<128xi32, #tpu.memory_space<vmem>>)
        %dma_start3A_372 = arith.constant 2 : i32
        %dma_start3A_373 = arith.constant 0 : i32
        %dma_start3A_374 = tpu.memref_slice %arg6[%dma_start3A_372, %dma_start3A_373] : memref<4x128xi32, #tpu.memory_space<vmem>> -> memref<1x128xi32, #tpu.memory_space<vmem>>
        %dma_start3A_375 = tpu.memref_squeeze %dma_start3A_374 : memref<1x128xi32, #tpu.memory_space<vmem>> -> memref<128xi32, #tpu.memory_space<vmem>>
        %dma_start3A_376 = arith.constant 0 : i32
        %dma_start3A_377 = arith.constant 0 : i32
        %dma_start3A_378 = tpu.memref_slice %arg2[%dma_start3A_376, %dma_start3A_377] : memref<10000x128xf32, #tpu.memory_space<hbm>> -> memref<10000x128xf32, #tpu.memory_space<hbm>>
        tpu.enqueue_indirect_dma source(%dma_start3A_378 : memref<10000x128xf32, #tpu.memory_space<hbm>>) target(%arg10 : memref<128x128xf32, #tpu.memory_space<vmem>>) offsets(%dma_start3A_375 : memref<128xi32, #tpu.memory_space<vmem>>) semaphore(%arg13 : memref<!tpu.dma_semaphore, #tpu.memory_space<semaphore_mem>>)
      } else {
      }
      %mul3A_223 = arith.constant 4 : i32
      %mul3A_224 = arith.muli %mul3A_223, %scan3A_180 : i32
      %add3A_225 = arith.constant 1 : i32
      %add3A_226 = arith.addi %mul3A_224, %add3A_225 : i32
      %dma_wait3A_227 = arith.constant 1 : i32
      %dma_wait3A_228 = arith.constant 0 : i32
      %dma_wait3A_229 = tpu.memref_slice %arg6[%dma_wait3A_227, %dma_wait3A_228] : memref<4x128xi32, #tpu.memory_space<vmem>> -> memref<1x128xi32, #tpu.memory_space<vmem>>
      %dma_wait3A_230 = tpu.memref_squeeze %dma_wait3A_229 : memref<1x128xi32, #tpu.memory_space<vmem>> -> memref<128xi32, #tpu.memory_space<vmem>>
      %dma_wait3A_231 = arith.constant 0 : i32
      %dma_wait3A_232 = arith.constant 0 : i32
      %dma_wait3A_233 = tpu.memref_slice %arg2[%dma_wait3A_231, %dma_wait3A_232] : memref<10000x128xf32, #tpu.memory_space<hbm>> -> memref<10000x128xf32, #tpu.memory_space<hbm>>
      tpu.wait_indirect_dma semaphore(%arg14 : memref<!tpu.dma_semaphore, #tpu.memory_space<semaphore_mem>>) src(%dma_wait3A_233 : memref<10000x128xf32, #tpu.memory_space<hbm>>) dst(%arg11 : memref<128x128xf32, #tpu.memory_space<vmem>>)
      %add3A_234 = arith.constant 4 : i32
      %add3A_235 = arith.addi %add3A_226, %add3A_234 : i32
      %lt3A_236 = arith.constant 78 : i32
      %lt3A_237 = arith.cmpi slt, %add3A_235, %lt3A_236 : i32
      %convert_element_type3A_238 = arith.extui %lt3A_237 : i1 to i32
      %cond3A_239 = arith.constant 0 : i32
      %cond3A_240 = arith.cmpi ne, %convert_element_type3A_238, %cond3A_239 : i32
      scf.if %cond3A_240 {
        %add3A_358 = arith.constant 4 : i32
        %add3A_359 = arith.addi %add3A_226, %add3A_358 : i32
        %mul3A_360 = arith.constant 128 : i32
        %mul3A_361 = arith.muli %add3A_359, %mul3A_360 : i32
        %add3A_362 = arith.addi %mul3A_2, %mul3A_361 : i32
        %dma_start3A_363 = arith.constant 1 : i32
        %dma_start3A_364 = arith.constant 0 : i32
        %dma_start3A_365 = tpu.memref_slice %arg6[%dma_start3A_363, %dma_start3A_364] : memref<4x128xi32, #tpu.memory_space<vmem>> -> memref<1x128xi32, #tpu.memory_space<vmem>>
        %dma_start3A_366 = tpu.memref_squeeze %dma_start3A_365 : memref<1x128xi32, #tpu.memory_space<vmem>> -> memref<128xi32, #tpu.memory_space<vmem>>
        %dma_start3A_367 = tpu.memref_slice %arg3[%add3A_362] : memref<640000xi32, #tpu.memory_space<hbm>> -> memref<128xi32, #tpu.memory_space<hbm>>
        %dma_start3A_368 = arith.constant 0 : i32
        %dma_start3A_369 = tpu.memref_slice %arg6[%dma_start3A_363, %dma_start3A_368] : memref<4x128xi32, #tpu.memory_space<vmem>> -> memref<1x128xi32, #tpu.memory_space<vmem>>
        %dma_start3A_370 = tpu.memref_squeeze %dma_start3A_369 : memref<1x128xi32, #tpu.memory_space<vmem>> -> memref<128xi32, #tpu.memory_space<vmem>>
        %dma_start3A_371 = tpu.memref_slice %arg3[%add3A_362] : memref<640000xi32, #tpu.memory_space<hbm>> -> memref<128xi32, #tpu.memory_space<hbm>>
        tpu.enqueue_dma source(%dma_start3A_371 : memref<128xi32, #tpu.memory_space<hbm>>) target(%dma_start3A_370 : memref<128xi32, #tpu.memory_space<vmem>>) target_semaphore(%arg16 : memref<!tpu.dma_semaphore, #tpu.memory_space<semaphore_mem>>)
      } else {
      }
      %mul3A_241 = arith.constant 128 : i32
      %mul3A_242 = arith.muli %add3A_226, %mul3A_241 : i32
      %add3A_243 = arith.addi %add3A_4, %mul3A_242 : i32
      %dma_wait3A_244 = arith.constant 1 : i32
      %dma_wait3A_245 = arith.constant 0 : i32
      %dma_wait3A_246 = tpu.memref_slice %arg7[%dma_wait3A_244, %dma_wait3A_245] : memref<4x128xi32, #tpu.memory_space<vmem>> -> memref<1x128xi32, #tpu.memory_space<vmem>>
      %dma_wait3A_247 = tpu.memref_squeeze %dma_wait3A_246 : memref<1x128xi32, #tpu.memory_space<vmem>> -> memref<128xi32, #tpu.memory_space<vmem>>
      %dma_wait3A_248 = tpu.memref_slice %arg3[%add3A_243] : memref<640000xi32, #tpu.memory_space<hbm>> -> memref<128xi32, #tpu.memory_space<hbm>>
      %dma_wait3A_249 = arith.constant 0 : i32
      %dma_wait3A_250 = tpu.memref_slice %arg7[%dma_wait3A_244, %dma_wait3A_249] : memref<4x128xi32, #tpu.memory_space<vmem>> -> memref<1x128xi32, #tpu.memory_space<vmem>>
      %dma_wait3A_251 = tpu.memref_squeeze %dma_wait3A_250 : memref<1x128xi32, #tpu.memory_space<vmem>> -> memref<128xi32, #tpu.memory_space<vmem>>
      %dma_wait3A_252 = tpu.memref_slice %arg3[%add3A_243] : memref<640000xi32, #tpu.memory_space<hbm>> -> memref<128xi32, #tpu.memory_space<hbm>>
      tpu.wait_dma2 semaphore(%arg20 : memref<!tpu.dma_semaphore, #tpu.memory_space<semaphore_mem>>) src(%dma_wait3A_252 : memref<128xi32, #tpu.memory_space<hbm>>) dst(%dma_wait3A_251 : memref<128xi32, #tpu.memory_space<vmem>>)
      %run_scoped3A_253 = arith.constant 1 : i32
      "tpu.region"() ({
        %run_scoped3A_358 = tpu.sem_alloc : memref<!tpu.dma_semaphore, #tpu.memory_space<semaphore_mem>>
        %dma_start3A_359 = arith.constant 0 : i32
        %dma_start3A_360 = tpu.memref_slice %arg7[%run_scoped3A_253, %dma_start3A_359] : memref<4x128xi32, #tpu.memory_space<vmem>> -> memref<1x128xi32, #tpu.memory_space<vmem>>
        %dma_start3A_361 = tpu.memref_squeeze %dma_start3A_360 : memref<1x128xi32, #tpu.memory_space<vmem>> -> memref<128xi32, #tpu.memory_space<vmem>>
        %dma_start3A_362 = arith.constant 0 : i32
        %dma_start3A_363 = arith.constant 0 : i32
        %dma_start3A_364 = tpu.memref_slice %arg12[%dma_start3A_362, %dma_start3A_363] : memref<10240x128xf32, #tpu.memory_space<vmem_shared>> -> memref<10240x128xf32, #tpu.memory_space<vmem_shared>>
        tpu.enqueue_indirect_dma source(%arg11 : memref<128x128xf32, #tpu.memory_space<vmem>>) target(%dma_start3A_364 : memref<10240x128xf32, #tpu.memory_space<vmem_shared>>) offsets(%dma_start3A_361 : memref<128xi32, #tpu.memory_space<vmem>>) semaphore(%run_scoped3A_358 : memref<!tpu.dma_semaphore, #tpu.memory_space<semaphore_mem>>) {add = true}
        %dma_wait3A_365 = arith.constant 0 : i32
        %dma_wait3A_366 = tpu.memref_slice %arg7[%run_scoped3A_253, %dma_wait3A_365] : memref<4x128xi32, #tpu.memory_space<vmem>> -> memref<1x128xi32, #tpu.memory_space<vmem>>
        %dma_wait3A_367 = tpu.memref_squeeze %dma_wait3A_366 : memref<1x128xi32, #tpu.memory_space<vmem>> -> memref<128xi32, #tpu.memory_space<vmem>>
        %dma_wait3A_368 = arith.constant 0 : i32
        %dma_wait3A_369 = arith.constant 0 : i32
        %dma_wait3A_370 = tpu.memref_slice %arg12[%dma_wait3A_368, %dma_wait3A_369] : memref<10240x128xf32, #tpu.memory_space<vmem_shared>> -> memref<10240x128xf32, #tpu.memory_space<vmem_shared>>
        tpu.wait_indirect_dma semaphore(%run_scoped3A_358 : memref<!tpu.dma_semaphore, #tpu.memory_space<semaphore_mem>>) src(%arg11 : memref<128x128xf32, #tpu.memory_space<vmem>>) dst(%dma_wait3A_370 : memref<10240x128xf32, #tpu.memory_space<vmem_shared>>)
        tpu.yield
      }) : () -> ()
      %add3A_254 = arith.constant 4 : i32
      %add3A_255 = arith.addi %add3A_226, %add3A_254 : i32
      %lt3A_256 = arith.constant 78 : i32
      %lt3A_257 = arith.cmpi slt, %add3A_255, %lt3A_256 : i32
      %convert_element_type3A_258 = arith.extui %lt3A_257 : i1 to i32
      %cond3A_259 = arith.constant 0 : i32
      %cond3A_260 = arith.cmpi ne, %convert_element_type3A_258, %cond3A_259 : i32
      scf.if %cond3A_260 {
        %add3A_358 = arith.constant 4 : i32
        %add3A_359 = arith.addi %add3A_226, %add3A_358 : i32
        %mul3A_360 = arith.constant 128 : i32
        %mul3A_361 = arith.muli %add3A_359, %mul3A_360 : i32
        %add3A_362 = arith.addi %add3A_4, %mul3A_361 : i32
        %dma_start3A_363 = arith.constant 1 : i32
        %dma_start3A_364 = arith.constant 0 : i32
        %dma_start3A_365 = tpu.memref_slice %arg7[%dma_start3A_363, %dma_start3A_364] : memref<4x128xi32, #tpu.memory_space<vmem>> -> memref<1x128xi32, #tpu.memory_space<vmem>>
        %dma_start3A_366 = tpu.memref_squeeze %dma_start3A_365 : memref<1x128xi32, #tpu.memory_space<vmem>> -> memref<128xi32, #tpu.memory_space<vmem>>
        %dma_start3A_367 = tpu.memref_slice %arg3[%add3A_362] : memref<640000xi32, #tpu.memory_space<hbm>> -> memref<128xi32, #tpu.memory_space<hbm>>
        %dma_start3A_368 = arith.constant 0 : i32
        %dma_start3A_369 = tpu.memref_slice %arg7[%dma_start3A_363, %dma_start3A_368] : memref<4x128xi32, #tpu.memory_space<vmem>> -> memref<1x128xi32, #tpu.memory_space<vmem>>
        %dma_start3A_370 = tpu.memref_squeeze %dma_start3A_369 : memref<1x128xi32, #tpu.memory_space<vmem>> -> memref<128xi32, #tpu.memory_space<vmem>>
        %dma_start3A_371 = tpu.memref_slice %arg3[%add3A_362] : memref<640000xi32, #tpu.memory_space<hbm>> -> memref<128xi32, #tpu.memory_space<hbm>>
        tpu.enqueue_dma source(%dma_start3A_371 : memref<128xi32, #tpu.memory_space<hbm>>) target(%dma_start3A_370 : memref<128xi32, #tpu.memory_space<vmem>>) target_semaphore(%arg20 : memref<!tpu.dma_semaphore, #tpu.memory_space<semaphore_mem>>)
      } else {
      }
      %add3A_261 = arith.constant 2 : i32
      %add3A_262 = arith.addi %add3A_226, %add3A_261 : i32
      %lt3A_263 = arith.constant 78 : i32
      %lt3A_264 = arith.cmpi slt, %add3A_262, %lt3A_263 : i32
      %convert_element_type3A_265 = arith.extui %lt3A_264 : i1 to i32
      %cond3A_266 = arith.constant 0 : i32
      %cond3A_267 = arith.cmpi ne, %convert_element_type3A_265, %cond3A_266 : i32
      scf.if %cond3A_267 {
        %add3A_358 = arith.constant 2 : i32
        %add3A_359 = arith.addi %add3A_226, %add3A_358 : i32
        %mul3A_360 = arith.constant 128 : i32
        %mul3A_361 = arith.muli %add3A_359, %mul3A_360 : i32
        %add3A_362 = arith.addi %mul3A_2, %mul3A_361 : i32
        %dma_wait3A_363 = arith.constant 3 : i32
        %dma_wait3A_364 = arith.constant 0 : i32
        %dma_wait3A_365 = tpu.memref_slice %arg6[%dma_wait3A_363, %dma_wait3A_364] : memref<4x128xi32, #tpu.memory_space<vmem>> -> memref<1x128xi32, #tpu.memory_space<vmem>>
        %dma_wait3A_366 = tpu.memref_squeeze %dma_wait3A_365 : memref<1x128xi32, #tpu.memory_space<vmem>> -> memref<128xi32, #tpu.memory_space<vmem>>
        %dma_wait3A_367 = tpu.memref_slice %arg3[%add3A_362] : memref<640000xi32, #tpu.memory_space<hbm>> -> memref<128xi32, #tpu.memory_space<hbm>>
        %dma_wait3A_368 = arith.constant 0 : i32
        %dma_wait3A_369 = tpu.memref_slice %arg6[%dma_wait3A_363, %dma_wait3A_368] : memref<4x128xi32, #tpu.memory_space<vmem>> -> memref<1x128xi32, #tpu.memory_space<vmem>>
        %dma_wait3A_370 = tpu.memref_squeeze %dma_wait3A_369 : memref<1x128xi32, #tpu.memory_space<vmem>> -> memref<128xi32, #tpu.memory_space<vmem>>
        %dma_wait3A_371 = tpu.memref_slice %arg3[%add3A_362] : memref<640000xi32, #tpu.memory_space<hbm>> -> memref<128xi32, #tpu.memory_space<hbm>>
        tpu.wait_dma2 semaphore(%arg18 : memref<!tpu.dma_semaphore, #tpu.memory_space<semaphore_mem>>) src(%dma_wait3A_371 : memref<128xi32, #tpu.memory_space<hbm>>) dst(%dma_wait3A_370 : memref<128xi32, #tpu.memory_space<vmem>>)
        %dma_start3A_372 = arith.constant 3 : i32
        %dma_start3A_373 = arith.constant 0 : i32
        %dma_start3A_374 = tpu.memref_slice %arg6[%dma_start3A_372, %dma_start3A_373] : memref<4x128xi32, #tpu.memory_space<vmem>> -> memref<1x128xi32, #tpu.memory_space<vmem>>
        %dma_start3A_375 = tpu.memref_squeeze %dma_start3A_374 : memref<1x128xi32, #tpu.memory_space<vmem>> -> memref<128xi32, #tpu.memory_space<vmem>>
        %dma_start3A_376 = arith.constant 0 : i32
        %dma_start3A_377 = arith.constant 0 : i32
        %dma_start3A_378 = tpu.memref_slice %arg2[%dma_start3A_376, %dma_start3A_377] : memref<10000x128xf32, #tpu.memory_space<hbm>> -> memref<10000x128xf32, #tpu.memory_space<hbm>>
        tpu.enqueue_indirect_dma source(%dma_start3A_378 : memref<10000x128xf32, #tpu.memory_space<hbm>>) target(%arg11 : memref<128x128xf32, #tpu.memory_space<vmem>>) offsets(%dma_start3A_375 : memref<128xi32, #tpu.memory_space<vmem>>) semaphore(%arg14 : memref<!tpu.dma_semaphore, #tpu.memory_space<semaphore_mem>>)
      } else {
      }
      %mul3A_268 = arith.constant 4 : i32
      %mul3A_269 = arith.muli %mul3A_268, %scan3A_180 : i32
      %add3A_270 = arith.constant 2 : i32
      %add3A_271 = arith.addi %mul3A_269, %add3A_270 : i32
      %dma_wait3A_272 = arith.constant 2 : i32
      %dma_wait3A_273 = arith.constant 0 : i32
      %dma_wait3A_274 = tpu.memref_slice %arg6[%dma_wait3A_272, %dma_wait3A_273] : memref<4x128xi32, #tpu.memory_space<vmem>> -> memref<1x128xi32, #tpu.memory_space<vmem>>
      %dma_wait3A_275 = tpu.memref_squeeze %dma_wait3A_274 : memref<1x128xi32, #tpu.memory_space<vmem>> -> memref<128xi32, #tpu.memory_space<vmem>>
      %dma_wait3A_276 = arith.constant 0 : i32
      %dma_wait3A_277 = arith.constant 0 : i32
      %dma_wait3A_278 = tpu.memref_slice %arg2[%dma_wait3A_276, %dma_wait3A_277] : memref<10000x128xf32, #tpu.memory_space<hbm>> -> memref<10000x128xf32, #tpu.memory_space<hbm>>
      tpu.wait_indirect_dma semaphore(%arg13 : memref<!tpu.dma_semaphore, #tpu.memory_space<semaphore_mem>>) src(%dma_wait3A_278 : memref<10000x128xf32, #tpu.memory_space<hbm>>) dst(%arg10 : memref<128x128xf32, #tpu.memory_space<vmem>>)
      %add3A_279 = arith.constant 4 : i32
      %add3A_280 = arith.addi %add3A_271, %add3A_279 : i32
      %lt3A_281 = arith.constant 78 : i32
      %lt3A_282 = arith.cmpi slt, %add3A_280, %lt3A_281 : i32
      %convert_element_type3A_283 = arith.extui %lt3A_282 : i1 to i32
      %cond3A_284 = arith.constant 0 : i32
      %cond3A_285 = arith.cmpi ne, %convert_element_type3A_283, %cond3A_284 : i32
      scf.if %cond3A_285 {
        %add3A_358 = arith.constant 4 : i32
        %add3A_359 = arith.addi %add3A_271, %add3A_358 : i32
        %mul3A_360 = arith.constant 128 : i32
        %mul3A_361 = arith.muli %add3A_359, %mul3A_360 : i32
        %add3A_362 = arith.addi %mul3A_2, %mul3A_361 : i32
        %dma_start3A_363 = arith.constant 2 : i32
        %dma_start3A_364 = arith.constant 0 : i32
        %dma_start3A_365 = tpu.memref_slice %arg6[%dma_start3A_363, %dma_start3A_364] : memref<4x128xi32, #tpu.memory_space<vmem>> -> memref<1x128xi32, #tpu.memory_space<vmem>>
        %dma_start3A_366 = tpu.memref_squeeze %dma_start3A_365 : memref<1x128xi32, #tpu.memory_space<vmem>> -> memref<128xi32, #tpu.memory_space<vmem>>
        %dma_start3A_367 = tpu.memref_slice %arg3[%add3A_362] : memref<640000xi32, #tpu.memory_space<hbm>> -> memref<128xi32, #tpu.memory_space<hbm>>
        %dma_start3A_368 = arith.constant 0 : i32
        %dma_start3A_369 = tpu.memref_slice %arg6[%dma_start3A_363, %dma_start3A_368] : memref<4x128xi32, #tpu.memory_space<vmem>> -> memref<1x128xi32, #tpu.memory_space<vmem>>
        %dma_start3A_370 = tpu.memref_squeeze %dma_start3A_369 : memref<1x128xi32, #tpu.memory_space<vmem>> -> memref<128xi32, #tpu.memory_space<vmem>>
        %dma_start3A_371 = tpu.memref_slice %arg3[%add3A_362] : memref<640000xi32, #tpu.memory_space<hbm>> -> memref<128xi32, #tpu.memory_space<hbm>>
        tpu.enqueue_dma source(%dma_start3A_371 : memref<128xi32, #tpu.memory_space<hbm>>) target(%dma_start3A_370 : memref<128xi32, #tpu.memory_space<vmem>>) target_semaphore(%arg17 : memref<!tpu.dma_semaphore, #tpu.memory_space<semaphore_mem>>)
      } else {
      }
      %mul3A_286 = arith.constant 128 : i32
      %mul3A_287 = arith.muli %add3A_271, %mul3A_286 : i32
      %add3A_288 = arith.addi %add3A_4, %mul3A_287 : i32
      %dma_wait3A_289 = arith.constant 2 : i32
      %dma_wait3A_290 = arith.constant 0 : i32
      %dma_wait3A_291 = tpu.memref_slice %arg7[%dma_wait3A_289, %dma_wait3A_290] : memref<4x128xi32, #tpu.memory_space<vmem>> -> memref<1x128xi32, #tpu.memory_space<vmem>>
      %dma_wait3A_292 = tpu.memref_squeeze %dma_wait3A_291 : memref<1x128xi32, #tpu.memory_space<vmem>> -> memref<128xi32, #tpu.memory_space<vmem>>
      %dma_wait3A_293 = tpu.memref_slice %arg3[%add3A_288] : memref<640000xi32, #tpu.memory_space<hbm>> -> memref<128xi32, #tpu.memory_space<hbm>>
      %dma_wait3A_294 = arith.constant 0 : i32
      %dma_wait3A_295 = tpu.memref_slice %arg7[%dma_wait3A_289, %dma_wait3A_294] : memref<4x128xi32, #tpu.memory_space<vmem>> -> memref<1x128xi32, #tpu.memory_space<vmem>>
      %dma_wait3A_296 = tpu.memref_squeeze %dma_wait3A_295 : memref<1x128xi32, #tpu.memory_space<vmem>> -> memref<128xi32, #tpu.memory_space<vmem>>
      %dma_wait3A_297 = tpu.memref_slice %arg3[%add3A_288] : memref<640000xi32, #tpu.memory_space<hbm>> -> memref<128xi32, #tpu.memory_space<hbm>>
      tpu.wait_dma2 semaphore(%arg21 : memref<!tpu.dma_semaphore, #tpu.memory_space<semaphore_mem>>) src(%dma_wait3A_297 : memref<128xi32, #tpu.memory_space<hbm>>) dst(%dma_wait3A_296 : memref<128xi32, #tpu.memory_space<vmem>>)
      %run_scoped3A_298 = arith.constant 2 : i32
      "tpu.region"() ({
        %run_scoped3A_358 = tpu.sem_alloc : memref<!tpu.dma_semaphore, #tpu.memory_space<semaphore_mem>>
        %dma_start3A_359 = arith.constant 0 : i32
        %dma_start3A_360 = tpu.memref_slice %arg7[%run_scoped3A_298, %dma_start3A_359] : memref<4x128xi32, #tpu.memory_space<vmem>> -> memref<1x128xi32, #tpu.memory_space<vmem>>
        %dma_start3A_361 = tpu.memref_squeeze %dma_start3A_360 : memref<1x128xi32, #tpu.memory_space<vmem>> -> memref<128xi32, #tpu.memory_space<vmem>>
        %dma_start3A_362 = arith.constant 0 : i32
        %dma_start3A_363 = arith.constant 0 : i32
        %dma_start3A_364 = tpu.memref_slice %arg12[%dma_start3A_362, %dma_start3A_363] : memref<10240x128xf32, #tpu.memory_space<vmem_shared>> -> memref<10240x128xf32, #tpu.memory_space<vmem_shared>>
        tpu.enqueue_indirect_dma source(%arg10 : memref<128x128xf32, #tpu.memory_space<vmem>>) target(%dma_start3A_364 : memref<10240x128xf32, #tpu.memory_space<vmem_shared>>) offsets(%dma_start3A_361 : memref<128xi32, #tpu.memory_space<vmem>>) semaphore(%run_scoped3A_358 : memref<!tpu.dma_semaphore, #tpu.memory_space<semaphore_mem>>) {add = true}
        %dma_wait3A_365 = arith.constant 0 : i32
        %dma_wait3A_366 = tpu.memref_slice %arg7[%run_scoped3A_298, %dma_wait3A_365] : memref<4x128xi32, #tpu.memory_space<vmem>> -> memref<1x128xi32, #tpu.memory_space<vmem>>
        %dma_wait3A_367 = tpu.memref_squeeze %dma_wait3A_366 : memref<1x128xi32, #tpu.memory_space<vmem>> -> memref<128xi32, #tpu.memory_space<vmem>>
        %dma_wait3A_368 = arith.constant 0 : i32
        %dma_wait3A_369 = arith.constant 0 : i32
        %dma_wait3A_370 = tpu.memref_slice %arg12[%dma_wait3A_368, %dma_wait3A_369] : memref<10240x128xf32, #tpu.memory_space<vmem_shared>> -> memref<10240x128xf32, #tpu.memory_space<vmem_shared>>
        tpu.wait_indirect_dma semaphore(%run_scoped3A_358 : memref<!tpu.dma_semaphore, #tpu.memory_space<semaphore_mem>>) src(%arg10 : memref<128x128xf32, #tpu.memory_space<vmem>>) dst(%dma_wait3A_370 : memref<10240x128xf32, #tpu.memory_space<vmem_shared>>)
        tpu.yield
      }) : () -> ()
      %add3A_299 = arith.constant 4 : i32
      %add3A_300 = arith.addi %add3A_271, %add3A_299 : i32
      %lt3A_301 = arith.constant 78 : i32
      %lt3A_302 = arith.cmpi slt, %add3A_300, %lt3A_301 : i32
      %convert_element_type3A_303 = arith.extui %lt3A_302 : i1 to i32
      %cond3A_304 = arith.constant 0 : i32
      %cond3A_305 = arith.cmpi ne, %convert_element_type3A_303, %cond3A_304 : i32
      scf.if %cond3A_305 {
        %add3A_358 = arith.constant 4 : i32
        %add3A_359 = arith.addi %add3A_271, %add3A_358 : i32
        %mul3A_360 = arith.constant 128 : i32
        %mul3A_361 = arith.muli %add3A_359, %mul3A_360 : i32
        %add3A_362 = arith.addi %add3A_4, %mul3A_361 : i32
        %dma_start3A_363 = arith.constant 2 : i32
        %dma_start3A_364 = arith.constant 0 : i32
        %dma_start3A_365 = tpu.memref_slice %arg7[%dma_start3A_363, %dma_start3A_364] : memref<4x128xi32, #tpu.memory_space<vmem>> -> memref<1x128xi32, #tpu.memory_space<vmem>>
        %dma_start3A_366 = tpu.memref_squeeze %dma_start3A_365 : memref<1x128xi32, #tpu.memory_space<vmem>> -> memref<128xi32, #tpu.memory_space<vmem>>
        %dma_start3A_367 = tpu.memref_slice %arg3[%add3A_362] : memref<640000xi32, #tpu.memory_space<hbm>> -> memref<128xi32, #tpu.memory_space<hbm>>
        %dma_start3A_368 = arith.constant 0 : i32
        %dma_start3A_369 = tpu.memref_slice %arg7[%dma_start3A_363, %dma_start3A_368] : memref<4x128xi32, #tpu.memory_space<vmem>> -> memref<1x128xi32, #tpu.memory_space<vmem>>
        %dma_start3A_370 = tpu.memref_squeeze %dma_start3A_369 : memref<1x128xi32, #tpu.memory_space<vmem>> -> memref<128xi32, #tpu.memory_space<vmem>>
        %dma_start3A_371 = tpu.memref_slice %arg3[%add3A_362] : memref<640000xi32, #tpu.memory_space<hbm>> -> memref<128xi32, #tpu.memory_space<hbm>>
        tpu.enqueue_dma source(%dma_start3A_371 : memref<128xi32, #tpu.memory_space<hbm>>) target(%dma_start3A_370 : memref<128xi32, #tpu.memory_space<vmem>>) target_semaphore(%arg21 : memref<!tpu.dma_semaphore, #tpu.memory_space<semaphore_mem>>)
      } else {
      }
      %add3A_306 = arith.constant 2 : i32
      %add3A_307 = arith.addi %add3A_271, %add3A_306 : i32
      %lt3A_308 = arith.constant 78 : i32
      %lt3A_309 = arith.cmpi slt, %add3A_307, %lt3A_308 : i32
      %convert_element_type3A_310 = arith.extui %lt3A_309 : i1 to i32
      %cond3A_311 = arith.constant 0 : i32
      %cond3A_312 = arith.cmpi ne, %convert_element_type3A_310, %cond3A_311 : i32
      scf.if %cond3A_312 {
        %add3A_358 = arith.constant 2 : i32
        %add3A_359 = arith.addi %add3A_271, %add3A_358 : i32
        %mul3A_360 = arith.constant 128 : i32
        %mul3A_361 = arith.muli %add3A_359, %mul3A_360 : i32
        %add3A_362 = arith.addi %mul3A_2, %mul3A_361 : i32
        %dma_wait3A_363 = arith.constant 0 : i32
        %dma_wait3A_364 = arith.constant 0 : i32
        %dma_wait3A_365 = tpu.memref_slice %arg6[%dma_wait3A_363, %dma_wait3A_364] : memref<4x128xi32, #tpu.memory_space<vmem>> -> memref<1x128xi32, #tpu.memory_space<vmem>>
        %dma_wait3A_366 = tpu.memref_squeeze %dma_wait3A_365 : memref<1x128xi32, #tpu.memory_space<vmem>> -> memref<128xi32, #tpu.memory_space<vmem>>
        %dma_wait3A_367 = tpu.memref_slice %arg3[%add3A_362] : memref<640000xi32, #tpu.memory_space<hbm>> -> memref<128xi32, #tpu.memory_space<hbm>>
        %dma_wait3A_368 = arith.constant 0 : i32
        %dma_wait3A_369 = tpu.memref_slice %arg6[%dma_wait3A_363, %dma_wait3A_368] : memref<4x128xi32, #tpu.memory_space<vmem>> -> memref<1x128xi32, #tpu.memory_space<vmem>>
        %dma_wait3A_370 = tpu.memref_squeeze %dma_wait3A_369 : memref<1x128xi32, #tpu.memory_space<vmem>> -> memref<128xi32, #tpu.memory_space<vmem>>
        %dma_wait3A_371 = tpu.memref_slice %arg3[%add3A_362] : memref<640000xi32, #tpu.memory_space<hbm>> -> memref<128xi32, #tpu.memory_space<hbm>>
        tpu.wait_dma2 semaphore(%arg15 : memref<!tpu.dma_semaphore, #tpu.memory_space<semaphore_mem>>) src(%dma_wait3A_371 : memref<128xi32, #tpu.memory_space<hbm>>) dst(%dma_wait3A_370 : memref<128xi32, #tpu.memory_space<vmem>>)
        %dma_start3A_372 = arith.constant 0 : i32
        %dma_start3A_373 = arith.constant 0 : i32
        %dma_start3A_374 = tpu.memref_slice %arg6[%dma_start3A_372, %dma_start3A_373] : memref<4x128xi32, #tpu.memory_space<vmem>> -> memref<1x128xi32, #tpu.memory_space<vmem>>
        %dma_start3A_375 = tpu.memref_squeeze %dma_start3A_374 : memref<1x128xi32, #tpu.memory_space<vmem>> -> memref<128xi32, #tpu.memory_space<vmem>>
        %dma_start3A_376 = arith.constant 0 : i32
        %dma_start3A_377 = arith.constant 0 : i32
        %dma_start3A_378 = tpu.memref_slice %arg2[%dma_start3A_376, %dma_start3A_377] : memref<10000x128xf32, #tpu.memory_space<hbm>> -> memref<10000x128xf32, #tpu.memory_space<hbm>>
        tpu.enqueue_indirect_dma source(%dma_start3A_378 : memref<10000x128xf32, #tpu.memory_space<hbm>>) target(%arg10 : memref<128x128xf32, #tpu.memory_space<vmem>>) offsets(%dma_start3A_375 : memref<128xi32, #tpu.memory_space<vmem>>) semaphore(%arg13 : memref<!tpu.dma_semaphore, #tpu.memory_space<semaphore_mem>>)
      } else {
      }
      %mul3A_313 = arith.constant 4 : i32
      %mul3A_314 = arith.muli %mul3A_313, %scan3A_180 : i32
      %add3A_315 = arith.constant 3 : i32
      %add3A_316 = arith.addi %mul3A_314, %add3A_315 : i32
      %dma_wait3A_317 = arith.constant 3 : i32
      %dma_wait3A_318 = arith.constant 0 : i32
      %dma_wait3A_319 = tpu.memref_slice %arg6[%dma_wait3A_317, %dma_wait3A_318] : memref<4x128xi32, #tpu.memory_space<vmem>> -> memref<1x128xi32, #tpu.memory_space<vmem>>
      %dma_wait3A_320 = tpu.memref_squeeze %dma_wait3A_319 : memref<1x128xi32, #tpu.memory_space<vmem>> -> memref<128xi32, #tpu.memory_space<vmem>>
      %dma_wait3A_321 = arith.constant 0 : i32
      %dma_wait3A_322 = arith.constant 0 : i32
      %dma_wait3A_323 = tpu.memref_slice %arg2[%dma_wait3A_321, %dma_wait3A_322] : memref<10000x128xf32, #tpu.memory_space<hbm>> -> memref<10000x128xf32, #tpu.memory_space<hbm>>
      tpu.wait_indirect_dma semaphore(%arg14 : memref<!tpu.dma_semaphore, #tpu.memory_space<semaphore_mem>>) src(%dma_wait3A_323 : memref<10000x128xf32, #tpu.memory_space<hbm>>) dst(%arg11 : memref<128x128xf32, #tpu.memory_space<vmem>>)
      %add3A_324 = arith.constant 4 : i32
      %add3A_325 = arith.addi %add3A_316, %add3A_324 : i32
      %lt3A_326 = arith.constant 78 : i32
      %lt3A_327 = arith.cmpi slt, %add3A_325, %lt3A_326 : i32
      %convert_element_type3A_328 = arith.extui %lt3A_327 : i1 to i32
      %cond3A_329 = arith.constant 0 : i32
      %cond3A_330 = arith.cmpi ne, %convert_element_type3A_328, %cond3A_329 : i32
      scf.if %cond3A_330 {
        %add3A_358 = arith.constant 4 : i32
        %add3A_359 = arith.addi %add3A_316, %add3A_358 : i32
        %mul3A_360 = arith.constant 128 : i32
        %mul3A_361 = arith.muli %add3A_359, %mul3A_360 : i32
        %add3A_362 = arith.addi %mul3A_2, %mul3A_361 : i32
        %dma_start3A_363 = arith.constant 3 : i32
        %dma_start3A_364 = arith.constant 0 : i32
        %dma_start3A_365 = tpu.memref_slice %arg6[%dma_start3A_363, %dma_start3A_364] : memref<4x128xi32, #tpu.memory_space<vmem>> -> memref<1x128xi32, #tpu.memory_space<vmem>>
        %dma_start3A_366 = tpu.memref_squeeze %dma_start3A_365 : memref<1x128xi32, #tpu.memory_space<vmem>> -> memref<128xi32, #tpu.memory_space<vmem>>
        %dma_start3A_367 = tpu.memref_slice %arg3[%add3A_362] : memref<640000xi32, #tpu.memory_space<hbm>> -> memref<128xi32, #tpu.memory_space<hbm>>
        %dma_start3A_368 = arith.constant 0 : i32
        %dma_start3A_369 = tpu.memref_slice %arg6[%dma_start3A_363, %dma_start3A_368] : memref<4x128xi32, #tpu.memory_space<vmem>> -> memref<1x128xi32, #tpu.memory_space<vmem>>
        %dma_start3A_370 = tpu.memref_squeeze %dma_start3A_369 : memref<1x128xi32, #tpu.memory_space<vmem>> -> memref<128xi32, #tpu.memory_space<vmem>>
        %dma_start3A_371 = tpu.memref_slice %arg3[%add3A_362] : memref<640000xi32, #tpu.memory_space<hbm>> -> memref<128xi32, #tpu.memory_space<hbm>>
        tpu.enqueue_dma source(%dma_start3A_371 : memref<128xi32, #tpu.memory_space<hbm>>) target(%dma_start3A_370 : memref<128xi32, #tpu.memory_space<vmem>>) target_semaphore(%arg18 : memref<!tpu.dma_semaphore, #tpu.memory_space<semaphore_mem>>)
      } else {
      }
      %mul3A_331 = arith.constant 128 : i32
      %mul3A_332 = arith.muli %add3A_316, %mul3A_331 : i32
      %add3A_333 = arith.addi %add3A_4, %mul3A_332 : i32
      %dma_wait3A_334 = arith.constant 3 : i32
      %dma_wait3A_335 = arith.constant 0 : i32
      %dma_wait3A_336 = tpu.memref_slice %arg7[%dma_wait3A_334, %dma_wait3A_335] : memref<4x128xi32, #tpu.memory_space<vmem>> -> memref<1x128xi32, #tpu.memory_space<vmem>>
      %dma_wait3A_337 = tpu.memref_squeeze %dma_wait3A_336 : memref<1x128xi32, #tpu.memory_space<vmem>> -> memref<128xi32, #tpu.memory_space<vmem>>
      %dma_wait3A_338 = tpu.memref_slice %arg3[%add3A_333] : memref<640000xi32, #tpu.memory_space<hbm>> -> memref<128xi32, #tpu.memory_space<hbm>>
      %dma_wait3A_339 = arith.constant 0 : i32
      %dma_wait3A_340 = tpu.memref_slice %arg7[%dma_wait3A_334, %dma_wait3A_339] : memref<4x128xi32, #tpu.memory_space<vmem>> -> memref<1x128xi32, #tpu.memory_space<vmem>>
      %dma_wait3A_341 = tpu.memref_squeeze %dma_wait3A_340 : memref<1x128xi32, #tpu.memory_space<vmem>> -> memref<128xi32, #tpu.memory_space<vmem>>
      %dma_wait3A_342 = tpu.memref_slice %arg3[%add3A_333] : memref<640000xi32, #tpu.memory_space<hbm>> -> memref<128xi32, #tpu.memory_space<hbm>>
      tpu.wait_dma2 semaphore(%arg22 : memref<!tpu.dma_semaphore, #tpu.memory_space<semaphore_mem>>) src(%dma_wait3A_342 : memref<128xi32, #tpu.memory_space<hbm>>) dst(%dma_wait3A_341 : memref<128xi32, #tpu.memory_space<vmem>>)
      %run_scoped3A_343 = arith.constant 3 : i32
      "tpu.region"() ({
        %run_scoped3A_358 = tpu.sem_alloc : memref<!tpu.dma_semaphore, #tpu.memory_space<semaphore_mem>>
        %dma_start3A_359 = arith.constant 0 : i32
        %dma_start3A_360 = tpu.memref_slice %arg7[%run_scoped3A_343, %dma_start3A_359] : memref<4x128xi32, #tpu.memory_space<vmem>> -> memref<1x128xi32, #tpu.memory_space<vmem>>
        %dma_start3A_361 = tpu.memref_squeeze %dma_start3A_360 : memref<1x128xi32, #tpu.memory_space<vmem>> -> memref<128xi32, #tpu.memory_space<vmem>>
        %dma_start3A_362 = arith.constant 0 : i32
        %dma_start3A_363 = arith.constant 0 : i32
        %dma_start3A_364 = tpu.memref_slice %arg12[%dma_start3A_362, %dma_start3A_363] : memref<10240x128xf32, #tpu.memory_space<vmem_shared>> -> memref<10240x128xf32, #tpu.memory_space<vmem_shared>>
        tpu.enqueue_indirect_dma source(%arg11 : memref<128x128xf32, #tpu.memory_space<vmem>>) target(%dma_start3A_364 : memref<10240x128xf32, #tpu.memory_space<vmem_shared>>) offsets(%dma_start3A_361 : memref<128xi32, #tpu.memory_space<vmem>>) semaphore(%run_scoped3A_358 : memref<!tpu.dma_semaphore, #tpu.memory_space<semaphore_mem>>) {add = true}
        %dma_wait3A_365 = arith.constant 0 : i32
        %dma_wait3A_366 = tpu.memref_slice %arg7[%run_scoped3A_343, %dma_wait3A_365] : memref<4x128xi32, #tpu.memory_space<vmem>> -> memref<1x128xi32, #tpu.memory_space<vmem>>
        %dma_wait3A_367 = tpu.memref_squeeze %dma_wait3A_366 : memref<1x128xi32, #tpu.memory_space<vmem>> -> memref<128xi32, #tpu.memory_space<vmem>>
        %dma_wait3A_368 = arith.constant 0 : i32
        %dma_wait3A_369 = arith.constant 0 : i32
        %dma_wait3A_370 = tpu.memref_slice %arg12[%dma_wait3A_368, %dma_wait3A_369] : memref<10240x128xf32, #tpu.memory_space<vmem_shared>> -> memref<10240x128xf32, #tpu.memory_space<vmem_shared>>
        tpu.wait_indirect_dma semaphore(%run_scoped3A_358 : memref<!tpu.dma_semaphore, #tpu.memory_space<semaphore_mem>>) src(%arg11 : memref<128x128xf32, #tpu.memory_space<vmem>>) dst(%dma_wait3A_370 : memref<10240x128xf32, #tpu.memory_space<vmem_shared>>)
        tpu.yield
      }) : () -> ()
      %add3A_344 = arith.constant 4 : i32
      %add3A_345 = arith.addi %add3A_316, %add3A_344 : i32
      %lt3A_346 = arith.constant 78 : i32
      %lt3A_347 = arith.cmpi slt, %add3A_345, %lt3A_346 : i32
      %convert_element_type3A_348 = arith.extui %lt3A_347 : i1 to i32
      %cond3A_349 = arith.constant 0 : i32
      %cond3A_350 = arith.cmpi ne, %convert_element_type3A_348, %cond3A_349 : i32
      scf.if %cond3A_350 {
        %add3A_358 = arith.constant 4 : i32
        %add3A_359 = arith.addi %add3A_316, %add3A_358 : i32
        %mul3A_360 = arith.constant 128 : i32
        %mul3A_361 = arith.muli %add3A_359, %mul3A_360 : i32
        %add3A_362 = arith.addi %add3A_4, %mul3A_361 : i32
        %dma_start3A_363 = arith.constant 3 : i32
        %dma_start3A_364 = arith.constant 0 : i32
        %dma_start3A_365 = tpu.memref_slice %arg7[%dma_start3A_363, %dma_start3A_364] : memref<4x128xi32, #tpu.memory_space<vmem>> -> memref<1x128xi32, #tpu.memory_space<vmem>>
        %dma_start3A_366 = tpu.memref_squeeze %dma_start3A_365 : memref<1x128xi32, #tpu.memory_space<vmem>> -> memref<128xi32, #tpu.memory_space<vmem>>
        %dma_start3A_367 = tpu.memref_slice %arg3[%add3A_362] : memref<640000xi32, #tpu.memory_space<hbm>> -> memref<128xi32, #tpu.memory_space<hbm>>
        %dma_start3A_368 = arith.constant 0 : i32
        %dma_start3A_369 = tpu.memref_slice %arg7[%dma_start3A_363, %dma_start3A_368] : memref<4x128xi32, #tpu.memory_space<vmem>> -> memref<1x128xi32, #tpu.memory_space<vmem>>
        %dma_start3A_370 = tpu.memref_squeeze %dma_start3A_369 : memref<1x128xi32, #tpu.memory_space<vmem>> -> memref<128xi32, #tpu.memory_space<vmem>>
        %dma_start3A_371 = tpu.memref_slice %arg3[%add3A_362] : memref<640000xi32, #tpu.memory_space<hbm>> -> memref<128xi32, #tpu.memory_space<hbm>>
        tpu.enqueue_dma source(%dma_start3A_371 : memref<128xi32, #tpu.memory_space<hbm>>) target(%dma_start3A_370 : memref<128xi32, #tpu.memory_space<vmem>>) target_semaphore(%arg22 : memref<!tpu.dma_semaphore, #tpu.memory_space<semaphore_mem>>)
      } else {
      }
      %add3A_351 = arith.constant 2 : i32
      %add3A_352 = arith.addi %add3A_316, %add3A_351 : i32
      %lt3A_353 = arith.constant 78 : i32
      %lt3A_354 = arith.cmpi slt, %add3A_352, %lt3A_353 : i32
      %convert_element_type3A_355 = arith.extui %lt3A_354 : i1 to i32
      %cond3A_356 = arith.constant 0 : i32
      %cond3A_357 = arith.cmpi ne, %convert_element_type3A_355, %cond3A_356 : i32
      scf.if %cond3A_357 {
        %add3A_358 = arith.constant 2 : i32
        %add3A_359 = arith.addi %add3A_316, %add3A_358 : i32
        %mul3A_360 = arith.constant 128 : i32
        %mul3A_361 = arith.muli %add3A_359, %mul3A_360 : i32
        %add3A_362 = arith.addi %mul3A_2, %mul3A_361 : i32
        %dma_wait3A_363 = arith.constant 1 : i32
        %dma_wait3A_364 = arith.constant 0 : i32
        %dma_wait3A_365 = tpu.memref_slice %arg6[%dma_wait3A_363, %dma_wait3A_364] : memref<4x128xi32, #tpu.memory_space<vmem>> -> memref<1x128xi32, #tpu.memory_space<vmem>>
        %dma_wait3A_366 = tpu.memref_squeeze %dma_wait3A_365 : memref<1x128xi32, #tpu.memory_space<vmem>> -> memref<128xi32, #tpu.memory_space<vmem>>
        %dma_wait3A_367 = tpu.memref_slice %arg3[%add3A_362] : memref<640000xi32, #tpu.memory_space<hbm>> -> memref<128xi32, #tpu.memory_space<hbm>>
        %dma_wait3A_368 = arith.constant 0 : i32
        %dma_wait3A_369 = tpu.memref_slice %arg6[%dma_wait3A_363, %dma_wait3A_368] : memref<4x128xi32, #tpu.memory_space<vmem>> -> memref<1x128xi32, #tpu.memory_space<vmem>>
        %dma_wait3A_370 = tpu.memref_squeeze %dma_wait3A_369 : memref<1x128xi32, #tpu.memory_space<vmem>> -> memref<128xi32, #tpu.memory_space<vmem>>
        %dma_wait3A_371 = tpu.memref_slice %arg3[%add3A_362] : memref<640000xi32, #tpu.memory_space<hbm>> -> memref<128xi32, #tpu.memory_space<hbm>>
        tpu.wait_dma2 semaphore(%arg16 : memref<!tpu.dma_semaphore, #tpu.memory_space<semaphore_mem>>) src(%dma_wait3A_371 : memref<128xi32, #tpu.memory_space<hbm>>) dst(%dma_wait3A_370 : memref<128xi32, #tpu.memory_space<vmem>>)
        %dma_start3A_372 = arith.constant 1 : i32
        %dma_start3A_373 = arith.constant 0 : i32
        %dma_start3A_374 = tpu.memref_slice %arg6[%dma_start3A_372, %dma_start3A_373] : memref<4x128xi32, #tpu.memory_space<vmem>> -> memref<1x128xi32, #tpu.memory_space<vmem>>
        %dma_start3A_375 = tpu.memref_squeeze %dma_start3A_374 : memref<1x128xi32, #tpu.memory_space<vmem>> -> memref<128xi32, #tpu.memory_space<vmem>>
        %dma_start3A_376 = arith.constant 0 : i32
        %dma_start3A_377 = arith.constant 0 : i32
        %dma_start3A_378 = tpu.memref_slice %arg2[%dma_start3A_376, %dma_start3A_377] : memref<10000x128xf32, #tpu.memory_space<hbm>> -> memref<10000x128xf32, #tpu.memory_space<hbm>>
        tpu.enqueue_indirect_dma source(%dma_start3A_378 : memref<10000x128xf32, #tpu.memory_space<hbm>>) target(%arg11 : memref<128x128xf32, #tpu.memory_space<vmem>>) offsets(%dma_start3A_375 : memref<128xi32, #tpu.memory_space<vmem>>) semaphore(%arg14 : memref<!tpu.dma_semaphore, #tpu.memory_space<semaphore_mem>>)
      } else {
      }
    }
    %scan3A_133 = arith.constant 19 : i32
    %dma_wait3A_134 = arith.constant 0 : i32
    %dma_wait3A_135 = arith.constant 0 : i32
    %dma_wait3A_136 = tpu.memref_slice %arg6[%dma_wait3A_134, %dma_wait3A_135] : memref<4x128xi32, #tpu.memory_space<vmem>> -> memref<1x128xi32, #tpu.memory_space<vmem>>
    %dma_wait3A_137 = tpu.memref_squeeze %dma_wait3A_136 : memref<1x128xi32, #tpu.memory_space<vmem>> -> memref<128xi32, #tpu.memory_space<vmem>>
    %dma_wait3A_138 = arith.constant 0 : i32
    %dma_wait3A_139 = arith.constant 0 : i32
    %dma_wait3A_140 = tpu.memref_slice %arg2[%dma_wait3A_138, %dma_wait3A_139] : memref<10000x128xf32, #tpu.memory_space<hbm>> -> memref<10000x128xf32, #tpu.memory_space<hbm>>
    tpu.wait_indirect_dma semaphore(%arg13 : memref<!tpu.dma_semaphore, #tpu.memory_space<semaphore_mem>>) src(%dma_wait3A_140 : memref<10000x128xf32, #tpu.memory_space<hbm>>) dst(%arg10 : memref<128x128xf32, #tpu.memory_space<vmem>>)
    %add3A_141 = arith.constant 9728 : i32
    %add3A_142 = arith.addi %add3A_4, %add3A_141 : i32
    %dma_wait3A_143 = arith.constant 0 : i32
    %dma_wait3A_144 = arith.constant 0 : i32
    %dma_wait3A_145 = tpu.memref_slice %arg7[%dma_wait3A_143, %dma_wait3A_144] : memref<4x128xi32, #tpu.memory_space<vmem>> -> memref<1x128xi32, #tpu.memory_space<vmem>>
    %dma_wait3A_146 = tpu.memref_squeeze %dma_wait3A_145 : memref<1x128xi32, #tpu.memory_space<vmem>> -> memref<128xi32, #tpu.memory_space<vmem>>
    %dma_wait3A_147 = tpu.memref_slice %arg3[%add3A_142] : memref<640000xi32, #tpu.memory_space<hbm>> -> memref<128xi32, #tpu.memory_space<hbm>>
    %dma_wait3A_148 = arith.constant 0 : i32
    %dma_wait3A_149 = tpu.memref_slice %arg7[%dma_wait3A_143, %dma_wait3A_148] : memref<4x128xi32, #tpu.memory_space<vmem>> -> memref<1x128xi32, #tpu.memory_space<vmem>>
    %dma_wait3A_150 = tpu.memref_squeeze %dma_wait3A_149 : memref<1x128xi32, #tpu.memory_space<vmem>> -> memref<128xi32, #tpu.memory_space<vmem>>
    %dma_wait3A_151 = tpu.memref_slice %arg3[%add3A_142] : memref<640000xi32, #tpu.memory_space<hbm>> -> memref<128xi32, #tpu.memory_space<hbm>>
    tpu.wait_dma2 semaphore(%arg19 : memref<!tpu.dma_semaphore, #tpu.memory_space<semaphore_mem>>) src(%dma_wait3A_151 : memref<128xi32, #tpu.memory_space<hbm>>) dst(%dma_wait3A_150 : memref<128xi32, #tpu.memory_space<vmem>>)
    %run_scoped3A = arith.constant 0 : i32
    "tpu.region"() ({
      %run_scoped3A_180 = tpu.sem_alloc : memref<!tpu.dma_semaphore, #tpu.memory_space<semaphore_mem>>
      %dma_start3A_181 = arith.constant 0 : i32
      %dma_start3A_182 = tpu.memref_slice %arg7[%run_scoped3A, %dma_start3A_181] : memref<4x128xi32, #tpu.memory_space<vmem>> -> memref<1x128xi32, #tpu.memory_space<vmem>>
      %dma_start3A_183 = tpu.memref_squeeze %dma_start3A_182 : memref<1x128xi32, #tpu.memory_space<vmem>> -> memref<128xi32, #tpu.memory_space<vmem>>
      %dma_start3A_184 = arith.constant 0 : i32
      %dma_start3A_185 = arith.constant 0 : i32
      %dma_start3A_186 = tpu.memref_slice %arg12[%dma_start3A_184, %dma_start3A_185] : memref<10240x128xf32, #tpu.memory_space<vmem_shared>> -> memref<10240x128xf32, #tpu.memory_space<vmem_shared>>
      tpu.enqueue_indirect_dma source(%arg10 : memref<128x128xf32, #tpu.memory_space<vmem>>) target(%dma_start3A_186 : memref<10240x128xf32, #tpu.memory_space<vmem_shared>>) offsets(%dma_start3A_183 : memref<128xi32, #tpu.memory_space<vmem>>) semaphore(%run_scoped3A_180 : memref<!tpu.dma_semaphore, #tpu.memory_space<semaphore_mem>>) {add = true}
      %dma_wait3A_187 = arith.constant 0 : i32
      %dma_wait3A_188 = tpu.memref_slice %arg7[%run_scoped3A, %dma_wait3A_187] : memref<4x128xi32, #tpu.memory_space<vmem>> -> memref<1x128xi32, #tpu.memory_space<vmem>>
      %dma_wait3A_189 = tpu.memref_squeeze %dma_wait3A_188 : memref<1x128xi32, #tpu.memory_space<vmem>> -> memref<128xi32, #tpu.memory_space<vmem>>
      %dma_wait3A_190 = arith.constant 0 : i32
      %dma_wait3A_191 = arith.constant 0 : i32
      %dma_wait3A_192 = tpu.memref_slice %arg12[%dma_wait3A_190, %dma_wait3A_191] : memref<10240x128xf32, #tpu.memory_space<vmem_shared>> -> memref<10240x128xf32, #tpu.memory_space<vmem_shared>>
      tpu.wait_indirect_dma semaphore(%run_scoped3A_180 : memref<!tpu.dma_semaphore, #tpu.memory_space<semaphore_mem>>) src(%arg10 : memref<128x128xf32, #tpu.memory_space<vmem>>) dst(%dma_wait3A_192 : memref<10240x128xf32, #tpu.memory_space<vmem_shared>>)
      tpu.yield
    }) : () -> ()
    %dma_wait3A_152 = arith.constant 1 : i32
    %dma_wait3A_153 = arith.constant 0 : i32
    %dma_wait3A_154 = tpu.memref_slice %arg6[%dma_wait3A_152, %dma_wait3A_153] : memref<4x128xi32, #tpu.memory_space<vmem>> -> memref<1x128xi32, #tpu.memory_space<vmem>>
    %dma_wait3A_155 = tpu.memref_squeeze %dma_wait3A_154 : memref<1x128xi32, #tpu.memory_space<vmem>> -> memref<128xi32, #tpu.memory_space<vmem>>
    %dma_wait3A_156 = arith.constant 0 : i32
    %dma_wait3A_157 = arith.constant 0 : i32
    %dma_wait3A_158 = tpu.memref_slice %arg2[%dma_wait3A_156, %dma_wait3A_157] : memref<10000x128xf32, #tpu.memory_space<hbm>> -> memref<10000x128xf32, #tpu.memory_space<hbm>>
    tpu.wait_indirect_dma semaphore(%arg14 : memref<!tpu.dma_semaphore, #tpu.memory_space<semaphore_mem>>) src(%dma_wait3A_158 : memref<10000x128xf32, #tpu.memory_space<hbm>>) dst(%arg11 : memref<128x128xf32, #tpu.memory_space<vmem>>)
    %add3A_159 = arith.constant 9856 : i32
    %add3A_160 = arith.addi %add3A_4, %add3A_159 : i32
    %dma_wait3A_161 = arith.constant 1 : i32
    %dma_wait3A_162 = arith.constant 0 : i32
    %dma_wait3A_163 = tpu.memref_slice %arg7[%dma_wait3A_161, %dma_wait3A_162] : memref<4x128xi32, #tpu.memory_space<vmem>> -> memref<1x128xi32, #tpu.memory_space<vmem>>
    %dma_wait3A_164 = tpu.memref_squeeze %dma_wait3A_163 : memref<1x128xi32, #tpu.memory_space<vmem>> -> memref<128xi32, #tpu.memory_space<vmem>>
    %dma_wait3A_165 = tpu.memref_slice %arg3[%add3A_160] : memref<640000xi32, #tpu.memory_space<hbm>> -> memref<128xi32, #tpu.memory_space<hbm>>
    %dma_wait3A_166 = arith.constant 0 : i32
    %dma_wait3A_167 = tpu.memref_slice %arg7[%dma_wait3A_161, %dma_wait3A_166] : memref<4x128xi32, #tpu.memory_space<vmem>> -> memref<1x128xi32, #tpu.memory_space<vmem>>
    %dma_wait3A_168 = tpu.memref_squeeze %dma_wait3A_167 : memref<1x128xi32, #tpu.memory_space<vmem>> -> memref<128xi32, #tpu.memory_space<vmem>>
    %dma_wait3A_169 = tpu.memref_slice %arg3[%add3A_160] : memref<640000xi32, #tpu.memory_space<hbm>> -> memref<128xi32, #tpu.memory_space<hbm>>
    tpu.wait_dma2 semaphore(%arg20 : memref<!tpu.dma_semaphore, #tpu.memory_space<semaphore_mem>>) src(%dma_wait3A_169 : memref<128xi32, #tpu.memory_space<hbm>>) dst(%dma_wait3A_168 : memref<128xi32, #tpu.memory_space<vmem>>)
    %run_scoped3A_170 = arith.constant 1 : i32
    "tpu.region"() ({
      %run_scoped3A_180 = tpu.sem_alloc : memref<!tpu.dma_semaphore, #tpu.memory_space<semaphore_mem>>
      %dma_start3A_181 = arith.constant 0 : i32
      %dma_start3A_182 = tpu.memref_slice %arg7[%run_scoped3A_170, %dma_start3A_181] : memref<4x128xi32, #tpu.memory_space<vmem>> -> memref<1x128xi32, #tpu.memory_space<vmem>>
      %dma_start3A_183 = tpu.memref_squeeze %dma_start3A_182 : memref<1x128xi32, #tpu.memory_space<vmem>> -> memref<128xi32, #tpu.memory_space<vmem>>
      %dma_start3A_184 = arith.constant 0 : i32
      %dma_start3A_185 = arith.constant 0 : i32
      %dma_start3A_186 = tpu.memref_slice %arg12[%dma_start3A_184, %dma_start3A_185] : memref<10240x128xf32, #tpu.memory_space<vmem_shared>> -> memref<10240x128xf32, #tpu.memory_space<vmem_shared>>
      tpu.enqueue_indirect_dma source(%arg11 : memref<128x128xf32, #tpu.memory_space<vmem>>) target(%dma_start3A_186 : memref<10240x128xf32, #tpu.memory_space<vmem_shared>>) offsets(%dma_start3A_183 : memref<128xi32, #tpu.memory_space<vmem>>) semaphore(%run_scoped3A_180 : memref<!tpu.dma_semaphore, #tpu.memory_space<semaphore_mem>>) {add = true}
      %dma_wait3A_187 = arith.constant 0 : i32
      %dma_wait3A_188 = tpu.memref_slice %arg7[%run_scoped3A_170, %dma_wait3A_187] : memref<4x128xi32, #tpu.memory_space<vmem>> -> memref<1x128xi32, #tpu.memory_space<vmem>>
      %dma_wait3A_189 = tpu.memref_squeeze %dma_wait3A_188 : memref<1x128xi32, #tpu.memory_space<vmem>> -> memref<128xi32, #tpu.memory_space<vmem>>
      %dma_wait3A_190 = arith.constant 0 : i32
      %dma_wait3A_191 = arith.constant 0 : i32
      %dma_wait3A_192 = tpu.memref_slice %arg12[%dma_wait3A_190, %dma_wait3A_191] : memref<10240x128xf32, #tpu.memory_space<vmem_shared>> -> memref<10240x128xf32, #tpu.memory_space<vmem_shared>>
      tpu.wait_indirect_dma semaphore(%run_scoped3A_180 : memref<!tpu.dma_semaphore, #tpu.memory_space<semaphore_mem>>) src(%arg11 : memref<128x128xf32, #tpu.memory_space<vmem>>) dst(%dma_wait3A_192 : memref<10240x128xf32, #tpu.memory_space<vmem_shared>>)
      tpu.yield
    }) : () -> ()
    %add3A_171 = arith.constant 9984 : i32
    %add3A_172 = arith.addi %mul3A_2, %add3A_171 : i32
    "tpu.region"() ({
      %run_scoped3A_180 = tpu.sem_alloc : memref<!tpu.dma_semaphore, #tpu.memory_space<semaphore_mem>>
      %dma_start3A_181 = tpu.memref_slice %arg3[%add3A_172] : memref<640000xi32, #tpu.memory_space<hbm>> -> memref<16xi32, #tpu.memory_space<hbm>>
      %dma_start3A_182 = tpu.memref_slice %arg3[%add3A_172] : memref<640000xi32, #tpu.memory_space<hbm>> -> memref<16xi32, #tpu.memory_space<hbm>>
      tpu.enqueue_dma source(%dma_start3A_182 : memref<16xi32, #tpu.memory_space<hbm>>) target(%arg8 : memref<16xi32, #tpu.memory_space<vmem>>) target_semaphore(%run_scoped3A_180 : memref<!tpu.dma_semaphore, #tpu.memory_space<semaphore_mem>>)
      %dma_wait3A_183 = tpu.memref_slice %arg3[%add3A_172] : memref<640000xi32, #tpu.memory_space<hbm>> -> memref<16xi32, #tpu.memory_space<hbm>>
      %dma_wait3A_184 = tpu.memref_slice %arg3[%add3A_172] : memref<640000xi32, #tpu.memory_space<hbm>> -> memref<16xi32, #tpu.memory_space<hbm>>
      tpu.wait_dma2 semaphore(%run_scoped3A_180 : memref<!tpu.dma_semaphore, #tpu.memory_space<semaphore_mem>>) src(%dma_wait3A_184 : memref<16xi32, #tpu.memory_space<hbm>>) dst(%arg8 : memref<16xi32, #tpu.memory_space<vmem>>)
      tpu.yield
    }) : () -> ()
    %add3A_173 = arith.constant 9984 : i32
    %add3A_174 = arith.addi %add3A_4, %add3A_173 : i32
    "tpu.region"() ({
      %run_scoped3A_180 = tpu.sem_alloc : memref<!tpu.dma_semaphore, #tpu.memory_space<semaphore_mem>>
      %dma_start3A_181 = tpu.memref_slice %arg3[%add3A_174] : memref<640000xi32, #tpu.memory_space<hbm>> -> memref<16xi32, #tpu.memory_space<hbm>>
      %dma_start3A_182 = tpu.memref_slice %arg3[%add3A_174] : memref<640000xi32, #tpu.memory_space<hbm>> -> memref<16xi32, #tpu.memory_space<hbm>>
      tpu.enqueue_dma source(%dma_start3A_182 : memref<16xi32, #tpu.memory_space<hbm>>) target(%arg9 : memref<16xi32, #tpu.memory_space<vmem>>) target_semaphore(%run_scoped3A_180 : memref<!tpu.dma_semaphore, #tpu.memory_space<semaphore_mem>>)
      %dma_wait3A_183 = tpu.memref_slice %arg3[%add3A_174] : memref<640000xi32, #tpu.memory_space<hbm>> -> memref<16xi32, #tpu.memory_space<hbm>>
      %dma_wait3A_184 = tpu.memref_slice %arg3[%add3A_174] : memref<640000xi32, #tpu.memory_space<hbm>> -> memref<16xi32, #tpu.memory_space<hbm>>
      tpu.wait_dma2 semaphore(%run_scoped3A_180 : memref<!tpu.dma_semaphore, #tpu.memory_space<semaphore_mem>>) src(%dma_wait3A_184 : memref<16xi32, #tpu.memory_space<hbm>>) dst(%arg9 : memref<16xi32, #tpu.memory_space<vmem>>)
      tpu.yield
    }) : () -> ()
    "tpu.region"() ({
      %run_scoped3A_180 = tpu.sem_alloc : memref<!tpu.dma_semaphore, #tpu.memory_space<semaphore_mem>>
      %dma_start3A_181 = arith.constant 0 : i32
      %dma_start3A_182 = arith.constant 0 : i32
      %dma_start3A_183 = tpu.memref_slice %arg10[%dma_start3A_181, %dma_start3A_182] : memref<128x128xf32, #tpu.memory_space<vmem>> -> memref<16x128xf32, #tpu.memory_space<vmem>>
      %dma_start3A_184 = arith.constant 0 : i32
      %dma_start3A_185 = arith.constant 0 : i32
      %dma_start3A_186 = tpu.memref_slice %arg2[%dma_start3A_184, %dma_start3A_185] : memref<10000x128xf32, #tpu.memory_space<hbm>> -> memref<10000x128xf32, #tpu.memory_space<hbm>>
      tpu.enqueue_indirect_dma source(%dma_start3A_186 : memref<10000x128xf32, #tpu.memory_space<hbm>>) target(%dma_start3A_183 : memref<16x128xf32, #tpu.memory_space<vmem>>) offsets(%arg8 : memref<16xi32, #tpu.memory_space<vmem>>) semaphore(%run_scoped3A_180 : memref<!tpu.dma_semaphore, #tpu.memory_space<semaphore_mem>>)
      %dma_wait3A_187 = arith.constant 0 : i32
      %dma_wait3A_188 = arith.constant 0 : i32
      %dma_wait3A_189 = tpu.memref_slice %arg10[%dma_wait3A_187, %dma_wait3A_188] : memref<128x128xf32, #tpu.memory_space<vmem>> -> memref<16x128xf32, #tpu.memory_space<vmem>>
      %dma_wait3A_190 = arith.constant 0 : i32
      %dma_wait3A_191 = arith.constant 0 : i32
      %dma_wait3A_192 = tpu.memref_slice %arg2[%dma_wait3A_190, %dma_wait3A_191] : memref<10000x128xf32, #tpu.memory_space<hbm>> -> memref<10000x128xf32, #tpu.memory_space<hbm>>
      tpu.wait_indirect_dma semaphore(%run_scoped3A_180 : memref<!tpu.dma_semaphore, #tpu.memory_space<semaphore_mem>>) src(%dma_wait3A_192 : memref<10000x128xf32, #tpu.memory_space<hbm>>) dst(%dma_wait3A_189 : memref<16x128xf32, #tpu.memory_space<vmem>>)
      tpu.yield
    }) : () -> ()
    "tpu.region"() ({
      %run_scoped3A_180 = tpu.sem_alloc : memref<!tpu.dma_semaphore, #tpu.memory_space<semaphore_mem>>
      %dma_start3A_181 = arith.constant 0 : i32
      %dma_start3A_182 = arith.constant 0 : i32
      %dma_start3A_183 = tpu.memref_slice %arg10[%dma_start3A_181, %dma_start3A_182] : memref<128x128xf32, #tpu.memory_space<vmem>> -> memref<16x128xf32, #tpu.memory_space<vmem>>
      %dma_start3A_184 = arith.constant 0 : i32
      %dma_start3A_185 = arith.constant 0 : i32
      %dma_start3A_186 = tpu.memref_slice %arg12[%dma_start3A_184, %dma_start3A_185] : memref<10240x128xf32, #tpu.memory_space<vmem_shared>> -> memref<10240x128xf32, #tpu.memory_space<vmem_shared>>
      tpu.enqueue_indirect_dma source(%dma_start3A_183 : memref<16x128xf32, #tpu.memory_space<vmem>>) target(%dma_start3A_186 : memref<10240x128xf32, #tpu.memory_space<vmem_shared>>) offsets(%arg9 : memref<16xi32, #tpu.memory_space<vmem>>) semaphore(%run_scoped3A_180 : memref<!tpu.dma_semaphore, #tpu.memory_space<semaphore_mem>>) {add = true}
      %dma_wait3A_187 = arith.constant 0 : i32
      %dma_wait3A_188 = arith.constant 0 : i32
      %dma_wait3A_189 = tpu.memref_slice %arg10[%dma_wait3A_187, %dma_wait3A_188] : memref<128x128xf32, #tpu.memory_space<vmem>> -> memref<16x128xf32, #tpu.memory_space<vmem>>
      %dma_wait3A_190 = arith.constant 0 : i32
      %dma_wait3A_191 = arith.constant 0 : i32
      %dma_wait3A_192 = tpu.memref_slice %arg12[%dma_wait3A_190, %dma_wait3A_191] : memref<10240x128xf32, #tpu.memory_space<vmem_shared>> -> memref<10240x128xf32, #tpu.memory_space<vmem_shared>>
      tpu.wait_indirect_dma semaphore(%run_scoped3A_180 : memref<!tpu.dma_semaphore, #tpu.memory_space<semaphore_mem>>) src(%dma_wait3A_189 : memref<16x128xf32, #tpu.memory_space<vmem>>) dst(%dma_wait3A_192 : memref<10240x128xf32, #tpu.memory_space<vmem_shared>>)
      tpu.yield
    }) : () -> ()
    %barrier3A_175 = arith.constant 0 : index
    tpu.barrier barrier_id(%barrier3A_175)
    %mul3A_176 = arith.constant 640 : i32
    %mul3A_177 = arith.muli %arg1, %mul3A_176 : i32
    %mul3A_178 = arith.constant 640 : i32
    %mul3A_179 = arith.muli %arg1, %mul3A_178 : i32
    "tpu.region"() ({
      %run_scoped3A_180 = tpu.sem_alloc : memref<!tpu.dma_semaphore, #tpu.memory_space<semaphore_mem>>
      %dma_start3A_181 = arith.constant 0 : i32
      %dma_start3A_182 = tpu.memref_slice %arg5[%arg0, %mul3A_179, %dma_start3A_181] : memref<2x10240x128xf32, #tpu.memory_space<hbm>> -> memref<1x640x128xf32, #tpu.memory_space<hbm>>
      %dma_start3A_183 = tpu.memref_squeeze %dma_start3A_182 : memref<1x640x128xf32, #tpu.memory_space<hbm>> -> memref<640x128xf32, #tpu.memory_space<hbm>>
      %dma_start3A_184 = arith.constant 0 : i32
      %dma_start3A_185 = tpu.memref_slice %arg12[%mul3A_177, %dma_start3A_184] : memref<10240x128xf32, #tpu.memory_space<vmem_shared>> -> memref<640x128xf32, #tpu.memory_space<vmem_shared>>
      tpu.enqueue_dma source(%dma_start3A_185 : memref<640x128xf32, #tpu.memory_space<vmem_shared>>) target(%dma_start3A_183 : memref<640x128xf32, #tpu.memory_space<hbm>>) target_semaphore(%run_scoped3A_180 : memref<!tpu.dma_semaphore, #tpu.memory_space<semaphore_mem>>)
      %dma_wait3A_186 = arith.constant 0 : i32
      %dma_wait3A_187 = tpu.memref_slice %arg5[%arg0, %mul3A_179, %dma_wait3A_186] : memref<2x10240x128xf32, #tpu.memory_space<hbm>> -> memref<1x640x128xf32, #tpu.memory_space<hbm>>
      %dma_wait3A_188 = tpu.memref_squeeze %dma_wait3A_187 : memref<1x640x128xf32, #tpu.memory_space<hbm>> -> memref<640x128xf32, #tpu.memory_space<hbm>>
      %dma_wait3A_189 = arith.constant 0 : i32
      %dma_wait3A_190 = tpu.memref_slice %arg12[%mul3A_177, %dma_wait3A_189] : memref<10240x128xf32, #tpu.memory_space<vmem_shared>> -> memref<640x128xf32, #tpu.memory_space<vmem_shared>>
      tpu.wait_dma2 semaphore(%run_scoped3A_180 : memref<!tpu.dma_semaphore, #tpu.memory_space<semaphore_mem>>) src(%dma_wait3A_190 : memref<640x128xf32, #tpu.memory_space<vmem_shared>>) dst(%dma_wait3A_188 : memref<640x128xf32, #tpu.memory_space<hbm>>)
      tpu.yield
    }) : () -> ()
    return
  }
}

module attributes {stable_mosaic.version = 14 : i64} {
  func.func @_tc_prep_body(%arg0: memref<2x10240xf32, #tpu.memory_space<vmem>>, %arg1: memref<10000x128xf32, #tpu.memory_space<vmem>>, %arg2: memref<10000x128xf32, #tpu.memory_space<vmem>>) attributes {dimension_semantics = [], scalar_prefetch = 0 : i64, scratch_operands = 0 : i64, tpu.core_type = #tpu.core_type<tc>} {
    %get3A = arith.constant 0 : index
    %get3A_0 = arith.constant 0 : index
    %get3A_1 = vector.load %arg0[%get3A, %get3A_0] : memref<2x10240xf32, #tpu.memory_space<vmem>>, vector<2x10240xf32>
    %slice3A = vector.extract_strided_slice %get3A_1 {offsets = [0, 0], sizes = [1, 10240], strides = [1, 1]} : vector<2x10240xf32> to vector<1x10240xf32>
    %slice3A_2 = vector.extract_strided_slice %get3A_1 {offsets = [1, 0], sizes = [1, 10240], strides = [1, 1]} : vector<2x10240xf32> to vector<1x10240xf32>
    %add3A = arith.addf %slice3A, %slice3A_2 : vector<1x10240xf32>
    %reshape3A = vector.shape_cast %add3A : vector<1x10240xf32> to vector<10240x1xf32>
    %add3A_3 = arith.constant 1.000000e+00 : f32
    %add3A_4 = vector.broadcast %add3A_3 : f32 to vector<10240x1xf32>
    %add3A_5 = arith.addf %add3A_4, %reshape3A : vector<10240x1xf32>
    %slice3A_6 = vector.extract_strided_slice %add3A_5 {offsets = [0, 0], sizes = [10000, 1], strides = [1, 1]} : vector<10240x1xf32> to vector<10000x1xf32>
    %rsqrt3A = math.rsqrt %slice3A_6 : vector<10000x1xf32>
    %get3A_7 = arith.constant 0 : index
    %get3A_8 = arith.constant 0 : index
    %get3A_9 = vector.load %arg1[%get3A_7, %get3A_8] : memref<10000x128xf32, #tpu.memory_space<vmem>>, vector<10000x128xf32>
    %mul3A = vector.broadcast %rsqrt3A : vector<10000x1xf32> to vector<10000x128xf32>
    %mul3A_10 = arith.mulf %mul3A, %get3A_9 : vector<10000x128xf32>
    %swap3A = arith.constant 0 : index
    %swap3A_11 = arith.constant 0 : index
    %swap3A_12 = vector.load %arg2[%swap3A, %swap3A_11] : memref<10000x128xf32, #tpu.memory_space<vmem>>, vector<10000x128xf32>
    tpu.vector_store %arg2[%swap3A, %swap3A_11], %mul3A_10 {strides = array<i32>} : memref<10000x128xf32, #tpu.memory_space<vmem>>, vector<10000x128xf32>,
    return
  }
}

module attributes {stable_mosaic.version = 14 : i64} {
  func.func @_tc_post_body(%arg0: memref<2x10240x128xf32, #tpu.memory_space<vmem>>, %arg1: memref<2x10240xf32, #tpu.memory_space<vmem>>, %arg2: memref<10000x128xf32, #tpu.memory_space<vmem>>, %arg3: memref<128x128xf32, #tpu.memory_space<vmem>>, %arg4: memref<1x128xf32, #tpu.memory_space<vmem>>, %arg5: memref<1x128xf32, #tpu.memory_space<vmem>>, %arg6: memref<1x128xf32, #tpu.memory_space<vmem>>, %arg7: memref<10000x128xf32, #tpu.memory_space<vmem>>) attributes {dimension_semantics = [], scalar_prefetch = 0 : i64, scratch_operands = 0 : i64, tpu.core_type = #tpu.core_type<tc>} {
    %get3A = arith.constant 0 : index
    %get3A_0 = arith.constant 0 : index
    %get3A_1 = arith.constant 0 : index
    %get3A_2 = vector.load %arg0[%get3A, %get3A_0, %get3A_1] : memref<2x10240x128xf32, #tpu.memory_space<vmem>>, vector<1x10240x128xf32>
    %get3A_3 = vector.shape_cast %get3A_2 : vector<1x10240x128xf32> to vector<10240x128xf32>
    %get3A_4 = arith.constant 1 : index
    %get3A_5 = arith.constant 0 : index
    %get3A_6 = arith.constant 0 : index
    %get3A_7 = vector.load %arg0[%get3A_4, %get3A_5, %get3A_6] : memref<2x10240x128xf32, #tpu.memory_space<vmem>>, vector<1x10240x128xf32>
    %get3A_8 = vector.shape_cast %get3A_7 : vector<1x10240x128xf32> to vector<10240x128xf32>
    %add3A = arith.addf %get3A_3, %get3A_8 : vector<10240x128xf32>
    %slice3A = vector.extract_strided_slice %add3A {offsets = [0, 0], sizes = [10000, 128], strides = [1, 1]} : vector<10240x128xf32> to vector<10000x128xf32>
    %get3A_9 = arith.constant 0 : index
    %get3A_10 = arith.constant 0 : index
    %get3A_11 = vector.load %arg1[%get3A_9, %get3A_10] : memref<2x10240xf32, #tpu.memory_space<vmem>>, vector<2x10240xf32>
    %slice3A_12 = vector.extract_strided_slice %get3A_11 {offsets = [0, 0], sizes = [1, 10240], strides = [1, 1]} : vector<2x10240xf32> to vector<1x10240xf32>
    %slice3A_13 = vector.extract_strided_slice %get3A_11 {offsets = [1, 0], sizes = [1, 10240], strides = [1, 1]} : vector<2x10240xf32> to vector<1x10240xf32>
    %add3A_14 = arith.addf %slice3A_12, %slice3A_13 : vector<1x10240xf32>
    %reshape3A = vector.shape_cast %add3A_14 : vector<1x10240xf32> to vector<10240x1xf32>
    %add3A_15 = arith.constant 1.000000e+00 : f32
    %add3A_16 = vector.broadcast %add3A_15 : f32 to vector<10240x1xf32>
    %add3A_17 = arith.addf %add3A_16, %reshape3A : vector<10240x1xf32>
    %slice3A_18 = vector.extract_strided_slice %add3A_17 {offsets = [0, 0], sizes = [10000, 1], strides = [1, 1]} : vector<10240x1xf32> to vector<10000x1xf32>
    %rsqrt3A = math.rsqrt %slice3A_18 : vector<10000x1xf32>
    %get3A_19 = arith.constant 0 : index
    %get3A_20 = arith.constant 0 : index
    %get3A_21 = vector.load %arg2[%get3A_19, %get3A_20] : memref<10000x128xf32, #tpu.memory_space<vmem>>, vector<10000x128xf32>
    %mul3A = vector.broadcast %rsqrt3A : vector<10000x1xf32> to vector<10000x128xf32>
    %mul3A_22 = arith.mulf %mul3A, %slice3A : vector<10000x128xf32>
    %mul3A_23 = arith.mulf %rsqrt3A, %rsqrt3A : vector<10000x1xf32>
    %mul3A_24 = vector.broadcast %mul3A_23 : vector<10000x1xf32> to vector<10000x128xf32>
    %mul3A_25 = arith.mulf %mul3A_24, %get3A_21 : vector<10000x128xf32>
    %add3A_26 = arith.addf %mul3A_22, %mul3A_25 : vector<10000x128xf32>
    %get3A_27 = arith.constant 0 : index
    %get3A_28 = arith.constant 0 : index
    %get3A_29 = vector.load %arg3[%get3A_27, %get3A_28] : memref<128x128xf32, #tpu.memory_space<vmem>>, vector<128x128xf32>
    %dot_general3A = arith.constant dense<0.000000e+00> : vector<10000x128xf32>
    %dot_general3A_30 = tpu.matmul %add3A_26, %get3A_29, %dot_general3A {dimension_numbers = #tpu.dot_dimension_numbers<[1], [1], [0], [0], [0, 0, 1, 0], [], []>, transpose_lhs_hint = false} : vector<10000x128xf32>, vector<128x128xf32>, vector<10000x128xf32> -> vector<10000x128xf32>
    %get3A_31 = arith.constant 0 : index
    %get3A_32 = arith.constant 0 : index
    %get3A_33 = vector.load %arg4[%get3A_31, %get3A_32] : memref<1x128xf32, #tpu.memory_space<vmem>>, vector<1x128xf32>
    %add3A_34 = vector.broadcast %get3A_33 : vector<1x128xf32> to vector<10000x128xf32>
    %add3A_35 = arith.addf %dot_general3A_30, %add3A_34 : vector<10000x128xf32>
    %reduce_sum3A = arith.constant dense<0.000000e+00> : vector<128xf32>
    %reduce_sum3A_36 = vector.multi_reduction <add>, %add3A_35, %reduce_sum3A [0] : vector<10000x128xf32> to vector<128xf32>
    %broadcast_in_dim3A = vector.shape_cast %reduce_sum3A_36 : vector<128xf32> to vector<1x128xf32>
    %div3A = arith.constant 1.000000e+04 : f32
    %div3A_37 = vector.broadcast %div3A : f32 to vector<1x128xf32>
    %div3A_38 = arith.divf %broadcast_in_dim3A, %div3A_37 : vector<1x128xf32>
    %sub3A = vector.broadcast %div3A_38 : vector<1x128xf32> to vector<10000x128xf32>
    %sub3A_39 = arith.subf %add3A_35, %sub3A : vector<10000x128xf32>
    %integer_pow3A = arith.mulf %sub3A_39, %sub3A_39 : vector<10000x128xf32>
    %reduce_sum3A_40 = arith.constant dense<0.000000e+00> : vector<128xf32>
    %reduce_sum3A_41 = vector.multi_reduction <add>, %integer_pow3A, %reduce_sum3A_40 [0] : vector<10000x128xf32> to vector<128xf32>
    %broadcast_in_dim3A_42 = vector.shape_cast %reduce_sum3A_41 : vector<128xf32> to vector<1x128xf32>
    %div3A_43 = arith.constant 1.000000e+04 : f32
    %div3A_44 = vector.broadcast %div3A_43 : f32 to vector<1x128xf32>
    %div3A_45 = arith.divf %broadcast_in_dim3A_42, %div3A_44 : vector<1x128xf32>
    %sub3A_46 = vector.broadcast %div3A_38 : vector<1x128xf32> to vector<10000x128xf32>
    %sub3A_47 = arith.subf %add3A_35, %sub3A_46 : vector<10000x128xf32>
    %add3A_48 = arith.constant 9.99999974E-6 : f32
    %add3A_49 = vector.broadcast %add3A_48 : f32 to vector<1x128xf32>
    %add3A_50 = arith.addf %div3A_45, %add3A_49 : vector<1x128xf32>
    %rsqrt3A_51 = math.rsqrt %add3A_50 : vector<1x128xf32>
    %mul3A_52 = vector.broadcast %rsqrt3A_51 : vector<1x128xf32> to vector<10000x128xf32>
    %mul3A_53 = arith.mulf %sub3A_47, %mul3A_52 : vector<10000x128xf32>
    %get3A_54 = arith.constant 0 : index
    %get3A_55 = arith.constant 0 : index
    %get3A_56 = vector.load %arg5[%get3A_54, %get3A_55] : memref<1x128xf32, #tpu.memory_space<vmem>>, vector<1x128xf32>
    %mul3A_57 = vector.broadcast %get3A_56 : vector<1x128xf32> to vector<10000x128xf32>
    %mul3A_58 = arith.mulf %mul3A_53, %mul3A_57 : vector<10000x128xf32>
    %get3A_59 = arith.constant 0 : index
    %get3A_60 = arith.constant 0 : index
    %get3A_61 = vector.load %arg6[%get3A_59, %get3A_60] : memref<1x128xf32, #tpu.memory_space<vmem>>, vector<1x128xf32>
    %add3A_62 = vector.broadcast %get3A_61 : vector<1x128xf32> to vector<10000x128xf32>
    %add3A_63 = arith.addf %mul3A_58, %add3A_62 : vector<10000x128xf32>
    %ge3A = arith.constant 0.000000e+00 : f32
    %ge3A_64 = vector.broadcast %ge3A : f32 to vector<10000x128xf32>
    %ge3A_65 = arith.cmpf oge, %add3A_63, %ge3A_64 : vector<10000x128xf32>
    %mul3A_66 = arith.constant 1.000000e-01 : f32
    %mul3A_67 = vector.broadcast %mul3A_66 : f32 to vector<10000x128xf32>
    %mul3A_68 = arith.mulf %mul3A_67, %add3A_63 : vector<10000x128xf32>
    %select_n3A = arith.select %ge3A_65, %add3A_63, %mul3A_68 : vector<10000x128xi1>, vector<10000x128xf32>
    %add3A_69 = arith.addf %select_n3A, %get3A_21 : vector<10000x128xf32>
    %ge3A_70 = arith.constant 0.000000e+00 : f32
    %ge3A_71 = vector.broadcast %ge3A_70 : f32 to vector<10000x128xf32>
    %ge3A_72 = arith.cmpf oge, %add3A_69, %ge3A_71 : vector<10000x128xf32>
    %mul3A_73 = arith.constant 1.000000e-01 : f32
    %mul3A_74 = vector.broadcast %mul3A_73 : f32 to vector<10000x128xf32>
    %mul3A_75 = arith.mulf %mul3A_74, %add3A_69 : vector<10000x128xf32>
    %select_n3A_76 = arith.select %ge3A_72, %add3A_69, %mul3A_75 : vector<10000x128xi1>, vector<10000x128xf32>
    %swap3A = arith.constant 0 : index
    %swap3A_77 = arith.constant 0 : index
    %swap3A_78 = vector.load %arg7[%swap3A, %swap3A_77] : memref<10000x128xf32, #tpu.memory_space<vmem>>, vector<10000x128xf32>
    tpu.vector_store %arg7[%swap3A, %swap3A_77], %select_n3A_76 {strides = array<i32>} : memref<10000x128xf32, #tpu.memory_space<vmem>>, vector<10000x128xf32>,
    return
  }
}

</mosaic_0001>

<sc_bundles>
// kernel: kernel.6.cloned.1.call-start
scs
__scs_entry_jumppad:
0x0: {  	(pc) =	sbr.rel $0x88, $3  }
0x1: {  	(tag) =	ssettag $0x0;
	lr =	simm.s32 $0x1  }
0x2: {  	[smem:$0x3F9B] =	sst lr;
	_ =	strace $0xD0000000  }
0x3: {  	_ = 	snop  }
0x4: {  	_ = 	snop  }
0x5: {  	_ = 	snop  }
0x6: {  	_ = 	snop  }
0x7: {  	_ = 	snop  }
__scs_overlays_trampoline_lowered:
0x8: {  	[smem:$0x3FAA] =	sst s0  }
0x9: {  	[smem:$0x3FAB] =	sst s1  }
0xa: {  	[smem:$0x3FAC] =	sst s2  }
0xb: {  	[smem:$0x3FAD] =	sst s3  }
0xc: {  	[smem:$0x3FAE] =	sst s4  }
0xd: {  	[smem:$0x3FAF] =	sst s5  }
0xe: {  	[smem:$0x3FB0] =	sst s6  }
0xf: {  	[smem:$0x3FB1] =	sst s7  }
0x10: {  	[smem:$0x3FB2] =	sst s8  }
0x11: {  	[smem:$0x3FB3] =	sst s9;
	s0 =	simm.s32 @!p0 $0x0  }
0x12: {  	s1 =	sld [smem:$0x3F99];
	s0 =	simm.s32 @p0 $0x1  }
0x13: {  	[smem:$0x3FB4] =	sst s0;
	s0 =	simm.s32 @!p1 $0x0  }
0x14: {  	s2 =	sld [smem:$0x3F98];
	s0 =	simm.s32 @p1 $0x1  }
0x15: {  	[smem:$0x3FB5] =	sst s0;
	s0 =	simm.s32 @!p2 $0x0  }
0x16: {  	s3 =	sld [smem:$0x3FDB];
	s0 =	simm.s32 @p2 $0x1  }
0x17: {  	s4 =	simm.s32 $0x1BF5;
	[smem:$0x3FB7] =	sst s0  }
0x18: {  	s0 =	sld [smem:$0x3F9A];
	_ =	swait.ge [sflag:s4], $0x0  }
0x19: {  	s7 =	sld [smem:$0x3F9B]  }
0x1a: {  	s8 =	sadd.s32 $0xFFFFE003, lr  }
0x1b: {  	s9 =	sadd.s32 $0xFFFFFEF7, lr;
	s5 =	simm.s32 $0xFFFFFFFF;
	p2 =	slt.u32 s8, $0xFFFFF086  }
0x1c: {  	p1 =	slt.u32 s9, $0xF7A;
	s5 =	simm.s32 @!p2 $0x0  }
0x1d: {  	s5 =	simm.s32 @p1 $0x1;
	p0 =	seq.s32 s7, s2  }
0x1e: {  	s7 =	smul.u32 @!p0 $0xF7A, s2;
	p2 =	seq.s32 @!p0 s5, $0x0  }
0x1f: {  	s9 =	smul.u32 $0xF7A, s1;
	s8 =	simm.s32 @!p0 $0x1BF5;
	p2 =	por !p2, p0  }
0x20: {  	[sflag:s8] =	ssyncset.s32 @!p0 $0xFFFFF086;
	s6 =	sadd.s32 @!p0 s3, s7;
	s7 =	simm.s32 @!p0 $0x108  }
0x21: {  	s3 =	sadd.s32 s3, s9;
	s6 =	sadd.s32 @!p0 $0x88, s6;
	s7 =	simm.s32 @p2 $0x1082  }
0x22: {  	[simem:s7], [sflag:s8] =	dma.local @!p0 [hbm:s6], $0xF7A  }
0x23: {  	s9 =	sor.u32 $0xD0000000, s2;
	s6 =	simm.s32 $0x108;
	_ =	swait.ge @!p0 [sflag:s8], $0x0  }
0x24: {  	s3 =	sadd.s32 $0x88, s3;
	s6 =	simm.s32 @!p1 $0x1082;
	[sflag:s4] =	ssyncset.s32 $0xFFFFF086  }
0x25: {  	[simem:s6], [sflag:s4] =	dma.local [hbm:s3], $0xF7A  }
0x26: {  	[smem:$0x3F9B] =	sst s1;
	(tag) =	ssettag s2;
	_ =	strace s9  }
0x27: {  	s1 =	sld [smem:$0x3FAB]  }
0x28: {  	s2 =	sld [smem:$0x3FAC]  }
0x29: {  	s4 =	sld [smem:$0x3FAE]  }
0x2a: {  	p0 =	seq.s32 s5, $0x0;
	s5 =	sld [smem:$0x3FAF]  }
0x2b: {  	s6 =	sld [smem:$0x3FB0]  }
0x2c: {  	s7 =	sld [smem:$0x3FB1]  }
0x2d: {  	s3 =	simm.s32 $0x108;
	s8 =	sld [smem:$0x3FB2]  }
0x2e: {  	s3 =	simm.s32 @!p0 $0x1082;
	s9 =	sld [smem:$0x3FB3]  }
0x2f: {  	lr =	sadd.s32 s0, s3;
	s0 =	sld [smem:$0x3FAA]  }
0x30: {  	s3 =	sld [smem:$0x3FAD]  }
0x31: {  	[smem:$0x3FB6] =	sst s10  }
0x32: {  	s10 =	sld [smem:$0x3FB4];
	_ =	sdelay $0x3  }
0x33: {  	p0 =	seq.s32 s10, $0x1;
	s10 =	sld [smem:$0x3FB6];
	_ =	sdelay $0x3  }
0x34: {  	[smem:$0x3FB6] =	sst s10  }
0x35: {  	s10 =	sld [smem:$0x3FB5];
	_ =	sdelay $0x3  }
0x36: {  	p1 =	seq.s32 s10, $0x1;
	s10 =	sld [smem:$0x3FB6];
	_ =	sdelay $0x3  }
0x37: {  	[smem:$0x3FB6] =	sst s10  }
0x38: {  	s10 =	sld [smem:$0x3FB7]  }
0x39: {  	_ = 	snop;
	(pc) =	sbr.ind lr, $3  }
0x3a: {  	_ = 	snop  }
0x3b: {  	_ = 	snop  }
0x3c: {  	p2 =	seq.s32 s10, $0x1;
	s10 =	sld [smem:$0x3FB6]  }
0x3d: {  	_ =	shalt  }
0x3e: {  	_ =	shalt  }
0x3f: {  	_ =	shalt  }
0x40: {  	_ =	shalt  }
0x41: {  	_ =	shalt  }
0x42: {  	_ =	shalt  }
0x43: {  	_ =	shalt  }
0x44: {  	_ =	shalt  }
0x45: {  	_ =	shalt  }
0x46: {  	_ =	shalt  }
0x47: {  	_ =	shalt  }
0x48: {  	_ =	shalt  }
0x49: {  	_ =	shalt  }
0x4a: {  	_ =	shalt  }
0x4b: {  	_ =	shalt  }
0x4c: {  	_ =	shalt  }
0x4d: {  	_ =	shalt  }
0x4e: {  	_ =	shalt  }
0x4f: {  	_ =	shalt  }
0x50: {  	_ =	shalt  }
0x51: {  	_ =	shalt  }
0x52: {  	_ =	shalt  }
0x53: {  	_ =	shalt  }
0x54: {  	_ =	shalt  }
0x55: {  	_ =	shalt  }
0x56: {  	_ =	shalt  }
0x57: {  	_ =	shalt  }
0x58: {  	_ =	shalt  }
0x59: {  	_ =	shalt  }
0x5a: {  	_ =	shalt  }
0x5b: {  	_ =	shalt  }
0x5c: {  	_ =	shalt  }
0x5d: {  	_ =	shalt  }
0x5e: {  	_ =	shalt  }
0x5f: {  	_ =	shalt  }
0x60: {  	_ =	shalt  }
0x61: {  	_ =	shalt  }
0x62: {  	_ =	shalt  }
0x63: {  	_ =	shalt  }
0x64: {  	_ =	shalt  }
0x65: {  	_ =	shalt  }
0x66: {  	_ =	shalt  }
0x67: {  	_ =	shalt  }
0x68: {  	_ =	shalt  }
0x69: {  	_ =	shalt  }
0x6a: {  	_ =	shalt  }
0x6b: {  	_ =	shalt  }
0x6c: {  	_ =	shalt  }
0x6d: {  	_ =	shalt  }
0x6e: {  	_ =	shalt  }
0x6f: {  	_ =	shalt  }
0x70: {  	_ =	shalt  }
0x71: {  	_ =	shalt  }
0x72: {  	_ =	shalt  }
0x73: {  	_ =	shalt  }
0x74: {  	_ =	shalt  }
0x75: {  	_ =	shalt  }
0x76: {  	_ =	shalt  }
0x77: {  	_ =	shalt  }
0x78: {  	_ =	shalt  }
0x79: {  	_ =	shalt  }
0x7a: {  	_ =	shalt  }
0x7b: {  	_ =	shalt  }
0x7c: {  	_ =	shalt  }
0x7d: {  	_ =	shalt  }
0x7e: {  	_ =	shalt  }
0x7f: {  	_ =	shalt  }
0x80: {  	_ =	shalt  }
0x81: {  	_ =	shalt  }
0x82: {  	_ =	shalt  }
0x83: {  	_ =	shalt  }
0x84: {  	_ =	shalt  }
0x85: {  	_ =	shalt  }
0x86: {  	_ =	shalt  }
0x87: {  	_ =	shalt  }
.Lfunc_end0:
.L_simem_size_0:
called_computation_lowered:
.L_overlay_start_0:
0x88: {  	s2 =	sld [smem:$0x3FD9]  }
0x89: {  	s3 =	sld [smem:$0x3FFE];
	_ =	sdelay $0x1  }
0x8a: {  	s1 =	srdreg.scid  }
0x8b: {  	s0 =	sand.u32 $0x1, s1  }
0x8c: {  	s17 =	sshll.u32 s0, $0xA;
	s2 =	sadd.s32 s3, s2  }
0x8d: {  	s2 =	sadd.s32 s2, s17  }
0x8e: {  	[smem:$0x3FC2] =	sst s2  }
0x8f: {  	_ = 	snop  }
0x90: {  	s2 =	sld [smem:$0x3FD0];
	(tm) =	ssettm $0x1  }
0x91: {  	s18 =	sld [smem:$0x3FFB];
	_ =	sdelay $0x3  }
0x92: {  	_ =	strace s18  }
0x93: {  	s3 =	sld [smem:$0x3FFC];
	_ =	sdelay $0x3  }
0x94: {  	_ =	strace s3  }
0x95: {  	s3 =	sld [smem:$0x3FFD];
	_ =	sdelay $0x3  }
0x96: {  	_ =	strace s3  }
0x97: {  	_ =	strace $0x8FFFFFFF  }
0x98: {  	s19 =	sld [smem:$0x3FDB];
	_ =	sdelay $0x1  }
0x99: {  	s4 =	simm.s32 $_scs_section_size  }
0x9a: {  	s5 =	simm.s32 $_size__tile_overlayer_lowered;
	s6 =	simm.s32 $_tile_overlayer_lowered  }
0x9b: {  	s22 =	simm.s32 $0x1BFF;
	s21 =	sshll.u32 s6, $0x1;
	s3 =	sadd.s32 s4, s19  }
0x9c: {  	s7 =	simm.s32 $0x0;
	s20 =	sshll.u32 s5, $0x1;
	s5 =	sadd.s32 s21, s3  }
0x9d: {  	[timem:s7], [sflag:s22] =	dma.local [hbm:s5], s20  }
0x9e: {  	_ =	swait.ge [sflag:s22], s20  }
0x9f: {  	s4 =	ssub.s32 $0x0, s20;
	[sflag:s22] =	ssyncset.done $0x0  }
0xa0: {  	[sflag:s22] =	ssyncadd.s32 s4;
	_ =	sdelay $0x1  }
0xa1: {  	s23 =	simm.s32 $0x1B8B  }
0xa2: {  	_ =	swait.ge [sflag:s23], $0x1  }
0xa3: {  	[sflag:s23] =	ssyncset.done $0x0  }
0xa4: {  	s25 =	simm.s32 $0x1B8E;
	s24 =	sld [smem:$0x3FFE];
	[sflag:s23] =	ssyncadd.s32 $0xFFFFFFFF  }
0xa5: {  	s26 =	simm.s32 $execute0_lowered;
	[smem:$0x3FD2] =	sst s25  }
0xa6: {  	s5 =	sshll.u32 s26, $0x1;
	_ =	strace $0x80000046;
	[dreg:$0x1] =	wrdreg $0xFFFFFFFF  }
0xa7: {  	s28 =	simm.s32 $_size_execute0_lowered;
	s3 =	sadd.s32 s3, s5;
	[dreg:$0x0] =	wrdreg $0x0  }
0xa8: {  	s5 =	sshll.u32 s28, $0x1;
	[dreg:$0x2] =	wrdreg s3  }
0xa9: {  	[dreg:$0x3] =	wrdreg s5  }
0xaa: {  	[dreg:$0x4] =	wrdreg $0xC0  }
0xab: {  	_ =	task [dreg:s7], $0x5FFFF  }
0xac: {  	[dreg:$0x1] =	wrdreg $0xFFFFFFFF  }
0xad: {  	[dreg:$0x0] =	wrdreg $0x60  }
0xae: {  	[dreg:$0x2] =	wrdreg s24  }
0xaf: {  	[dreg:$0x3] =	wrdreg s2  }
0xb0: {  	[dreg:$0x4] =	wrdreg $0x5000  }
0xb1: {  	[dreg:$0x5] =	wrdreg $0x9  }
0xb2: {  	_ =	task.clear_ibuf [dreg:s7], $0x6FFFF;
	_ =	strace $0x90000046  }
0xb3: {  	s29 =	simm.s32 $0x9;
	_ =	strace $0x80000048  }
0xb4: {  	_ =	swait.ge [sflag:s29], $0x1  }
0xb5: {  	[sflag:s29] =	ssyncadd.s32 $0xFFFFFFFF  }
0xb6: {  	_ =	strace $0x90000048  }
0xb7: {  	_ =	sfence  }
0xb8: {  	s30 =	sld [smem:$0x0];
	_ =	sdelay $0x2  }
0xb9: {  	s31 =	sshll.u32 s1, $0xD;
	s1 =	sshrl.u32 s1, $0x2  }
0xba: {  	s3 =	sand.u32 $0x4000, s31;
	s1 =	sadd.s32 s1, s30  }
0xbb: {  	s0 =	sor.u32 s3, s0;
	s1 =	sshll.u32 s1, $0x11  }
0xbc: {  	s0 =	sor.u32 s1, s0  }
0xbd: {  	s0 =	sadd.s32 $0x8F2B, s0  }
0xbe: {  	[sflag:s0] =	ssyncadd.remote.s32 $0x1  }
0xbf: {  	_ =	sfence.sel $0xFFFF  }
0xc0: {  	[dreg:$0x0] =	wrdreg $0xFFFFFFFF;
	(pc) =	sbr.abs _section_cstart, $3  }
0xc1: {  	[dreg:$0x1] =	wrdreg $0xFFFFFFFF  }
0xc2: {  	_ =	task.clear_ibuf [dreg:s7], $0x2FFFF;
	_ =	strace $0x9FFFFFFF  }
0xc3: {  	(tm) =	ssettm $0x7FFFFFFF  }
tec
execute0_lowered:
.L_overlay_start_1:
0x0: {  	(tag) =	ssettag $0x1  }
0x1: {  	s4 =	rddreg [dreg:$0x0]  }
0x2: {  	s5 =	rddreg [dreg:$0x1]  }
0x3: {  	s1 =	rddreg [dreg:$0x2];
	s2 =	simm.s32 $0x0;
	s3 =	srdreg.scid  }
0x4: {  	s0 =	stileid.u32;
	s28 =	simm.s32 $0x300;
	s29 =	simm.s32 $0x380  }
0x5: {  	s30 =	simm.s32 $0x2;
	s31 =	simm.s32 $0x3;
	[smem:$0x7FF] =	sst s2  }
0x6: {  	s6 =	sand.u32 $0x1, s3;
	s3 =	sadd.s32 $0x1E00, s4;
	s7 =	smul.u32 $0xA00, s0  }
0x7: {  	s9 =	sadd.s32 $0x15800, s4;
	s4 =	sadd.s32 $0x15A00, s4;
	s16 =	sshll.u32 s0, $0x6  }
0x8: {  	s19 =	smul.u32 $0x2710, s0;
	_ =	strace $0x80000047;
	[dreg:$0xb] =	wrdreg s9  }
0x9: {  	s8 =	sshll.u32 s6, $0x4;
	s14 =	ssub.s32 $0x2, s6;
	[dreg:$0xc] =	wrdreg s4  }
0xa: {  	s10 =	sor.u32 s0, s8;
	s11 =	sshrl.u32 s14, $0x1;
	s7 =	sshrl.u32 s7, $0x2  }
0xb: {  	s5 =	sadd.s32 s5, s8;
	s10 =	smul.u32 $0x2710, s10;
	s15 =	ssub.s32 s14, s11  }
0xc: {  	s9 =	sadd.s32 s7, s1;
	s7 =	sor.u32 $0x1C0A, s16;
	[dreg:$0x17] =	wrdreg s5  }
0xd: {  	s4 =	smax.u32 s15, $0x1;
	[dreg:$0xd] =	wrdreg s7;
	s10 =	sshrl.u32 s10, $0x3  }
0xe: {  	p0 =	sne.s32 s0, $0x0;
	[dreg:$0x18] =	wrdreg s4;
	s18 =	sadd.s32 s3, s10  }
0xf: {  	s17 =	smul.u32 $0x27100, s6;
	s12 =	sadd.s32 $0x10, s18;
	[dreg:$0xe] =	wrdreg s18  }
0x10: {  	s0 =	simm.s32 $0x4;
	s20 =	sadd.s32 $0x20, s18;
	[dreg:$0xf] =	wrdreg s12  }
0x11: {  	s10 =	sadd.s32 s19, s17;
	s21 =	sadd.s32 $0x30, s18;
	[dreg:$0x10] =	wrdreg s20  }
0x12: {  	s22 =	sadd.s32 $0x40, s18;
	s23 =	sadd.s32 $0x50, s18;
	[dreg:$0x11] =	wrdreg s21  }
0x13: {  	s24 =	sadd.s32 $0x60, s18;
	s25 =	sadd.s32 $0x70, s18;
	[dreg:$0x12] =	wrdreg s22  }
0x14: {  	s26 =	sadd.s32 $0x580, s10;
	s6 =	sadd.s32 $0x4E0, s18;
	[dreg:$0x13] =	wrdreg s23  }
0x15: {  	s11 =	sadd.s32 $0x480, s10;
	s13 =	sadd.s32 $0x500, s10;
	[dreg:$0x14] =	wrdreg s24  }
0x16: {  	s14 =	sadd.s32 $0x780, s10;
	s18 =	sadd.s32 $0x680, s10;
	[dreg:$0x15] =	wrdreg s25  }
0x17: {  	[dreg:$0x16] =	wrdreg s6;
	s6 =	sshrl.u32 s26, $0x3;
	s12 =	sshrl.u32 s11, $0x3  }
0x18: {  	s5 =	sshrl.u32 s13, $0x3;
	s16 =	sshrl.u32 s14, $0x3;
	s19 =	sshrl.u32 s18, $0x3  }
0x19: {  	s20 =	sadd.s32 $0x600, s10;
	s21 =	sadd.s32 $0x700, s10;
	s24 =	sadd.s32 $0x400, s10  }
0x1a: {  	s26 =	sshrl.u32 s9, $0x3;
	s9 =	simm.s32 $0x7;
	s10 =	simm.s32 $0x8  }
0x1b: {  	s11 =	simm.s32 $0x9;
	s13 =	simm.s32 $0x0;
	[dreg:$0x19] =	wrdreg s24  }
0x1c: {  	s8 =	sadd.s32 s6, s3;
	s4 =	sadd.s32 s12, s3;
	[dreg:$0x1a] =	wrdreg s26  }
0x1d: {  	s15 =	sadd.s32 s5, s3;
	s17 =	sadd.s32 s16, s3;
	[dreg:$0x4] =	wrdreg s8  }
0x1e: {  	s5 =	sshrl.u32 s20, $0x3;
	s23 =	sshrl.u32 s21, $0x3;
	[dreg:$0x5] =	wrdreg s4  }
0x1f: {  	s20 =	simm.s32 $0xA;
	s21 =	simm.s32 $0x400;
	[dreg:$0x6] =	wrdreg s15  }
0x20: {  	s24 =	simm.s32 $0x180;
	[dreg:$0x7] =	wrdreg s17;
	s4 =	sadd.s32 s19, s3  }
0x21: {  	s26 =	simm.s32 $0x280;
	s22 =	sadd.s32 s5, s3;
	[dreg:$0x8] =	wrdreg s4  }
0x22: {  	s25 =	sadd.s32 s23, s3;
	s23 =	simm.s32 $0x100;
	[dreg:$0x9] =	wrdreg s22  }
0x23: {  	s5 =	simm.s32 $0x1;
	s8 =	simm.s32 $0x6;
	[dreg:$0xa] =	wrdreg s25  }
0x24: {  	s22 =	simm.s32 $0x80;
	s25 =	simm.s32 $0x200;
	s4 =	simm.s32 $0x5  }
.LBB2_1:
0x25: {  	s6 =	rddreg [dreg:$0xc]  }
0x26: {  	s12 =	rddreg [dreg:$0x1a]  }
0x27: {  	[spmem:s12], [sflag:s7] =	dma.local [hbm:s6], $0x50  }
0x28: {  	_ =	swait.ge [sflag:s20], $0x50  }
0x29: {  	[sflag:s20] =	ssyncset.done $0x0  }
0x2a: {  	s17 =	rddreg [dreg:$0xb];
	[sflag:s20] =	ssyncadd.s32 $0xFFFFFFB0  }
0x2b: {  	[tilespmem:s21], [sflag:$0xA] =	stream.linear.gather [hbm4b:s17+s2], $0x80, $0x38;
	[tilespmem:$0x780] =	vst v63  }
0x2c: {  	_ =	swait.ge [sflag:s20], $0x80  }
0x2d: {  	[sflag:s20] =	ssyncset.done $0x0  }
0x2e: {  	s18 =	rddreg [dreg:$0xe];
	[sflag:s20] =	ssyncadd.s32 $0xFFFFFF80  }
0x2f: {  	[tilespmem:s2], [sflag:$0x2] =	stream.linear.gather [hbm4b:s18+s2], $0x80, $0x38;
	[tilespmem:$0x780] =	vst v63  }
0x30: {  	s19 =	rddreg [dreg:$0xf]  }
0x31: {  	[tilespmem:s22], [sflag:$0x3] =	stream.linear.gather [hbm4b:s19+s2], $0x80, $0x38;
	[tilespmem:$0x780] =	vst v63  }
0x32: {  	s7 =	rddreg [dreg:$0x10]  }
0x33: {  	[tilespmem:s23], [sflag:$0x4] =	stream.linear.gather [hbm4b:s7+s2], $0x80, $0x38;
	[tilespmem:$0x780] =	vst v63  }
0x34: {  	s12 =	rddreg [dreg:$0x11]  }
0x35: {  	[tilespmem:s24], [sflag:$0x5] =	stream.linear.gather [hbm4b:s12+s2], $0x80, $0x38;
	[tilespmem:$0x780] =	vst v63  }
0x36: {  	s14 =	rddreg [dreg:$0x12]  }
0x37: {  	[tilespmem:s25], [sflag:$0x6] =	stream.linear.gather [hbm4b:s14+s2], $0x80, $0x38;
	[tilespmem:$0x780] =	vst v63  }
0x38: {  	s15 =	rddreg [dreg:$0x13]  }
0x39: {  	[tilespmem:s26], [sflag:$0x7] =	stream.linear.gather [hbm4b:s15+s2], $0x80, $0x38;
	[tilespmem:$0x780] =	vst v63  }
0x3a: {  	s16 =	rddreg [dreg:$0x14]  }
0x3b: {  	[tilespmem:s28], [sflag:$0x8] =	stream.linear.gather [hbm4b:s16+s2], $0x80, $0x38;
	[tilespmem:$0x780] =	vst v63  }
0x3c: {  	s17 =	rddreg [dreg:$0x15]  }
0x3d: {  	[tilespmem:s29], [sflag:$0x9] =	stream.linear.gather [hbm4b:s17+s2], $0x80, $0x38;
	[tilespmem:$0x780] =	vst v63  }
0x3e: {  	[bflag:$0x0] =	sbarrier.arrive $0xFFFF  }
0x3f: {  	_ =	swait.ge [sflag:s30], $0x80  }
0x40: {  	[sflag:s30] =	ssyncset.done $0x0  }
0x41: {  	[sflag:s30] =	ssyncadd.s32 $0xFFFFFF80  }
0x42: {  	_ =	swait.ge [sflag:s31], $0x80  }
0x43: {  	[sflag:s31] =	ssyncset.done $0x0  }
0x44: {  	[sflag:s31] =	ssyncadd.s32 $0xFFFFFF80  }
0x45: {  	_ =	swait.ge [sflag:s0], $0x80  }
0x46: {  	[sflag:s0] =	ssyncset.done $0x0  }
0x47: {  	[sflag:s0] =	ssyncadd.s32 $0xFFFFFF80  }
0x48: {  	_ =	swait.ge [sflag:s4], $0x80  }
0x49: {  	[sflag:s4] =	ssyncset.done $0x0  }
0x4a: {  	[sflag:s4] =	ssyncadd.s32 $0xFFFFFF80  }
0x4b: {  	[spmem:s1] =	stream.indirect.scatter.add.f32 [tilespmem:s21], [sflag:$0x1], $0x1, s2, s22, $0xb8;
	[tilespmem:$0x780] =	vst v63  }
0x4c: {  	_ = 	snop  }
0x4d: {  	[spmem:s1] =	stream.indirect.scatter.add.f32 [tilespmem:s21], [sflag:$0x1], $0x1, s22, s22, $0xb8;
	[tilespmem:$0x780] =	vst v63  }
0x4e: {  	_ = 	snop  }
0x4f: {  	[spmem:s1] =	stream.indirect.scatter.add.f32 [tilespmem:s21], [sflag:$0x1], $0x1, s23, s22, $0xb8;
	[tilespmem:$0x780] =	vst v63  }
0x50: {  	_ = 	snop  }
0x51: {  	[spmem:s1] =	stream.indirect.scatter.add.f32 [tilespmem:s21], [sflag:$0x1], $0x1, s24, s22, $0xb8;
	[tilespmem:$0x780] =	vst v63  }
0x52: {  	_ =	swait.ge [sflag:s5], $0x80  }
0x53: {  	[sflag:s5] =	ssyncset.done $0x0  }
0x54: {  	[sflag:s5] =	ssyncadd.s32 $0xFFFFFF80  }
0x55: {  	_ =	swait.ge [sflag:s5], $0x80  }
0x56: {  	[sflag:s5] =	ssyncset.done $0x0  }
0x57: {  	[sflag:s5] =	ssyncadd.s32 $0xFFFFFF80  }
0x58: {  	_ =	swait.ge [sflag:s5], $0x80  }
0x59: {  	[sflag:s5] =	ssyncset.done $0x0  }
0x5a: {  	[sflag:s5] =	ssyncadd.s32 $0xFFFFFF80  }
0x5b: {  	_ =	swait.ge [sflag:s5], $0x80  }
0x5c: {  	s6 =	rddreg [dreg:$0x19]  }
0x5d: {  	[sflag:s5] =	ssyncset.done $0x0;
	s18 =	sshrl.u32 s6, $0x3  }
0x5e: {  	s14 =	rddreg [dreg:$0x5];
	[sflag:s5] =	ssyncadd.s32 $0xFFFFFF80;
	s12 =	sadd.s32 s3, s18  }
0x5f: {  	[tilespmem:s2], [sflag:$0x2] =	stream.linear.gather [hbm4b:s12+s2], $0x80, $0x38;
	[tilespmem:$0x780] =	vst v63  }
0x60: {  	s15 =	rddreg [dreg:$0x6];
	s19 =	sadd.s32 $0x0, s14  }
0x61: {  	[tilespmem:s22], [sflag:$0x3] =	stream.linear.gather [hbm4b:s19+s2], $0x80, $0x38;
	[tilespmem:$0x780] =	vst v63  }
0x62: {  	s7 =	rddreg [dreg:$0x4];
	s16 =	sadd.s32 $0x0, s15  }
0x63: {  	[tilespmem:s23], [sflag:$0x4] =	stream.linear.gather [hbm4b:s16+s2], $0x80, $0x38;
	[tilespmem:$0x780] =	vst v63  }
0x64: {  	s17 =	sadd.s32 $0x0, s7  }
0x65: {  	[tilespmem:s24], [sflag:$0x5] =	stream.linear.gather [hbm4b:s17+s2], $0x80, $0x38;
	[tilespmem:$0x780] =	vst v63  }
0x66: {  	_ =	swait.ge [sflag:s8], $0x80  }
0x67: {  	[sflag:s8] =	ssyncset.done $0x0  }
0x68: {  	[sflag:s8] =	ssyncadd.s32 $0xFFFFFF80  }
0x69: {  	_ =	swait.ge [sflag:s9], $0x80  }
0x6a: {  	[sflag:s9] =	ssyncset.done $0x0  }
0x6b: {  	[sflag:s9] =	ssyncadd.s32 $0xFFFFFF80  }
0x6c: {  	_ =	swait.ge [sflag:s10], $0x80  }
0x6d: {  	[sflag:s10] =	ssyncset.done $0x0  }
0x6e: {  	[sflag:s10] =	ssyncadd.s32 $0xFFFFFF80  }
0x6f: {  	_ =	swait.ge [sflag:s11], $0x80  }
0x70: {  	[sflag:s11] =	ssyncset.done $0x0  }
0x71: {  	[sflag:s11] =	ssyncadd.s32 $0xFFFFFF80  }
0x72: {  	[spmem:s1] =	stream.indirect.scatter.add.f32 [tilespmem:s21], [sflag:$0x1], $0x1, s25, s22, $0xb8;
	[tilespmem:$0x780] =	vst v63  }
0x73: {  	_ = 	snop  }
0x74: {  	[spmem:s1] =	stream.indirect.scatter.add.f32 [tilespmem:s21], [sflag:$0x1], $0x1, s26, s22, $0xb8;
	[tilespmem:$0x780] =	vst v63  }
0x75: {  	_ = 	snop  }
0x76: {  	[spmem:s1] =	stream.indirect.scatter.add.f32 [tilespmem:s21], [sflag:$0x1], $0x1, s28, s22, $0xb8;
	[tilespmem:$0x780] =	vst v63  }
0x77: {  	_ = 	snop  }
0x78: {  	[spmem:s1] =	stream.indirect.scatter.add.f32 [tilespmem:s21], [sflag:$0x1], $0x1, s29, s22, $0xb8;
	[tilespmem:$0x780] =	vst v63  }
0x79: {  	_ =	swait.ge [sflag:s5], $0x80  }
0x7a: {  	[sflag:s5] =	ssyncset.done $0x0  }
0x7b: {  	[sflag:s5] =	ssyncadd.s32 $0xFFFFFF80  }
0x7c: {  	_ =	swait.ge [sflag:s5], $0x80  }
0x7d: {  	[sflag:s5] =	ssyncset.done $0x0  }
0x7e: {  	[sflag:s5] =	ssyncadd.s32 $0xFFFFFF80  }
0x7f: {  	_ =	swait.ge [sflag:s5], $0x80  }
0x80: {  	[sflag:s5] =	ssyncset.done $0x0  }
0x81: {  	[sflag:s5] =	ssyncadd.s32 $0xFFFFFF80  }
0x82: {  	_ =	swait.ge [sflag:s5], $0x80  }
0x83: {  	p2 =	por $0x0, $0x0;
	s18 =	rddreg [dreg:$0x9]  }
0x84: {  	s16 =	sadd.s32 $0x400, s6;
	s19 =	rddreg [dreg:$0x8];
	[sflag:s5] =	ssyncset.done $0x0  }
0x85: {  	s15 =	rddreg [dreg:$0xa];
	[sflag:s5] =	ssyncadd.s32 $0xFFFFFF80;
	s12 =	sadd.s32 $0x0, s18  }
0x86: {  	[tilespmem:s25], [sflag:$0x6] =	stream.linear.gather [hbm4b:s12+s2], $0x80, $0x38;
	[tilespmem:$0x780] =	vst v63  }
0x87: {  	s14 =	sadd.s32 $0x0, s19;
	s19 =	simm.s32 @!p2 $0x0;
	s12 =	rddreg [dreg:$0x7]  }
0x88: {  	[tilespmem:s26], [sflag:$0x7] =	stream.linear.gather [hbm4b:s14+s2], $0x80, $0x38;
	[tilespmem:$0x780] =	vst v63  }
0x89: {  	s17 =	sadd.s32 @!p2 $0x0, s12;
	s14 =	sadd.s32 @!p2 $0x0, s15;
	s15 =	simm.s32 @!p2 $0x300  }
0x8a: {  	[tilespmem:s15], [sflag:$0x8] =	stream.linear.gather @!p2 [hbm4b:s14+s19], $0x80, $0x38;
	[tilespmem:$0x780] =	vst v63  }
0x8b: {  	s12 =	simm.s32 @!p2 $0x380;
	s14 =	simm.s32 $0x80;
	s15 =	simm.s32 $0x16  }
.LBB2_2:
0x8c: {  	[tilespmem:s12], [sflag:$0x9] =	stream.linear.gather @!p2 [hbm4b:s17+s19], $0x80, $0x38;
	[tilespmem:$0x780] =	vst v63  }
0x8d: {  	_ =	swait.ge [sflag:s30], $0x80  }
0x8e: {  	[sflag:s30] =	ssyncset.done $0x0  }
0x8f: {  	[sflag:s30] =	ssyncadd.s32 $0xFFFFFF80  }
0x90: {  	_ =	swait.ge [sflag:s31], $0x80  }
0x91: {  	[sflag:s31] =	ssyncset.done $0x0  }
0x92: {  	[sflag:s31] =	ssyncadd.s32 $0xFFFFFF80  }
0x93: {  	_ =	swait.ge [sflag:s0], $0x80  }
0x94: {  	[sflag:s0] =	ssyncset.done $0x0  }
0x95: {  	[sflag:s0] =	ssyncadd.s32 $0xFFFFFF80  }
0x96: {  	_ =	swait.ge [sflag:s4], $0x80  }
0x97: {  	[sflag:s4] =	ssyncset.done $0x0  }
0x98: {  	[sflag:s4] =	ssyncadd.s32 $0xFFFFFF80  }
0x99: {  	[spmem:s1] =	stream.indirect.scatter.add.f32 [tilespmem:s21], [sflag:$0x1], $0x1, s2, s22, $0xb8;
	[tilespmem:$0x780] =	vst v63  }
0x9a: {  	_ = 	snop  }
0x9b: {  	[spmem:s1] =	stream.indirect.scatter.add.f32 [tilespmem:s21], [sflag:$0x1], $0x1, s22, s22, $0xb8;
	[tilespmem:$0x780] =	vst v63  }
0x9c: {  	_ = 	snop  }
0x9d: {  	[spmem:s1] =	stream.indirect.scatter.add.f32 [tilespmem:s21], [sflag:$0x1], $0x1, s23, s22, $0xb8;
	[tilespmem:$0x780] =	vst v63  }
0x9e: {  	_ = 	snop  }
0x9f: {  	[spmem:s1] =	stream.indirect.scatter.add.f32 [tilespmem:s21], [sflag:$0x1], $0x1, s24, s22, $0xb8;
	[tilespmem:$0x780] =	vst v63  }
0xa0: {  	_ =	swait.ge [sflag:s5], $0x80  }
0xa1: {  	[sflag:s5] =	ssyncset.done $0x0  }
0xa2: {  	[sflag:s5] =	ssyncadd.s32 $0xFFFFFF80  }
0xa3: {  	_ =	swait.ge [sflag:s5], $0x80  }
0xa4: {  	[sflag:s5] =	ssyncset.done $0x0  }
0xa5: {  	[sflag:s5] =	ssyncadd.s32 $0xFFFFFF80  }
0xa6: {  	_ =	swait.ge [sflag:s5], $0x80  }
0xa7: {  	[sflag:s5] =	ssyncset.done $0x0  }
0xa8: {  	[sflag:s5] =	ssyncadd.s32 $0xFFFFFF80  }
0xa9: {  	_ =	swait.ge [sflag:s5], $0x80  }
0xaa: {  	s17 =	smov.u32 s14;
	s6 =	sshrl.u32 s16, $0x3;
	[sflag:s5] =	ssyncset.done $0x0  }
0xab: {  	s12 =	sadd.s32 s3, s6;
	s7 =	rddreg [dreg:$0x5];
	[sflag:s5] =	ssyncadd.s32 $0xFFFFFF80  }
0xac: {  	[tilespmem:s2], [sflag:$0x2] =	stream.linear.gather [hbm4b:s12+s2], $0x80, $0x38;
	[tilespmem:$0x780] =	vst v63  }
0xad: {  	s6 =	rddreg [dreg:$0x6];
	s7 =	sadd.s32 s17, s7  }
0xae: {  	[tilespmem:s22], [sflag:$0x3] =	stream.linear.gather [hbm4b:s7+s2], $0x80, $0x38;
	[tilespmem:$0x780] =	vst v63  }
0xaf: {  	s18 =	rddreg [dreg:$0x4];
	s6 =	sadd.s32 s17, s6  }
0xb0: {  	[tilespmem:s23], [sflag:$0x4] =	stream.linear.gather [hbm4b:s6+s2], $0x80, $0x38;
	[tilespmem:$0x780] =	vst v63  }
0xb1: {  	s12 =	sadd.s32 s17, s18  }
0xb2: {  	[tilespmem:s24], [sflag:$0x5] =	stream.linear.gather [hbm4b:s12+s2], $0x80, $0x38;
	[tilespmem:$0x780] =	vst v63  }
0xb3: {  	_ =	swait.ge [sflag:s8], $0x80  }
0xb4: {  	[sflag:s8] =	ssyncset.done $0x0  }
0xb5: {  	[sflag:s8] =	ssyncadd.s32 $0xFFFFFF80  }
0xb6: {  	_ =	swait.ge [sflag:s9], $0x80  }
0xb7: {  	[sflag:s9] =	ssyncset.done $0x0  }
0xb8: {  	[sflag:s9] =	ssyncadd.s32 $0xFFFFFF80  }
0xb9: {  	_ =	swait.ge [sflag:s10], $0x80  }
0xba: {  	[sflag:s10] =	ssyncset.done $0x0  }
0xbb: {  	[sflag:s10] =	ssyncadd.s32 $0xFFFFFF80  }
0xbc: {  	_ =	swait.ge [sflag:s11], $0x80  }
0xbd: {  	[sflag:s11] =	ssyncset.done $0x0  }
0xbe: {  	[sflag:s11] =	ssyncadd.s32 $0xFFFFFF80  }
0xbf: {  	[spmem:s1] =	stream.indirect.scatter.add.f32 [tilespmem:s21], [sflag:$0x1], $0x1, s25, s22, $0xb8;
	[tilespmem:$0x780] =	vst v63  }
0xc0: {  	_ = 	snop  }
0xc1: {  	[spmem:s1] =	stream.indirect.scatter.add.f32 [tilespmem:s21], [sflag:$0x1], $0x1, s26, s22, $0xb8;
	[tilespmem:$0x780] =	vst v63  }
0xc2: {  	_ = 	snop  }
0xc3: {  	[spmem:s1] =	stream.indirect.scatter.add.f32 [tilespmem:s21], [sflag:$0x1], $0x1, s28, s22, $0xb8;
	[tilespmem:$0x780] =	vst v63  }
0xc4: {  	_ = 	snop  }
0xc5: {  	[spmem:s1] =	stream.indirect.scatter.add.f32 [tilespmem:s21], [sflag:$0x1], $0x1, s29, s22, $0xb8;
	[tilespmem:$0x780] =	vst v63  }
0xc6: {  	_ =	swait.ge [sflag:s5], $0x80  }
0xc7: {  	[sflag:s5] =	ssyncset.done $0x0  }
0xc8: {  	[sflag:s5] =	ssyncadd.s32 $0xFFFFFF80  }
0xc9: {  	_ =	swait.ge [sflag:s5], $0x80  }
0xca: {  	[sflag:s5] =	ssyncset.done $0x0  }
0xcb: {  	[sflag:s5] =	ssyncadd.s32 $0xFFFFFF80  }
0xcc: {  	_ =	swait.ge [sflag:s5], $0x80  }
0xcd: {  	s14 =	sadd.s32 $0x80, s14;
	[sflag:s5] =	ssyncset.done $0x0  }
0xce: {  	s19 =	smov.u32 s15;
	s15 =	sadd.s32 $0x8, s15;
	[sflag:s5] =	ssyncadd.s32 $0xFFFFFF80  }
0xcf: {  	s16 =	sadd.s32 $0x400, s16;
	p1 =	sne.s32 s14, $0x480;
	_ =	swait.ge [sflag:s5], $0x80  }
0xd0: {  	p2 =	sgt.u32 s19, $0x4D;
	s18 =	rddreg [dreg:$0x9];
	[sflag:s5] =	ssyncset.done $0x0  }
0xd1: {  	s7 =	rddreg [dreg:$0x8];
	[sflag:s5] =	ssyncadd.s32 $0xFFFFFF80;
	s6 =	sadd.s32 s17, s18  }
0xd2: {  	[tilespmem:s25], [sflag:$0x6] =	stream.linear.gather [hbm4b:s6+s2], $0x80, $0x38;
	[tilespmem:$0x780] =	vst v63  }
.Ltmp0:
0xd3: {  	s19 =	simm.s32 @!p2 $0x0;
	s12 =	rddreg [dreg:$0xa];
	(pc) =	sbr.rel @p1 .LBB2_2-.Ltmp0, $4  }
0xd4: {  	s18 =	rddreg [dreg:$0x7];
	s7 =	sadd.s32 s17, s7;
	s6 =	sadd.s32 @!p2 s17, s12  }
0xd5: {  	[tilespmem:s26], [sflag:$0x7] =	stream.linear.gather [hbm4b:s7+s2], $0x80, $0x38;
	[tilespmem:$0x780] =	vst v63  }
0xd6: {  	s17 =	sadd.s32 @!p2 s17, s18;
	s12 =	simm.s32 @!p2 $0x380;
	s7 =	simm.s32 @!p2 $0x300  }
0xd7: {  	[tilespmem:s7], [sflag:$0x8] =	stream.linear.gather @!p2 [hbm4b:s6+s19], $0x80, $0x38;
	[tilespmem:$0x780] =	vst v63  }
0xd8: {  	[tilespmem:s12], [sflag:$0x9] =	stream.linear.gather @!p2 [hbm4b:s17+s19], $0x80, $0x38;
	[tilespmem:$0x780] =	vst v63  }
0xd9: {  	_ =	swait.ge [sflag:s30], $0x80  }
0xda: {  	[sflag:s30] =	ssyncset.done $0x0  }
0xdb: {  	[sflag:s30] =	ssyncadd.s32 $0xFFFFFF80  }
0xdc: {  	[spmem:s1] =	stream.indirect.scatter.add.f32 [tilespmem:s21], [sflag:$0x1], $0x1, s2, s22, $0xb8;
	[tilespmem:$0x780] =	vst v63  }
0xdd: {  	_ =	swait.ge [sflag:s31], $0x80  }
0xde: {  	[sflag:s31] =	ssyncset.done $0x0  }
0xdf: {  	[sflag:s31] =	ssyncadd.s32 $0xFFFFFF80  }
0xe0: {  	[spmem:s1] =	stream.indirect.scatter.add.f32 [tilespmem:s21], [sflag:$0x1], $0x1, s22, s22, $0xb8;
	[tilespmem:$0x780] =	vst v63  }
0xe1: {  	_ =	swait.ge [sflag:s0], $0x80  }
0xe2: {  	[sflag:s0] =	ssyncset.done $0x0  }
0xe3: {  	[sflag:s0] =	ssyncadd.s32 $0xFFFFFF80  }
0xe4: {  	[spmem:s1] =	stream.indirect.scatter.add.f32 [tilespmem:s21], [sflag:$0x1], $0x1, s23, s22, $0xb8;
	[tilespmem:$0x780] =	vst v63  }
0xe5: {  	_ =	swait.ge [sflag:s4], $0x80  }
0xe6: {  	[sflag:s4] =	ssyncset.done $0x0  }
0xe7: {  	[sflag:s4] =	ssyncadd.s32 $0xFFFFFF80  }
0xe8: {  	[spmem:s1] =	stream.indirect.scatter.add.f32 [tilespmem:s21], [sflag:$0x1], $0x1, s24, s22, $0xb8;
	[tilespmem:$0x780] =	vst v63  }
0xe9: {  	_ =	swait.ge [sflag:s8], $0x80  }
0xea: {  	[sflag:s8] =	ssyncset.done $0x0  }
0xeb: {  	[sflag:s8] =	ssyncadd.s32 $0xFFFFFF80  }
0xec: {  	[spmem:s1] =	stream.indirect.scatter.add.f32 [tilespmem:s21], [sflag:$0x1], $0x1, s25, s22, $0xb8;
	[tilespmem:$0x780] =	vst v63  }
0xed: {  	_ =	swait.ge [sflag:s9], $0x80  }
0xee: {  	[sflag:s9] =	ssyncset.done $0x0  }
0xef: {  	[sflag:s9] =	ssyncadd.s32 $0xFFFFFF80  }
0xf0: {  	[spmem:s1] =	stream.indirect.scatter.add.f32 [tilespmem:s21], [sflag:$0x1], $0x1, s26, s22, $0xb8;
	[tilespmem:$0x780] =	vst v63  }
0xf1: {  	_ =	swait.ge [sflag:s5], $0x80  }
0xf2: {  	[sflag:s5] =	ssyncset.done $0x0  }
0xf3: {  	[sflag:s5] =	ssyncadd.s32 $0xFFFFFF80  }
0xf4: {  	_ =	swait.ge [sflag:s5], $0x80  }
0xf5: {  	[sflag:s5] =	ssyncset.done $0x0  }
0xf6: {  	[sflag:s5] =	ssyncadd.s32 $0xFFFFFF80  }
0xf7: {  	_ =	swait.ge [sflag:s5], $0x80  }
0xf8: {  	[sflag:s5] =	ssyncset.done $0x0  }
0xf9: {  	[sflag:s5] =	ssyncadd.s32 $0xFFFFFF80  }
0xfa: {  	_ =	swait.ge [sflag:s5], $0x80  }
0xfb: {  	[sflag:s5] =	ssyncset.done $0x0  }
0xfc: {  	[sflag:s5] =	ssyncadd.s32 $0xFFFFFF80  }
0xfd: {  	_ =	swait.ge [sflag:s5], $0x80  }
0xfe: {  	[sflag:s5] =	ssyncset.done $0x0  }
0xff: {  	[sflag:s5] =	ssyncadd.s32 $0xFFFFFF80  }
0x100: {  	_ =	swait.ge [sflag:s5], $0x80  }
0x101: {  	[sflag:s5] =	ssyncset.done $0x0  }
0x102: {  	s7 =	simm.s32 $0x480;
	s6 =	rddreg [dreg:$0x16];
	[sflag:s5] =	ssyncadd.s32 $0xFFFFFF80  }
0x103: {  	[tilespmem:s7], [sflag:$0xA] =	stream.linear.gather [hbm4b:s6+s2], $0x10, $0x38;
	[tilespmem:$0x780] =	vst v63  }
0x104: {  	_ =	swait.ge [sflag:s20], $0x10  }
0x105: {  	[sflag:s20] =	ssyncset.done $0x0  }
0x106: {  	s18 =	simm.s32 $0x10;
	[sflag:s20] =	ssyncadd.s32 $0xFFFFFFF0  }
0x107: {  	[spmem:s1] =	stream.indirect.scatter.add.f32 [tilespmem:s21], [sflag:$0xA], $0x1, s7, s18, $0xb8;
	[tilespmem:$0x780] =	vst v63  }
0x108: {  	_ =	swait.ge [sflag:s20], $0x10  }
0x109: {  	[sflag:s20] =	ssyncset.done $0x0  }
0x10a: {  	[sflag:s20] =	ssyncadd.s32 $0xFFFFFFF0  }
0x10b: {  	[bflag:$0x0] =	sbarrier.arrive $0xFFFF  }
0x10c: {  	s12 =	simm.s32 @!p0 $0x20;
	s14 =	simm.s32 @!p0 $0x10;
	s15 =	rddreg [dreg:$0xd]  }
0x10d: {  	s6 =	sshrl.u32 @!p0 s1, $0x3;
	s7 =	simm.s32 @!p0 $0x1;
	s16 =	rddreg [dreg:$0x17]  }
0x10e: {  	[hbm:s16@s12], [sflag:s15] =	dma.strided @!p0 [spmem:s6@s14], $0x500, s7, $0x10   }
0x10f: {  	s6 =	simm.s32 @!p0 $0xA  }
0x110: {  	_ =	swait.ge @!p0 [sflag:s6], $0x500  }
0x111: {  	s13 =	sadd.s32 $0x1, s13;
	s19 =	rddreg [dreg:$0x18]  }
0x112: {  	p1 =	sne.s32 s13, s19  }
.Ltmp1:
0x113: {  	_ = 	snop;
	(pc) =	sbr.rel @p1 .LBB2_1-.Ltmp1, $3  }
0x114: {  	_ =	sdelay $0x1  }
0x115: {  	[sflag:s6] =	ssyncset.done @!p0 $0x0  }
0x116: {  	s7 =	smov.u32 s15;
	[sflag:s6] =	ssyncadd.s32 @!p0 $0xFFFFFB00  }
0x117: {  	_ =	sfence.sel $0x180000  }
0x118: {  	[bflag:$0x0] =	sbarrier.arrive $0xFFFF  }
0x119: {  	_ =	strace $0x90000047  }
0x11a: {  	[bflag:$0x2] =	sbarrier.arrive $0xFFFF  }
0x11b: {  	s0 =	rddreg [dreg:$0x3]  }
0x11c: {  	s0 =	sadd.s32 @!p0 $0x100000, s0  }
0x11d: {  	[sflag:s0] =	ssyncadd.tile.s32 @!p0 $0x1;
	_ =	shalt  }
.Lfunc_end2:
_tile_overlayer_lowered:
.L_overlay_start_2:
0x11e: {  	(tag) =	ssettag $0x2  }
0x11f: {  	s0 =	rddreg [dreg:$0x0];
	s2 =	stileid.u32  }
0x120: {  	s1 =	rddreg [dreg:$0x1];
	p0 =	sne.s32 s2, $0x0  }
0x121: {  	s3 =	rddreg [dreg:$0x2];
	[bflag:$0x3] =	sbarrier.arrive $0xFFFF;
	s2 =	simm.s32 @!p0 $0x1C0A  }
0x122: {  	[timem:s3], [sflag:s2] =	dma.local @!p0 [hbm:s0], s1  }
0x123: {  	s0 =	simm.s32 @!p0 $0xA  }
0x124: {  	_ =	swait.ge @!p0 [sflag:s0], s1  }
0x125: {  	s1 =	ssub.s32 @!p0 $0x0, s1;
	[sflag:s0] =	ssyncset.done @!p0 $0x0  }
0x126: {  	[sflag:s0] =	ssyncadd.s32 @!p0 s1  }
0x127: {  	[bflag:$0x3] =	sbarrier.arrive $0xFFFF  }
0x128: {  	_ =	shalt  }

// kernel: kernel.9.cloned.1.call-start
scs
__scs_entry_jumppad:
0x0: {  	(pc) =	sbr.rel $0x88, $3  }
0x1: {  	(tag) =	ssettag $0x0;
	lr =	simm.s32 $0x1  }
0x2: {  	[smem:$0x3F9B] =	sst lr;
	_ =	strace $0xD0000000  }
0x3: {  	_ = 	snop  }
0x4: {  	_ = 	snop  }
0x5: {  	_ = 	snop  }
0x6: {  	_ = 	snop  }
0x7: {  	_ = 	snop  }
__scs_overlays_trampoline_lowered:
0x8: {  	[smem:$0x3FAA] =	sst s0  }
0x9: {  	[smem:$0x3FAB] =	sst s1  }
0xa: {  	[smem:$0x3FAC] =	sst s2  }
0xb: {  	[smem:$0x3FAD] =	sst s3  }
0xc: {  	[smem:$0x3FAE] =	sst s4  }
0xd: {  	[smem:$0x3FAF] =	sst s5  }
0xe: {  	[smem:$0x3FB0] =	sst s6  }
0xf: {  	[smem:$0x3FB1] =	sst s7  }
0x10: {  	[smem:$0x3FB2] =	sst s8  }
0x11: {  	[smem:$0x3FB3] =	sst s9;
	s0 =	simm.s32 @!p0 $0x0  }
0x12: {  	s1 =	sld [smem:$0x3F99];
	s0 =	simm.s32 @p0 $0x1  }
0x13: {  	[smem:$0x3FB4] =	sst s0;
	s0 =	simm.s32 @!p1 $0x0  }
0x14: {  	s2 =	sld [smem:$0x3F98];
	s0 =	simm.s32 @p1 $0x1  }
0x15: {  	[smem:$0x3FB5] =	sst s0;
	s0 =	simm.s32 @!p2 $0x0  }
0x16: {  	s3 =	sld [smem:$0x3FDB];
	s0 =	simm.s32 @p2 $0x1  }
0x17: {  	s4 =	simm.s32 $0x1BF5;
	[smem:$0x3FB7] =	sst s0  }
0x18: {  	s0 =	sld [smem:$0x3F9A];
	_ =	swait.ge [sflag:s4], $0x0  }
0x19: {  	s7 =	sld [smem:$0x3F9B]  }
0x1a: {  	s8 =	sadd.s32 $0xFFFFE003, lr  }
0x1b: {  	s9 =	sadd.s32 $0xFFFFFEF7, lr;
	s5 =	simm.s32 $0xFFFFFFFF;
	p2 =	slt.u32 s8, $0xFFFFF086  }
0x1c: {  	p1 =	slt.u32 s9, $0xF7A;
	s5 =	simm.s32 @!p2 $0x0  }
0x1d: {  	s5 =	simm.s32 @p1 $0x1;
	p0 =	seq.s32 s7, s2  }
0x1e: {  	s7 =	smul.u32 @!p0 $0xF7A, s2;
	p2 =	seq.s32 @!p0 s5, $0x0  }
0x1f: {  	s9 =	smul.u32 $0xF7A, s1;
	s8 =	simm.s32 @!p0 $0x1BF5;
	p2 =	por !p2, p0  }
0x20: {  	[sflag:s8] =	ssyncset.s32 @!p0 $0xFFFFF086;
	s6 =	sadd.s32 @!p0 s3, s7;
	s7 =	simm.s32 @!p0 $0x108  }
0x21: {  	s3 =	sadd.s32 s3, s9;
	s6 =	sadd.s32 @!p0 $0x88, s6;
	s7 =	simm.s32 @p2 $0x1082  }
0x22: {  	[simem:s7], [sflag:s8] =	dma.local @!p0 [hbm:s6], $0xF7A  }
0x23: {  	s9 =	sor.u32 $0xD0000000, s2;
	s6 =	simm.s32 $0x108;
	_ =	swait.ge @!p0 [sflag:s8], $0x0  }
0x24: {  	s3 =	sadd.s32 $0x88, s3;
	s6 =	simm.s32 @!p1 $0x1082;
	[sflag:s4] =	ssyncset.s32 $0xFFFFF086  }
0x25: {  	[simem:s6], [sflag:s4] =	dma.local [hbm:s3], $0xF7A  }
0x26: {  	[smem:$0x3F9B] =	sst s1;
	(tag) =	ssettag s2;
	_ =	strace s9  }
0x27: {  	s1 =	sld [smem:$0x3FAB]  }
0x28: {  	s2 =	sld [smem:$0x3FAC]  }
0x29: {  	s4 =	sld [smem:$0x3FAE]  }
0x2a: {  	p0 =	seq.s32 s5, $0x0;
	s5 =	sld [smem:$0x3FAF]  }
0x2b: {  	s6 =	sld [smem:$0x3FB0]  }
0x2c: {  	s7 =	sld [smem:$0x3FB1]  }
0x2d: {  	s3 =	simm.s32 $0x108;
	s8 =	sld [smem:$0x3FB2]  }
0x2e: {  	s3 =	simm.s32 @!p0 $0x1082;
	s9 =	sld [smem:$0x3FB3]  }
0x2f: {  	lr =	sadd.s32 s0, s3;
	s0 =	sld [smem:$0x3FAA]  }
0x30: {  	s3 =	sld [smem:$0x3FAD]  }
0x31: {  	[smem:$0x3FB6] =	sst s10  }
0x32: {  	s10 =	sld [smem:$0x3FB4];
	_ =	sdelay $0x3  }
0x33: {  	p0 =	seq.s32 s10, $0x1;
	s10 =	sld [smem:$0x3FB6];
	_ =	sdelay $0x3  }
0x34: {  	[smem:$0x3FB6] =	sst s10  }
0x35: {  	s10 =	sld [smem:$0x3FB5];
	_ =	sdelay $0x3  }
0x36: {  	p1 =	seq.s32 s10, $0x1;
	s10 =	sld [smem:$0x3FB6];
	_ =	sdelay $0x3  }
0x37: {  	[smem:$0x3FB6] =	sst s10  }
0x38: {  	s10 =	sld [smem:$0x3FB7]  }
0x39: {  	_ = 	snop;
	(pc) =	sbr.ind lr, $3  }
0x3a: {  	_ = 	snop  }
0x3b: {  	_ = 	snop  }
0x3c: {  	p2 =	seq.s32 s10, $0x1;
	s10 =	sld [smem:$0x3FB6]  }
0x3d: {  	_ =	shalt  }
0x3e: {  	_ =	shalt  }
0x3f: {  	_ =	shalt  }
0x40: {  	_ =	shalt  }
0x41: {  	_ =	shalt  }
0x42: {  	_ =	shalt  }
0x43: {  	_ =	shalt  }
0x44: {  	_ =	shalt  }
0x45: {  	_ =	shalt  }
0x46: {  	_ =	shalt  }
0x47: {  	_ =	shalt  }
0x48: {  	_ =	shalt  }
0x49: {  	_ =	shalt  }
0x4a: {  	_ =	shalt  }
0x4b: {  	_ =	shalt  }
0x4c: {  	_ =	shalt  }
0x4d: {  	_ =	shalt  }
0x4e: {  	_ =	shalt  }
0x4f: {  	_ =	shalt  }
0x50: {  	_ =	shalt  }
0x51: {  	_ =	shalt  }
0x52: {  	_ =	shalt  }
0x53: {  	_ =	shalt  }
0x54: {  	_ =	shalt  }
0x55: {  	_ =	shalt  }
0x56: {  	_ =	shalt  }
0x57: {  	_ =	shalt  }
0x58: {  	_ =	shalt  }
0x59: {  	_ =	shalt  }
0x5a: {  	_ =	shalt  }
0x5b: {  	_ =	shalt  }
0x5c: {  	_ =	shalt  }
0x5d: {  	_ =	shalt  }
0x5e: {  	_ =	shalt  }
0x5f: {  	_ =	shalt  }
0x60: {  	_ =	shalt  }
0x61: {  	_ =	shalt  }
0x62: {  	_ =	shalt  }
0x63: {  	_ =	shalt  }
0x64: {  	_ =	shalt  }
0x65: {  	_ =	shalt  }
0x66: {  	_ =	shalt  }
0x67: {  	_ =	shalt  }
0x68: {  	_ =	shalt  }
0x69: {  	_ =	shalt  }
0x6a: {  	_ =	shalt  }
0x6b: {  	_ =	shalt  }
0x6c: {  	_ =	shalt  }
0x6d: {  	_ =	shalt  }
0x6e: {  	_ =	shalt  }
0x6f: {  	_ =	shalt  }
0x70: {  	_ =	shalt  }
0x71: {  	_ =	shalt  }
0x72: {  	_ =	shalt  }
0x73: {  	_ =	shalt  }
0x74: {  	_ =	shalt  }
0x75: {  	_ =	shalt  }
0x76: {  	_ =	shalt  }
0x77: {  	_ =	shalt  }
0x78: {  	_ =	shalt  }
0x79: {  	_ =	shalt  }
0x7a: {  	_ =	shalt  }
0x7b: {  	_ =	shalt  }
0x7c: {  	_ =	shalt  }
0x7d: {  	_ =	shalt  }
0x7e: {  	_ =	shalt  }
0x7f: {  	_ =	shalt  }
0x80: {  	_ =	shalt  }
0x81: {  	_ =	shalt  }
0x82: {  	_ =	shalt  }
0x83: {  	_ =	shalt  }
0x84: {  	_ =	shalt  }
0x85: {  	_ =	shalt  }
0x86: {  	_ =	shalt  }
0x87: {  	_ =	shalt  }
.Lfunc_end0:
.L_simem_size_0:
called_computation.1_lowered:
.L_overlay_start_0:
0x88: {  	s2 =	sld [smem:$0x3FD9]  }
0x89: {  	s3 =	sld [smem:$0x3FFE];
	_ =	sdelay $0x1  }
0x8a: {  	s1 =	srdreg.scid  }
0x8b: {  	s0 =	sand.u32 $0x1, s1  }
0x8c: {  	s17 =	sshll.u32 s0, $0xA;
	s2 =	sadd.s32 s3, s2  }
0x8d: {  	s2 =	sadd.s32 s2, s17  }
0x8e: {  	[smem:$0x3FC2] =	sst s2  }
0x8f: {  	_ = 	snop  }
0x90: {  	s2 =	sld [smem:$0x3FD0];
	(tm) =	ssettm $0x1  }
0x91: {  	s18 =	sld [smem:$0x3FFB];
	_ =	sdelay $0x3  }
0x92: {  	_ =	strace s18  }
0x93: {  	s3 =	sld [smem:$0x3FFC];
	_ =	sdelay $0x3  }
0x94: {  	_ =	strace s3  }
0x95: {  	s3 =	sld [smem:$0x3FFD];
	_ =	sdelay $0x3  }
0x96: {  	_ =	strace s3  }
0x97: {  	_ =	strace $0x8FFFFFFF  }
0x98: {  	s19 =	sld [smem:$0x3FDB];
	_ =	sdelay $0x1  }
0x99: {  	s4 =	simm.s32 $_scs_section_size  }
0x9a: {  	s5 =	simm.s32 $_size__tile_overlayer_lowered;
	s6 =	simm.s32 $_tile_overlayer_lowered  }
0x9b: {  	s22 =	simm.s32 $0x1BFF;
	s21 =	sshll.u32 s6, $0x1;
	s3 =	sadd.s32 s4, s19  }
0x9c: {  	s7 =	simm.s32 $0x0;
	s20 =	sshll.u32 s5, $0x1;
	s5 =	sadd.s32 s21, s3  }
0x9d: {  	[timem:s7], [sflag:s22] =	dma.local [hbm:s5], s20  }
0x9e: {  	_ =	swait.ge [sflag:s22], s20  }
0x9f: {  	s4 =	ssub.s32 $0x0, s20;
	[sflag:s22] =	ssyncset.done $0x0  }
0xa0: {  	[sflag:s22] =	ssyncadd.s32 s4;
	_ =	sdelay $0x1  }
0xa1: {  	s23 =	simm.s32 $0x1B8B  }
0xa2: {  	_ =	swait.ge [sflag:s23], $0x1  }
0xa3: {  	[sflag:s23] =	ssyncset.done $0x0  }
0xa4: {  	s25 =	simm.s32 $0x1B8E;
	s24 =	sld [smem:$0x3FFE];
	[sflag:s23] =	ssyncadd.s32 $0xFFFFFFFF  }
0xa5: {  	s26 =	simm.s32 $execute0_lowered;
	[smem:$0x3FD2] =	sst s25  }
0xa6: {  	s5 =	sshll.u32 s26, $0x1;
	_ =	strace $0x80000049;
	[dreg:$0x1] =	wrdreg $0xFFFFFFFF  }
0xa7: {  	s28 =	simm.s32 $_size_execute0_lowered;
	s3 =	sadd.s32 s3, s5;
	[dreg:$0x0] =	wrdreg $0x0  }
0xa8: {  	s5 =	sshll.u32 s28, $0x1;
	[dreg:$0x2] =	wrdreg s3  }
0xa9: {  	[dreg:$0x3] =	wrdreg s5  }
0xaa: {  	[dreg:$0x4] =	wrdreg $0xC0  }
0xab: {  	_ =	task [dreg:s7], $0x5FFFF  }
0xac: {  	[dreg:$0x1] =	wrdreg $0xFFFFFFFF  }
0xad: {  	[dreg:$0x0] =	wrdreg $0x60  }
0xae: {  	[dreg:$0x2] =	wrdreg s2  }
0xaf: {  	[dreg:$0x3] =	wrdreg s24  }
0xb0: {  	[dreg:$0x4] =	wrdreg $0x85000  }
0xb1: {  	[dreg:$0x5] =	wrdreg $0x9  }
0xb2: {  	_ =	task.clear_ibuf [dreg:s7], $0x6FFFF;
	_ =	strace $0x90000049  }
0xb3: {  	s29 =	simm.s32 $0x9;
	_ =	strace $0x8000004B  }
0xb4: {  	_ =	swait.ge [sflag:s29], $0x1  }
0xb5: {  	[sflag:s29] =	ssyncadd.s32 $0xFFFFFFFF  }
0xb6: {  	_ =	strace $0x9000004B  }
0xb7: {  	_ =	sfence  }
0xb8: {  	s30 =	sld [smem:$0x0];
	_ =	sdelay $0x2  }
0xb9: {  	s31 =	sshll.u32 s1, $0xD;
	s1 =	sshrl.u32 s1, $0x2  }
0xba: {  	s3 =	sand.u32 $0x4000, s31;
	s1 =	sadd.s32 s1, s30  }
0xbb: {  	s0 =	sor.u32 s3, s0;
	s1 =	sshll.u32 s1, $0x11  }
0xbc: {  	s0 =	sor.u32 s1, s0  }
0xbd: {  	s0 =	sadd.s32 $0x8F2B, s0  }
0xbe: {  	[sflag:s0] =	ssyncadd.remote.s32 $0x1  }
0xbf: {  	_ =	sfence.sel $0xFFFF  }
0xc0: {  	[dreg:$0x0] =	wrdreg $0xFFFFFFFF;
	(pc) =	sbr.abs _section_cstart, $3  }
0xc1: {  	[dreg:$0x1] =	wrdreg $0xFFFFFFFF  }
0xc2: {  	_ =	task.clear_ibuf [dreg:s7], $0x2FFFF;
	_ =	strace $0x9FFFFFFF  }
0xc3: {  	(tm) =	ssettm $0x7FFFFFFF  }
tec
execute0_lowered:
.L_overlay_start_1:
0x0: {  	(tag) =	ssettag $0x1  }
0x1: {  	s1 =	rddreg [dreg:$0x0]  }
0x2: {  	s0 =	rddreg [dreg:$0x1]  }
0x3: {  	s2 =	rddreg [dreg:$0x2]  }
0x4: {  	s3 =	srdreg.scid;
	s4 =	simm.s32 $0x0;
	s11 =	stileid.u32  }
0x5: {  	s29 =	simm.s32 $0x180;
	s3 =	sand.u32 $0x1, s3;
	s7 =	smul.u32 $0x14000, s11  }
0x6: {  	[smem:$0x7FF] =	sst s4;
	s5 =	sadd.s32 $0x1E00, s0;
	s15 =	smul.u32 $0x50000, s11  }
0x7: {  	s8 =	sadd.s32 $0x15800, s0;
	s16 =	sshll.u32 s11, $0x6;
	s18 =	smul.u32 $0x2710, s11  }
0x8: {  	s6 =	smul.u32 $0x140000, s3;
	_ =	strace $0x8000004A;
	[dreg:$0xb] =	wrdreg s8  }
0x9: {  	s14 =	sshll.u32 s3, $0x4;
	s9 =	ssub.s32 $0x2, s3;
	s3 =	smul.u32 $0x27100, s3  }
0xa: {  	s10 =	sshrl.u32 s9, $0x1;
	s8 =	sshrl.u32 s15, $0x2;
	s6 =	sadd.s32 s7, s6  }
0xb: {  	s7 =	sor.u32 s11, s14;
	s8 =	sadd.s32 s8, s2;
	s3 =	sadd.s32 s18, s3  }
0xc: {  	s6 =	sshrl.u32 s6, $0x3;
	s7 =	smul.u32 $0x2710, s7;
	[dreg:$0xc] =	wrdreg s8  }
0xd: {  	s0 =	sadd.s32 s6, s0;
	s6 =	ssub.s32 s9, s10;
	s9 =	sor.u32 $0x1C0B, s16  }
0xe: {  	s13 =	sadd.s32 $0x4E500, s3;
	s0 =	sadd.s32 $0x18000, s0;
	[dreg:$0xd] =	wrdreg s9  }
0xf: {  	s7 =	sshrl.u32 s7, $0x3;
	s6 =	smax.u32 s6, $0x1;
	[dreg:$0x18] =	wrdreg s0  }
0x10: {  	s14 =	sshrl.u32 s13, $0x3;
	s17 =	sadd.s32 s5, s7;
	[dreg:$0x19] =	wrdreg s6  }
0x11: {  	s31 =	simm.s32 $0x3;
	s0 =	sadd.s32 s14, s5;
	[dreg:$0xe] =	wrdreg s17  }
0x12: {  	s28 =	simm.s32 $0x4500;
	s19 =	sadd.s32 $0x9C40, s17;
	[dreg:$0x5] =	wrdreg s0  }
0x13: {  	s30 =	simm.s32 $0x1;
	s20 =	sadd.s32 $0x10, s17;
	[dreg:$0xf] =	wrdreg s19  }
0x14: {  	s26 =	sadd.s32 $0x300, s3;
	s21 =	sadd.s32 $0x9C50, s17;
	[dreg:$0x10] =	wrdreg s20  }
0x15: {  	s15 =	sadd.s32 $0x280, s3;
	s22 =	sadd.s32 $0x20, s17;
	[dreg:$0x11] =	wrdreg s21  }
0x16: {  	s16 =	sadd.s32 $0x4E480, s3;
	s23 =	sadd.s32 $0x9C60, s17;
	[dreg:$0x12] =	wrdreg s22  }
0x17: {  	s10 =	simm.s32 $0x2;
	s24 =	sadd.s32 $0x30, s17;
	[dreg:$0x13] =	wrdreg s23  }
0x18: {  	s18 =	sshrl.u32 s16, $0x3;
	s25 =	sadd.s32 $0x9C70, s17;
	[dreg:$0x14] =	wrdreg s24  }
0x19: {  	s16 =	simm.s32 $0x0;
	s11 =	sadd.s32 $0x4E0, s17;
	[dreg:$0x15] =	wrdreg s25  }
0x1a: {  	s7 =	sshrl.u32 s26, $0x3;
	s8 =	sadd.s32 $0xA120, s17;
	[dreg:$0x16] =	wrdreg s11  }
0x1b: {  	s12 =	sadd.s32 s7, s5;
	s7 =	sshrl.u32 s15, $0x3;
	[dreg:$0x17] =	wrdreg s8  }
0x1c: {  	s6 =	simm.s32 $0x7;
	[dreg:$0x4] =	wrdreg s12;
	s17 =	sadd.s32 s7, s5  }
0x1d: {  	s19 =	sadd.s32 s18, s5;
	s20 =	sadd.s32 $0x4E400, s3;
	s22 =	sadd.s32 $0x380, s3  }
0x1e: {  	s23 =	sadd.s32 $0x4E580, s3;
	s3 =	sadd.s32 $0x200, s3;
	[dreg:$0x6] =	wrdreg s17  }
0x1f: {  	s11 =	simm.s32 $0x8;
	s12 =	simm.s32 $0x6;
	[dreg:$0x7] =	wrdreg s19  }
0x20: {  	s21 =	sshrl.u32 s20, $0x3;
	s7 =	sshrl.u32 s22, $0x3;
	s25 =	sshrl.u32 s23, $0x3  }
0x21: {  	[dreg:$0x1a] =	wrdreg s3;
	s22 =	simm.s32 $0xB;
	s0 =	sadd.s32 s21, s5  }
0x22: {  	s23 =	simm.s32 $0x200;
	s24 =	sadd.s32 s7, s5;
	[dreg:$0x8] =	wrdreg s0  }
0x23: {  	s3 =	simm.s32 $0x4;
	s26 =	sadd.s32 s25, s5;
	[dreg:$0x9] =	wrdreg s24  }
0x24: {  	s25 =	simm.s32 $0x280;
	s7 =	simm.s32 $0x5;
	[dreg:$0xa] =	wrdreg s26  }
0x25: {  	s24 =	simm.s32 $0x80;
	s26 =	simm.s32 $0x100;
	s0 =	simm.s32 $0x500  }
.LBB2_1:
0x26: {  	s8 =	rddreg [dreg:$0xc]  }
0x27: {  	s15 =	rddreg [dreg:$0xb];
	s13 =	sshrl.u32 s8, $0x3  }
0x28: {  	[dreg:$0x1b] =	wrdreg s13  }
0x29: {  	[spmem:s13], [sflag:s9] =	dma.local [hbm:s15], $0x2800  }
0x2a: {  	_ =	swait.ge [sflag:s22], $0x2800  }
0x2b: {  	[sflag:s22] =	ssyncset.done $0x0  }
0x2c: {  	s17 =	rddreg [dreg:$0xe];
	[sflag:s22] =	ssyncadd.s32 $0xFFFFD800  }
0x2d: {  	[tilespmem:s4], [sflag:$0x3] =	stream.linear.gather [hbm4b:s17+s4], $0x80, $0x38;
	[tilespmem:$0x1C500] =	vst v63  }
0x2e: {  	s18 =	rddreg [dreg:$0xf]  }
0x2f: {  	[tilespmem:s23], [sflag:$0x7] =	stream.linear.gather [hbm4b:s18+s4], $0x80, $0x38;
	[tilespmem:$0x1C500] =	vst v63  }
0x30: {  	s19 =	rddreg [dreg:$0x10]  }
0x31: {  	[tilespmem:s24], [sflag:$0x4] =	stream.linear.gather [hbm4b:s19+s4], $0x80, $0x38;
	[tilespmem:$0x1C500] =	vst v63  }
0x32: {  	s20 =	rddreg [dreg:$0x11]  }
0x33: {  	[tilespmem:s25], [sflag:$0x8] =	stream.linear.gather [hbm4b:s20+s4], $0x80, $0x38;
	[tilespmem:$0x1C500] =	vst v63  }
0x34: {  	s21 =	rddreg [dreg:$0x12]  }
0x35: {  	[tilespmem:s26], [sflag:$0x5] =	stream.linear.gather [hbm4b:s21+s4], $0x80, $0x38;
	[tilespmem:$0x1C500] =	vst v63  }
0x36: {  	s13 =	simm.s32 $0x300;
	s9 =	rddreg [dreg:$0x13]  }
0x37: {  	[tilespmem:s13], [sflag:$0x9] =	stream.linear.gather [hbm4b:s9+s4], $0x80, $0x38;
	[tilespmem:$0x1C500] =	vst v63  }
0x38: {  	s14 =	rddreg [dreg:$0x14]  }
0x39: {  	[tilespmem:s29], [sflag:$0x6] =	stream.linear.gather [hbm4b:s14+s4], $0x80, $0x38;
	[tilespmem:$0x1C500] =	vst v63  }
0x3a: {  	s15 =	rddreg [dreg:$0x15];
	s17 =	simm.s32 $0x380  }
0x3b: {  	[tilespmem:s17], [sflag:$0xA] =	stream.linear.gather [hbm4b:s15+s4], $0x80, $0x38;
	[tilespmem:$0x1C500] =	vst v63  }
0x3c: {  	_ =	swait.ge [sflag:s31], $0x80  }
0x3d: {  	[sflag:s31] =	ssyncset.done $0x0  }
0x3e: {  	[sflag:s31] =	ssyncadd.s32 $0xFFFFFF80  }
0x3f: {  	[tilespmem:s0], [sflag:$0x1] =	stream.indirect.gather [hbm4b:s1+s24], $0x80, s4, s24, $0xb8;
	[tilespmem:$0x1C500] =	vst v63  }
0x40: {  	_ =	swait.ge [sflag:s3], $0x80  }
0x41: {  	[sflag:s3] =	ssyncset.done $0x0  }
0x42: {  	[sflag:s3] =	ssyncadd.s32 $0xFFFFFF80  }
0x43: {  	[tilespmem:s28], [sflag:$0x2] =	stream.indirect.gather [hbm4b:s1+s24], $0x80, s24, s24, $0xb8;
	[tilespmem:$0x1C500] =	vst v63  }
0x44: {  	[bflag:$0x0] =	sbarrier.arrive $0xFFFF  }
0x45: {  	_ =	swait.ge [sflag:s30], $0x4000  }
0x46: {  	s17 =	rddreg [dreg:$0x1a]  }
0x47: {  	[sflag:s30] =	ssyncset.done $0x0;
	s18 =	sshrl.u32 s17, $0x3  }
0x48: {  	[sflag:s30] =	ssyncadd.s32 $0xFFFFC000;
	s8 =	sadd.s32 s5, s18  }
0x49: {  	[tilespmem:s4], [sflag:$0x3] =	stream.linear.gather [hbm4b:s8+s4], $0x80, $0x38;
	[tilespmem:$0x1C500] =	vst v63  }
0x4a: {  	_ =	swait.ge [sflag:s6], $0x80  }
0x4b: {  	[sflag:s6] =	ssyncset.done $0x0  }
0x4c: {  	[sflag:s6] =	ssyncadd.s32 $0xFFFFFF80  }
0x4d: {  	[spmem:s2] =	stream.indirect.scatter.add.f32 [tilespmem:s0], [sflag:$0xB], $0x80, s23, s24, $0xb8;
	[tilespmem:$0x1C500] =	vst v63  }
0x4e: {  	_ =	swait.ge [sflag:s22], $0x4000  }
0x4f: {  	s19 =	rddreg [dreg:$0x8];
	[sflag:s22] =	ssyncset.done $0x0  }
0x50: {  	[sflag:s22] =	ssyncadd.s32 $0xFFFFC000;
	s8 =	sadd.s32 $0x0, s19  }
0x51: {  	[tilespmem:s23], [sflag:$0x7] =	stream.linear.gather [hbm4b:s8+s4], $0x80, $0x38;
	[tilespmem:$0x1C500] =	vst v63  }
0x52: {  	_ =	swait.ge [sflag:s7], $0x80  }
0x53: {  	[sflag:s7] =	ssyncset.done $0x0  }
0x54: {  	[sflag:s7] =	ssyncadd.s32 $0xFFFFFF80  }
0x55: {  	[tilespmem:s0], [sflag:$0x1] =	stream.indirect.gather [hbm4b:s1+s24], $0x80, s26, s24, $0xb8;
	[tilespmem:$0x1C500] =	vst v63  }
0x56: {  	_ =	swait.ge [sflag:s10], $0x4000  }
0x57: {  	s20 =	rddreg [dreg:$0x6];
	[sflag:s10] =	ssyncset.done $0x0  }
0x58: {  	[sflag:s10] =	ssyncadd.s32 $0xFFFFC000;
	s8 =	sadd.s32 $0x0, s20  }
0x59: {  	[tilespmem:s24], [sflag:$0x4] =	stream.linear.gather [hbm4b:s8+s4], $0x80, $0x38;
	[tilespmem:$0x1C500] =	vst v63  }
0x5a: {  	_ =	swait.ge [sflag:s11], $0x80  }
0x5b: {  	[sflag:s11] =	ssyncset.done $0x0  }
0x5c: {  	[sflag:s11] =	ssyncadd.s32 $0xFFFFFF80  }
0x5d: {  	[spmem:s2] =	stream.indirect.scatter.add.f32 [tilespmem:s28], [sflag:$0xB], $0x80, s25, s24, $0xb8;
	[tilespmem:$0x1C500] =	vst v63  }
0x5e: {  	_ =	swait.ge [sflag:s22], $0x4000  }
0x5f: {  	s21 =	rddreg [dreg:$0x7];
	[sflag:s22] =	ssyncset.done $0x0  }
0x60: {  	[sflag:s22] =	ssyncadd.s32 $0xFFFFC000;
	s8 =	sadd.s32 $0x0, s21  }
0x61: {  	[tilespmem:s25], [sflag:$0x8] =	stream.linear.gather [hbm4b:s8+s4], $0x80, $0x38;
	[tilespmem:$0x1C500] =	vst v63  }
0x62: {  	_ =	swait.ge [sflag:s12], $0x80  }
0x63: {  	[sflag:s12] =	ssyncset.done $0x0  }
0x64: {  	[sflag:s12] =	ssyncadd.s32 $0xFFFFFF80  }
0x65: {  	[tilespmem:s28], [sflag:$0x2] =	stream.indirect.gather [hbm4b:s1+s24], $0x80, s29, s24, $0xb8;
	[tilespmem:$0x1C500] =	vst v63  }
0x66: {  	_ =	swait.ge [sflag:s30], $0x4000  }
0x67: {  	p0 =	por $0x0, $0x0;
	[sflag:s30] =	ssyncset.done $0x0  }
0x68: {  	s8 =	simm.s32 @p0 $0x9;
	[sflag:s30] =	ssyncadd.s32 $0xFFFFC000  }
0x69: {  	_ =	swait.ge @p0 [sflag:s8], $0x80  }
0x6a: {  	s9 =	simm.s32 @p0 $0x500;
	s13 =	simm.s32 @p0 $0xB;
	[sflag:s8] =	ssyncset.done @p0 $0x0  }
0x6b: {  	s14 =	simm.s32 @p0 $0x300;
	[sflag:s8] =	ssyncadd.s32 @p0 $0xFFFFFF80;
	s8 =	simm.s32 @p0 $0x80  }
0x6c: {  	[spmem:s2] =	stream.indirect.scatter.add.f32 @p0 [tilespmem:s9], [sflag:$0xB], $0x80, s14, s8, $0xb8;
	[tilespmem:$0x1C500] =	vst v63  }
0x6d: {  	s15 =	simm.s32 @!p0 $0x9;
	_ =	swait.ge @p0 [sflag:s13], $0x4000  }
0x6e: {  	s18 =	simm.s32 @!p0 $0x0;
	s9 =	rddreg [dreg:$0x4];
	[sflag:s13] =	ssyncset.done @p0 $0x0  }
0x6f: {  	s14 =	simm.s32 @!p0 $0x100;
	[sflag:s13] =	ssyncadd.s32 @p0 $0xFFFFC000;
	s9 =	sadd.s32 @!p0 $0x0, s9  }
0x70: {  	[tilespmem:s14], [sflag:$0x5] =	stream.linear.gather @!p0 [hbm4b:s9+s18], $0x80, $0x38;
	[tilespmem:$0x1C500] =	vst v63  }
0x71: {  	_ =	swait.ge @!p0 [sflag:s15], $0x80  }
0x72: {  	s19 =	simm.s32 @!p0 $0x300;
	s9 =	simm.s32 @!p0 $0x500;
	[sflag:s15] =	ssyncset.done @!p0 $0x0  }
0x73: {  	s14 =	simm.s32 @!p0 $0xB;
	[sflag:s15] =	ssyncadd.s32 @!p0 $0xFFFFFF80;
	s15 =	simm.s32 @!p0 $0x80  }
0x74: {  	[spmem:s2] =	stream.indirect.scatter.add.f32 @!p0 [tilespmem:s9], [sflag:$0xB], $0x80, s19, s15, $0xb8;
	[tilespmem:$0x1C500] =	vst v63  }
0x75: {  	_ =	swait.ge @!p0 [sflag:s14], $0x4000  }
0x76: {  	s9 =	rddreg [dreg:$0x5];
	[sflag:s14] =	ssyncset.done @!p0 $0x0  }
0x77: {  	[sflag:s14] =	ssyncadd.s32 @!p0 $0xFFFFC000;
	s9 =	sadd.s32 @!p0 $0x0, s9  }
0x78: {  	[tilespmem:s19], [sflag:$0x9] =	stream.linear.gather @!p0 [hbm4b:s9+s18], $0x80, $0x38;
	[tilespmem:$0x1C500] =	vst v63  }
0x79: {  	_ =	swait.ge [sflag:s31], $0x80  }
0x7a: {  	[sflag:s31] =	ssyncset.done $0x0  }
0x7b: {  	[sflag:s31] =	ssyncadd.s32 $0xFFFFFF80  }
0x7c: {  	[tilespmem:s0], [sflag:$0x1] =	stream.indirect.gather [hbm4b:s1+s24], $0x80, s4, s24, $0xb8;
	[tilespmem:$0x1C500] =	vst v63  }
0x7d: {  	_ =	swait.ge [sflag:s10], $0x4000  }
0x7e: {  	[sflag:s10] =	ssyncset.done $0x0  }
0x7f: {  	s9 =	simm.s32 @p0 $0xA;
	[sflag:s10] =	ssyncadd.s32 $0xFFFFC000  }
0x80: {  	_ =	swait.ge @p0 [sflag:s9], $0x80  }
0x81: {  	[sflag:s9] =	ssyncset.done @p0 $0x0  }
0x82: {  	s19 =	simm.s32 @p0 $0x4500;
	[sflag:s9] =	ssyncadd.s32 @p0 $0xFFFFFF80;
	s9 =	simm.s32 @p0 $0x380  }
0x83: {  	[spmem:s2] =	stream.indirect.scatter.add.f32 @p0 [tilespmem:s19], [sflag:$0xB], $0x80, s9, s8, $0xb8;
	[tilespmem:$0x1C500] =	vst v63  }
0x84: {  	_ =	swait.ge @p0 [sflag:s13], $0x4000  }
0x85: {  	s8 =	rddreg [dreg:$0x9];
	[sflag:s13] =	ssyncset.done @p0 $0x0  }
0x86: {  	s9 =	simm.s32 @!p0 $0x180;
	[sflag:s13] =	ssyncadd.s32 @p0 $0xFFFFC000;
	s8 =	sadd.s32 @!p0 $0x0, s8  }
0x87: {  	[tilespmem:s9], [sflag:$0x6] =	stream.linear.gather @!p0 [hbm4b:s8+s18], $0x80, $0x38;
	[tilespmem:$0x1C500] =	vst v63  }
0x88: {  	s8 =	simm.s32 @!p0 $0xA  }
0x89: {  	_ =	swait.ge @!p0 [sflag:s8], $0x80  }
0x8a: {  	[sflag:s8] =	ssyncset.done @!p0 $0x0  }
0x8b: {  	s9 =	simm.s32 @!p0 $0x4500;
	[sflag:s8] =	ssyncadd.s32 @!p0 $0xFFFFFF80;
	s8 =	simm.s32 @!p0 $0x380  }
0x8c: {  	[spmem:s2] =	stream.indirect.scatter.add.f32 @!p0 [tilespmem:s9], [sflag:$0xB], $0x80, s8, s15, $0xb8;
	[tilespmem:$0x1C500] =	vst v63  }
0x8d: {  	_ =	swait.ge @!p0 [sflag:s14], $0x4000  }
0x8e: {  	s9 =	rddreg [dreg:$0xa];
	[sflag:s14] =	ssyncset.done @!p0 $0x0  }
0x8f: {  	[sflag:s14] =	ssyncadd.s32 @!p0 $0xFFFFC000;
	s9 =	sadd.s32 @!p0 $0x0, s9  }
0x90: {  	[tilespmem:s8], [sflag:$0xA] =	stream.linear.gather @!p0 [hbm4b:s9+s18], $0x80, $0x38;
	[tilespmem:$0x1C500] =	vst v63  }
0x91: {  	_ =	swait.ge [sflag:s3], $0x80  }
0x92: {  	[sflag:s3] =	ssyncset.done $0x0  }
0x93: {  	s19 =	sadd.s32 $0x200, s17;
	s18 =	simm.s32 $0x40;
	[sflag:s3] =	ssyncadd.s32 $0xFFFFFF80  }
.LBB2_2:
0x94: {  	[tilespmem:s28], [sflag:$0x2] =	stream.indirect.gather [hbm4b:s1+s24], $0x80, s24, s24, $0xb8;
	[tilespmem:$0x1C500] =	vst v63  }
0x95: {  	_ =	swait.ge [sflag:s30], $0x4000  }
0x96: {  	s8 =	sshrl.u32 s19, $0x3;
	[sflag:s30] =	ssyncset.done $0x0  }
0x97: {  	s8 =	sadd.s32 s5, s8;
	[sflag:s30] =	ssyncadd.s32 $0xFFFFC000  }
0x98: {  	[tilespmem:s4], [sflag:$0x3] =	stream.linear.gather [hbm4b:s8+s4], $0x80, $0x38;
	[tilespmem:$0x1C500] =	vst v63  }
0x99: {  	_ =	swait.ge [sflag:s6], $0x80  }
0x9a: {  	[sflag:s6] =	ssyncset.done $0x0  }
0x9b: {  	[sflag:s6] =	ssyncadd.s32 $0xFFFFFF80  }
0x9c: {  	[spmem:s2] =	stream.indirect.scatter.add.f32 [tilespmem:s0], [sflag:$0xB], $0x80, s23, s24, $0xb8;
	[tilespmem:$0x1C500] =	vst v63  }
0x9d: {  	_ =	swait.ge [sflag:s22], $0x4000  }
0x9e: {  	s20 =	smov.u32 s18;
	s15 =	rddreg [dreg:$0x8];
	[sflag:s22] =	ssyncset.done $0x0  }
0x9f: {  	[sflag:s22] =	ssyncadd.s32 $0xFFFFC000;
	s8 =	sadd.s32 s20, s15  }
0xa0: {  	[tilespmem:s23], [sflag:$0x7] =	stream.linear.gather [hbm4b:s8+s4], $0x80, $0x38;
	[tilespmem:$0x1C500] =	vst v63  }
0xa1: {  	_ =	swait.ge [sflag:s7], $0x80  }
0xa2: {  	[sflag:s7] =	ssyncset.done $0x0  }
0xa3: {  	[sflag:s7] =	ssyncadd.s32 $0xFFFFFF80  }
0xa4: {  	[tilespmem:s0], [sflag:$0x1] =	stream.indirect.gather [hbm4b:s1+s24], $0x80, s26, s24, $0xb8;
	[tilespmem:$0x1C500] =	vst v63  }
0xa5: {  	_ =	swait.ge [sflag:s10], $0x4000  }
0xa6: {  	s17 =	rddreg [dreg:$0x6];
	[sflag:s10] =	ssyncset.done $0x0  }
0xa7: {  	[sflag:s10] =	ssyncadd.s32 $0xFFFFC000;
	s8 =	sadd.s32 s20, s17  }
0xa8: {  	[tilespmem:s24], [sflag:$0x4] =	stream.linear.gather [hbm4b:s8+s4], $0x80, $0x38;
	[tilespmem:$0x1C500] =	vst v63  }
0xa9: {  	_ =	swait.ge [sflag:s11], $0x80  }
0xaa: {  	[sflag:s11] =	ssyncset.done $0x0  }
0xab: {  	[sflag:s11] =	ssyncadd.s32 $0xFFFFFF80  }
0xac: {  	[spmem:s2] =	stream.indirect.scatter.add.f32 [tilespmem:s28], [sflag:$0xB], $0x80, s25, s24, $0xb8;
	[tilespmem:$0x1C500] =	vst v63  }
0xad: {  	_ =	swait.ge [sflag:s22], $0x4000  }
0xae: {  	s21 =	rddreg [dreg:$0x7];
	[sflag:s22] =	ssyncset.done $0x0  }
0xaf: {  	[sflag:s22] =	ssyncadd.s32 $0xFFFFC000;
	s8 =	sadd.s32 s20, s21  }
0xb0: {  	[tilespmem:s25], [sflag:$0x8] =	stream.linear.gather [hbm4b:s8+s4], $0x80, $0x38;
	[tilespmem:$0x1C500] =	vst v63  }
0xb1: {  	_ =	swait.ge [sflag:s12], $0x80  }
0xb2: {  	[sflag:s12] =	ssyncset.done $0x0  }
0xb3: {  	[sflag:s12] =	ssyncadd.s32 $0xFFFFFF80  }
0xb4: {  	[tilespmem:s28], [sflag:$0x2] =	stream.indirect.gather [hbm4b:s1+s24], $0x80, s29, s24, $0xb8;
	[tilespmem:$0x1C500] =	vst v63  }
0xb5: {  	_ =	swait.ge [sflag:s30], $0x4000  }
0xb6: {  	p1 =	seq.s32 s20, $0x480;
	[sflag:s30] =	ssyncset.done $0x0  }
0xb7: {  	s8 =	simm.s32 @p1 $0x9;
	[sflag:s30] =	ssyncadd.s32 $0xFFFFC000  }
0xb8: {  	_ =	swait.ge @p1 [sflag:s8], $0x80  }
0xb9: {  	s13 =	simm.s32 @p1 $0x500;
	s14 =	simm.s32 @p1 $0xB;
	[sflag:s8] =	ssyncset.done @p1 $0x0  }
0xba: {  	s9 =	simm.s32 @p1 $0x80;
	[sflag:s8] =	ssyncadd.s32 @p1 $0xFFFFFF80;
	s8 =	simm.s32 @p1 $0x300  }
0xbb: {  	[spmem:s2] =	stream.indirect.scatter.add.f32 @p1 [tilespmem:s13], [sflag:$0xB], $0x80, s8, s9, $0xb8;
	[tilespmem:$0x1C500] =	vst v63  }
0xbc: {  	s15 =	simm.s32 @!p1 $0x100;
	_ =	swait.ge @p1 [sflag:s14], $0x4000  }
0xbd: {  	s21 =	simm.s32 @!p1 $0x9;
	s8 =	rddreg [dreg:$0x4];
	[sflag:s14] =	ssyncset.done @p1 $0x0  }
0xbe: {  	s13 =	simm.s32 @!p1 $0x0;
	[sflag:s14] =	ssyncadd.s32 @p1 $0xFFFFC000;
	s8 =	sadd.s32 @!p1 s20, s8  }
0xbf: {  	[tilespmem:s15], [sflag:$0x5] =	stream.linear.gather @!p1 [hbm4b:s8+s13], $0x80, $0x38;
	[tilespmem:$0x1C500] =	vst v63  }
0xc0: {  	_ =	swait.ge @!p1 [sflag:s21], $0x80  }
0xc1: {  	s17 =	simm.s32 @!p1 $0x500;
	s15 =	simm.s32 @!p1 $0xB;
	[sflag:s21] =	ssyncset.done @!p1 $0x0  }
0xc2: {  	s8 =	simm.s32 @!p1 $0x80;
	[sflag:s21] =	ssyncadd.s32 @!p1 $0xFFFFFF80;
	s21 =	simm.s32 @!p1 $0x300  }
0xc3: {  	[spmem:s2] =	stream.indirect.scatter.add.f32 @!p1 [tilespmem:s17], [sflag:$0xB], $0x80, s21, s8, $0xb8;
	[tilespmem:$0x1C500] =	vst v63  }
0xc4: {  	_ =	swait.ge @!p1 [sflag:s15], $0x4000  }
0xc5: {  	s17 =	rddreg [dreg:$0x5];
	[sflag:s15] =	ssyncset.done @!p1 $0x0  }
0xc6: {  	[sflag:s15] =	ssyncadd.s32 @!p1 $0xFFFFC000;
	s17 =	sadd.s32 @!p1 s20, s17  }
0xc7: {  	[tilespmem:s21], [sflag:$0x9] =	stream.linear.gather @!p1 [hbm4b:s17+s13], $0x80, $0x38;
	[tilespmem:$0x1C500] =	vst v63  }
0xc8: {  	_ =	swait.ge [sflag:s31], $0x80  }
0xc9: {  	[sflag:s31] =	ssyncset.done $0x0  }
0xca: {  	[sflag:s31] =	ssyncadd.s32 $0xFFFFFF80  }
0xcb: {  	[tilespmem:s0], [sflag:$0x1] =	stream.indirect.gather [hbm4b:s1+s24], $0x80, s4, s24, $0xb8;
	[tilespmem:$0x1C500] =	vst v63  }
0xcc: {  	_ =	swait.ge [sflag:s10], $0x4000  }
0xcd: {  	[sflag:s10] =	ssyncset.done $0x0  }
0xce: {  	s17 =	simm.s32 @p1 $0xA;
	[sflag:s10] =	ssyncadd.s32 $0xFFFFC000  }
0xcf: {  	_ =	swait.ge @p1 [sflag:s17], $0x80  }
0xd0: {  	[sflag:s17] =	ssyncset.done @p1 $0x0  }
0xd1: {  	s21 =	simm.s32 @p1 $0x4500;
	[sflag:s17] =	ssyncadd.s32 @p1 $0xFFFFFF80;
	s17 =	simm.s32 @p1 $0x380  }
0xd2: {  	[spmem:s2] =	stream.indirect.scatter.add.f32 @p1 [tilespmem:s21], [sflag:$0xB], $0x80, s17, s9, $0xb8;
	[tilespmem:$0x1C500] =	vst v63  }
0xd3: {  	_ =	swait.ge @p1 [sflag:s14], $0x4000  }
0xd4: {  	s17 =	simm.s32 @!p1 $0xA;
	s9 =	rddreg [dreg:$0x9];
	[sflag:s14] =	ssyncset.done @p1 $0x0  }
0xd5: {  	[sflag:s14] =	ssyncadd.s32 @p1 $0xFFFFC000;
	s9 =	sadd.s32 @!p1 s20, s9;
	s14 =	simm.s32 @!p1 $0x180  }
0xd6: {  	[tilespmem:s14], [sflag:$0x6] =	stream.linear.gather @!p1 [hbm4b:s9+s13], $0x80, $0x38;
	[tilespmem:$0x1C500] =	vst v63  }
0xd7: {  	_ =	swait.ge @!p1 [sflag:s17], $0x80  }
0xd8: {  	[sflag:s17] =	ssyncset.done @!p1 $0x0  }
0xd9: {  	s9 =	simm.s32 @!p1 $0x380;
	s14 =	simm.s32 @!p1 $0x4500;
	[sflag:s17] =	ssyncadd.s32 @!p1 $0xFFFFFF80  }
0xda: {  	[spmem:s2] =	stream.indirect.scatter.add.f32 @!p1 [tilespmem:s14], [sflag:$0xB], $0x80, s9, s8, $0xb8;
	[tilespmem:$0x1C500] =	vst v63  }
0xdb: {  	s18 =	sadd.s32 $0x40, s18;
	_ =	swait.ge @!p1 [sflag:s15], $0x4000  }
0xdc: {  	p0 =	sne.s32 s18, $0x4C0;
	s8 =	rddreg [dreg:$0xa];
	[sflag:s15] =	ssyncset.done @!p1 $0x0  }
.Ltmp0:
0xdd: {  	[sflag:s15] =	ssyncadd.s32 @!p1 $0xFFFFC000;
	s8 =	sadd.s32 @!p1 s20, s8;
	(pc) =	sbr.rel @p0 .LBB2_2-.Ltmp0, $4  }
0xde: {  	[tilespmem:s9], [sflag:$0xA] =	stream.linear.gather @!p1 [hbm4b:s8+s13], $0x80, $0x38;
	[tilespmem:$0x1C500] =	vst v63  }
0xdf: {  	_ =	swait.ge [sflag:s3], $0x80  }
0xe0: {  	[sflag:s3] =	ssyncset.done $0x0  }
0xe1: {  	s19 =	sadd.s32 $0x200, s19;
	[sflag:s3] =	ssyncadd.s32 $0xFFFFFF80  }
0xe2: {  	[tilespmem:s28], [sflag:$0x2] =	stream.indirect.gather [hbm4b:s1+s24], $0x80, s24, s24, $0xb8;
	[tilespmem:$0x1C500] =	vst v63  }
0xe3: {  	_ =	swait.ge [sflag:s30], $0x4000  }
0xe4: {  	[sflag:s30] =	ssyncset.done $0x0  }
0xe5: {  	[sflag:s30] =	ssyncadd.s32 $0xFFFFC000  }
0xe6: {  	_ =	swait.ge [sflag:s6], $0x80  }
0xe7: {  	[sflag:s6] =	ssyncset.done $0x0  }
0xe8: {  	[sflag:s6] =	ssyncadd.s32 $0xFFFFFF80  }
0xe9: {  	[spmem:s2] =	stream.indirect.scatter.add.f32 [tilespmem:s0], [sflag:$0xB], $0x80, s23, s24, $0xb8;
	[tilespmem:$0x1C500] =	vst v63  }
0xea: {  	_ =	swait.ge [sflag:s22], $0x4000  }
0xeb: {  	[sflag:s22] =	ssyncset.done $0x0  }
0xec: {  	[sflag:s22] =	ssyncadd.s32 $0xFFFFC000  }
0xed: {  	_ =	swait.ge [sflag:s10], $0x4000  }
0xee: {  	[sflag:s10] =	ssyncset.done $0x0  }
0xef: {  	[sflag:s10] =	ssyncadd.s32 $0xFFFFC000  }
0xf0: {  	_ =	swait.ge [sflag:s11], $0x80  }
0xf1: {  	[sflag:s11] =	ssyncset.done $0x0  }
0xf2: {  	[sflag:s11] =	ssyncadd.s32 $0xFFFFFF80  }
0xf3: {  	[spmem:s2] =	stream.indirect.scatter.add.f32 [tilespmem:s28], [sflag:$0xB], $0x80, s25, s24, $0xb8;
	[tilespmem:$0x1C500] =	vst v63  }
0xf4: {  	_ =	swait.ge [sflag:s22], $0x4000  }
0xf5: {  	[sflag:s22] =	ssyncset.done $0x0  }
0xf6: {  	s9 =	simm.s32 $0x400;
	s8 =	rddreg [dreg:$0x16];
	[sflag:s22] =	ssyncadd.s32 $0xFFFFC000  }
0xf7: {  	[tilespmem:s9], [sflag:$0xB] =	stream.linear.gather [hbm4b:s8+s4], $0x10, $0x38;
	[tilespmem:$0x1C500] =	vst v63  }
0xf8: {  	_ =	swait.ge [sflag:s22], $0x10  }
0xf9: {  	[sflag:s22] =	ssyncset.done $0x0  }
0xfa: {  	s13 =	simm.s32 $0x480;
	s17 =	rddreg [dreg:$0x17];
	[sflag:s22] =	ssyncadd.s32 $0xFFFFFFF0  }
0xfb: {  	[tilespmem:s13], [sflag:$0xB] =	stream.linear.gather [hbm4b:s17+s4], $0x10, $0x38;
	[tilespmem:$0x1C500] =	vst v63  }
0xfc: {  	_ =	swait.ge [sflag:s22], $0x10  }
0xfd: {  	[sflag:s22] =	ssyncset.done $0x0  }
0xfe: {  	s18 =	simm.s32 $0x10;
	[sflag:s22] =	ssyncadd.s32 $0xFFFFFFF0  }
0xff: {  	[tilespmem:s0], [sflag:$0xB] =	stream.indirect.gather [hbm4b:s1+s18], $0x80, s9, s18, $0xb8;
	[tilespmem:$0x1C500] =	vst v63  }
0x100: {  	_ =	swait.ge [sflag:s22], $0x800  }
0x101: {  	[sflag:s22] =	ssyncset.done $0x0  }
0x102: {  	[sflag:s22] =	ssyncadd.s32 $0xFFFFF800  }
0x103: {  	[spmem:s2] =	stream.indirect.scatter.add.f32 [tilespmem:s0], [sflag:$0xB], $0x80, s13, s18, $0xb8;
	[tilespmem:$0x1C500] =	vst v63  }
0x104: {  	_ =	swait.ge [sflag:s22], $0x800  }
0x105: {  	[sflag:s22] =	ssyncset.done $0x0  }
0x106: {  	[sflag:s22] =	ssyncadd.s32 $0xFFFFF800  }
0x107: {  	[bflag:$0x0] =	sbarrier.arrive $0xFFFF  }
0x108: {  	s9 =	rddreg [dreg:$0xd]  }
0x109: {  	s19 =	rddreg [dreg:$0x18]  }
0x10a: {  	s20 =	rddreg [dreg:$0x1b]  }
0x10b: {  	[hbm:s19], [sflag:s9] =	dma.local [spmem:s20], $0x2800  }
0x10c: {  	_ =	swait.ge [sflag:s22], $0x2800  }
0x10d: {  	s16 =	sadd.s32 $0x1, s16;
	s21 =	rddreg [dreg:$0x19]  }
0x10e: {  	p0 =	sne.s32 s16, s21  }
.Ltmp1:
0x10f: {  	_ = 	snop;
	(pc) =	sbr.rel @p0 .LBB2_1-.Ltmp1, $3  }
0x110: {  	_ =	sdelay $0x1  }
0x111: {  	[sflag:s22] =	ssyncset.done $0x0  }
0x112: {  	[sflag:s22] =	ssyncadd.s32 $0xFFFFD800  }
0x113: {  	_ =	sfence.sel $0x180000  }
0x114: {  	[bflag:$0x0] =	sbarrier.arrive $0xFFFF  }
0x115: {  	_ =	strace $0x9000004A  }
0x116: {  	s0 =	stileid.u32;
	[bflag:$0x2] =	sbarrier.arrive $0xFFFF  }
0x117: {  	p0 =	sne.s32 s0, $0x0;
	s0 =	rddreg [dreg:$0x3]  }
0x118: {  	s0 =	sadd.s32 @!p0 $0x100000, s0  }
0x119: {  	[sflag:s0] =	ssyncadd.tile.s32 @!p0 $0x1;
	_ =	shalt  }
.Lfunc_end2:
_tile_overlayer_lowered:
.L_overlay_start_2:
0x11a: {  	(tag) =	ssettag $0x2  }
0x11b: {  	s0 =	rddreg [dreg:$0x0];
	s2 =	stileid.u32  }
0x11c: {  	s1 =	rddreg [dreg:$0x1];
	p0 =	sne.s32 s2, $0x0  }
0x11d: {  	s3 =	rddreg [dreg:$0x2];
	[bflag:$0x3] =	sbarrier.arrive $0xFFFF;
	s2 =	simm.s32 @!p0 $0x1C0B  }
0x11e: {  	[timem:s3], [sflag:s2] =	dma.local @!p0 [hbm:s0], s1  }
0x11f: {  	s0 =	simm.s32 @!p0 $0xB  }
0x120: {  	_ =	swait.ge @!p0 [sflag:s0], s1  }
0x121: {  	s1 =	ssub.s32 @!p0 $0x0, s1;
	[sflag:s0] =	ssyncset.done @!p0 $0x0  }
0x122: {  	[sflag:s0] =	ssyncadd.s32 @!p0 s1  }
0x123: {  	[bflag:$0x3] =	sbarrier.arrive $0xFFFF  }
0x124: {  	_ =	shalt  }

</sc_bundles>
